<compile_context>
chip_gen: v7x
topology: tpu7x:2x2x1
jax: 0.10.2.dev20260603
libtpu: 0.0.44.dev20260713+nightly
codegen_flags: <defaults>
</compile_context>

<pallas_src>
import dataclasses
import functools

import jax
import jax.numpy as jnp
from jax import lax
from jax.experimental import pallas as pl
from jax.experimental.pallas import tpu as pltpu
from jax.experimental.pallas import tpu_sc as plsc

N = 10000
NS = 32
DIN = 128
DOUT = 128
ALPHA = 0.2

NTILES = 32
NPAD = 10240
NODES_PER_TILE = NPAD // NTILES
PHASES = 2
NODES_PER_PHASE = NODES_PER_TILE // PHASES
CHUNK = 4
ROWS_PER_CHUNK = CHUNK * NS
NCHUNKS = NODES_PER_PHASE // CHUNK

_f32 = jnp.float32
_i32 = jnp.int32



def _tc_body(x_ref, w_ref, ap_ref, h_ref, e12_ref, eluh_ref):
    h = jnp.dot(x_ref[...], w_ref[...], preferred_element_type=_f32)
    e12 = jnp.dot(h, ap_ref[...], preferred_element_type=_f32)
    h_ref[...] = h
    e12_ref[...] = e12
    eluh_ref[...] = jnp.where(h > 0, h, jnp.exp(h) - 1.0)


def _tc_stage(x, w, ap):
    bm = 2000
    grid = (N // bm,)
    return pl.pallas_call(
        _tc_body,
        grid=grid,
        in_specs=[
            pl.BlockSpec((bm, DIN), lambda i: (i, 0)),
            pl.BlockSpec((DIN, DOUT), lambda i: (0, 0)),
            pl.BlockSpec((DOUT, 16), lambda i: (0, 0)),
        ],
        out_specs=[
            pl.BlockSpec((bm, DOUT), lambda i: (i, 0)),
            pl.BlockSpec((bm, 16), lambda i: (i, 0)),
            pl.BlockSpec((bm, DOUT), lambda i: (i, 0)),
        ],
        out_shape=[
            jax.ShapeDtypeStruct((N, DOUT), _f32),
            jax.ShapeDtypeStruct((N, 16), _f32),
            jax.ShapeDtypeStruct((N, DOUT), _f32),
        ],
    )(x, w, ap)



def _splat_i32(v):
    return jnp.full((16,), v, dtype=_i32)


def _sc_compute_chunk(rows, idx_v, e1_v, e2_v, watt, outb, chunk, phase, b):
    for l in range(CHUNK):
        nip = chunk * CHUNK + l
        nb0 = idx_v[pl.ds(nip * NS, 16)]
        nb1 = idx_v[pl.ds(nip * NS + 16, 16)]
        ev0 = plsc.load_gather(e2_v, [nb0])
        ev1 = plsc.load_gather(e2_v, [nb1])
        e1s = plsc.load_gather(e1_v,
                               [_splat_i32(phase * NODES_PER_PHASE + nip)])
        z0 = e1s + ev0
        z1 = e1s + ev1
        z0 = jnp.maximum(z0, ALPHA * z0)
        z1 = jnp.maximum(z1, ALPHA * z1)
        w0 = jnp.exp(z0)
        w1 = jnp.exp(z1)
        den = jnp.sum(w0 + w1)
        watt[pl.ds(0, 16)] = w0
        watt[pl.ds(16, 16)] = w1
        den_v = jnp.full((16,), den, dtype=_f32)

        def body(s, acc):
            ws = plsc.load_gather(watt, [_splat_i32(s)])
            r = l * NS + s
            return tuple(
                acc[c] + ws * rows[r, pl.ds(c * 16, 16)] for c in range(8)
            )

        acc = lax.fori_loop(
            0, NS, body, tuple(jnp.zeros((16,), _f32) for _ in range(8))
        )
        for c in range(8):
            hp = acc[c] / den_v
            res = jnp.where(hp > 0, hp, jnp.exp(hp) - 1.0)
            outb[b * CHUNK + l, pl.ds(DOUT + c * 16, 16)] = res


def _sc_stage(h, eluh, neibs_flat, e1f, e2f):
    mesh = plsc.VectorSubcoreMesh(core_axis_name="c", subcore_axis_name="s")
    cp = pltpu.CompilerParams()
    if "needs_layout_passes" in pltpu.CompilerParams.__dataclass_fields__:
        cp = dataclasses.replace(cp, needs_layout_passes=False)

    @functools.partial(
        pl.kernel,
        mesh=mesh,
        compiler_params=cp,
        out_type=jax.ShapeDtypeStruct((N, 2 * DOUT), _f32),
        scratch_types=[
            pltpu.VMEM((NODES_PER_PHASE * NS,), _i32),
            pltpu.VMEM((NODES_PER_TILE,), _f32),
            pltpu.VMEM((NPAD,), _f32),
            pltpu.VMEM((ROWS_PER_CHUNK, DOUT), _f32),
            pltpu.VMEM((ROWS_PER_CHUNK, DOUT), _f32),
            pltpu.VMEM((NS,), _f32),
            pltpu.VMEM((2 * CHUNK, 2 * DOUT), _f32),
            pltpu.VMEM_SHARED((N, DOUT), _f32),
            pltpu.SemaphoreType.DMA,
            pltpu.SemaphoreType.DMA,
            pltpu.SemaphoreType.DMA,
        ],
    )
    def sck(h_hbm, eluh_hbm, nb_hbm, e1_hbm, e2_hbm, out_hbm,
            idx_v, e1_v, e2_v, rows0, rows1, watt, outb, h_sh,
            semg0, semg1, semelu):
        sid = lax.axis_index("s")
        cid = lax.axis_index("c")
        wid = sid * 2 + cid
        nbase = wid * NODES_PER_TILE
        pltpu.sync_copy(h_hbm.at[pl.ds(sid * 624, 624)],
                        h_sh.at[pl.ds(sid * 624, 624)])

        @pl.when(sid == 0)
        def _():
            pltpu.sync_copy(h_hbm.at[pl.ds(9984, N - 9984)],
                            h_sh.at[pl.ds(9984, N - 9984)])

        pltpu.sync_copy(e1_hbm.at[pl.ds(nbase, NODES_PER_TILE)], e1_v)
        pltpu.sync_copy(e2_hbm, e2_v)
        plsc.subcore_barrier()

        bufs = (rows0, rows1)
        sems = (semg0, semg1)

        def gather(phase, chunk, buf, sem):
            return pltpu.make_async_copy(
                h_sh.at[idx_v.at[pl.ds(chunk * ROWS_PER_CHUNK,
                                       ROWS_PER_CHUNK)]],
                buf, sem)

        @pl.loop(0, PHASES)
        def _(p):
            pltpu.sync_copy(
                nb_hbm.at[pl.ds((nbase + p * NODES_PER_PHASE) * NS,
                                NODES_PER_PHASE * NS)],
                idx_v)
            gather(p, 0, rows0, semg0).start()

            @pl.loop(0, NCHUNKS, step=2)
            def _(t):
                row0 = nbase + p * NODES_PER_PHASE + t * CHUNK
                valid = row0 + 2 * CHUNK <= N
                elu_cp = pltpu.make_async_copy(
                    eluh_hbm.at[pl.ds(row0, 2 * CHUNK)],
                    outb.at[:, pl.ds(0, DOUT)], semelu)

                @pl.when(valid)
                def _():
                    elu_cp.start()

                for b in range(2):
                    chunk = t + b
                    gather(p, chunk, bufs[b], sems[b]).wait()

                    @pl.when(chunk + 1 < NCHUNKS)
                    def _():
                        gather(p, chunk + 1, bufs[1 - b], sems[1 - b]).start()

                    _sc_compute_chunk(bufs[b], idx_v, e1_v, e2_v, watt,
                                      outb, chunk, p, b)
                @pl.when(valid)
                def _():
                    elu_cp.wait()
                    pltpu.sync_copy(outb,
                                    out_hbm.at[pl.ds(row0, 2 * CHUNK)])

    return sck(h, eluh, neibs_flat, e1f, e2f)



def kernel(x, neibs, W, a):
    ap = jnp.zeros((DOUT, 16), _f32)
    ap = ap.at[:, 0].set(a[:DOUT, 0]).at[:, 1].set(a[DOUT:, 0])
    h, e12, eluh = _tc_stage(x, W, ap)

    nb = jnp.pad(neibs.astype(_i32), ((0, NPAD - N), (0, 0)))
    neibs_flat = nb.reshape(NPAD * NS)
    e1f = jnp.pad(e12[:, 0], (0, NPAD - N))
    e2f = jnp.pad(e12[:, 1], (0, NPAD - N))

    return _sc_stage(h, eluh, neibs_flat, e1f, e2f)

# --- scband reference (transcript-rebuilt; emitter-appended) ---
"""Pipeline reference for scband-attention-aggregator-18923625906526 (READ-ONLY COPY).

The authoritative reference and input builder live on the scoring server;
editing this copy changes nothing except your own understanding.
"""

import jax, jax.numpy as jnp
import numpy as np

N = 10000
NS = 32
DIN = 128
DOUT = 128
ALPHA = 0.2
DROPOUT = 0.0
CONCAT = True


def _xavier_uniform(key, shape, gain):
    fan_in, fan_out = shape[0], shape[1]
    bound = gain * np.sqrt(6.0 / (fan_in + fan_out))
    return jax.random.uniform(key, shape, minval=-bound, maxval=bound, dtype=jnp.float32)


def setup_inputs(seed: int = 0) -> dict:
    key = jax.random.key(seed)
    k1, k2, k3, k4 = jax.random.split(key, 4)
    x = jax.random.normal(k1, (N, DIN), dtype=jnp.float32)
    neibs = jax.random.randint(k2, (N, NS), 0, N, dtype=jnp.int32)
    W = _xavier_uniform(k3, (DIN, DOUT), gain=1.414)
    a = _xavier_uniform(k4, (2 * DOUT, 1), gain=1.414)
    return {"x": x, "neibs": neibs, "W": W, "a": a}


def reference(x, neibs, W, a):
    n = x.shape[0]
    n_sample = neibs.shape[1]
    h = x @ W  # [N, DOUT]
    h_nb = jnp.take(h, neibs, axis=0)  # [N, NS, DOUT] gather
    h_self = jnp.broadcast_to(h[:, None, :], (n, n_sample, DOUT))
    a_input = jnp.concatenate([h_self, h_nb], axis=2)  # [N, NS, 2*DOUT]
    e = jnp.squeeze(a_input @ a, axis=2)  # [N, NS]
    e = jnp.where(e > 0, e, ALPHA * e)  # LeakyReLU
    attention = jax.nn.softmax(e, axis=1)
    # dropout p=0.0 -> identity
    h_prime = jnp.einsum("ns,nsd->nd", attention, h_nb)
    if CONCAT:
        output = jnp.concatenate([h, h_prime], axis=1)
    else:
        output = h + h_prime
    return jax.nn.elu(output)

if __name__ == "__main__":
    import jax
    _d = setup_inputs()
    print(jax.jit(kernel)(*tuple(_d.values())))

</pallas_src>

<mosaic_0001>
#map = affine_map<(d0, d1) -> (0, 0)>
#map1 = affine_map<(d0, d1) -> (0)>
module attributes {stable_mosaic.version = 14 : i64} {
  func.func @sck(%arg0: i32, %arg1: i32, %arg2: memref<10000x128xf32, #tpu.memory_space<hbm>>, %arg3: memref<10000x128xf32, #tpu.memory_space<hbm>>, %arg4: memref<327680xi32, #tpu.memory_space<hbm>>, %arg5: memref<10240xf32, #tpu.memory_space<hbm>>, %arg6: memref<10240xf32, #tpu.memory_space<hbm>>, %arg7: memref<10000x256xf32, #tpu.memory_space<hbm>>, %arg8: memref<5120xi32, #tpu.memory_space<vmem>>, %arg9: memref<320xf32, #tpu.memory_space<vmem>>, %arg10: memref<10240xf32, #tpu.memory_space<vmem>>, %arg11: memref<128x128xf32, #tpu.memory_space<vmem>>, %arg12: memref<128x128xf32, #tpu.memory_space<vmem>>, %arg13: memref<32xf32, #tpu.memory_space<vmem>>, %arg14: memref<8x256xf32, #tpu.memory_space<vmem>>, %arg15: memref<10000x128xf32, #tpu.memory_space<vmem_shared>>, %arg16: memref<!tpu.dma_semaphore, #tpu.memory_space<semaphore_mem>>, %arg17: memref<!tpu.dma_semaphore, #tpu.memory_space<semaphore_mem>>, %arg18: memref<!tpu.dma_semaphore, #tpu.memory_space<semaphore_mem>>) attributes {dimension_semantics = [#tpu.dimension_semantics<core_parallel>, #tpu.dimension_semantics<subcore_parallel>], iteration_bounds = array<i64: 2, 16>, scalar_prefetch = 0 : i64, scratch_operands = 11 : i64, tpu.core_type = #tpu.core_type<sc_vector_subcore>, window_params = [{transform_indices = #map}, {transform_indices = #map}, {transform_indices = #map1}, {transform_indices = #map1}, {transform_indices = #map1}, {transform_indices = #map}]} {
    %mul3A = arith.constant 2 : i32
    %mul3A_0 = arith.muli %arg1, %mul3A : i32
    %add3A = arith.addi %mul3A_0, %arg0 : i32
    %mul3A_1 = arith.constant 320 : i32
    %mul3A_2 = arith.muli %add3A, %mul3A_1 : i32
    %mul3A_3 = arith.constant 624 : i32
    %mul3A_4 = arith.muli %arg1, %mul3A_3 : i32
    %mul3A_5 = arith.constant 624 : i32
    %mul3A_6 = arith.muli %arg1, %mul3A_5 : i32
    "tpu.region"() ({
      %run_scoped3A = tpu.sem_alloc : memref<!tpu.dma_semaphore, #tpu.memory_space<semaphore_mem>>
      %dma_start3A = arith.constant 0 : i32
      %dma_start3A_13 = tpu.memref_slice %arg15[%mul3A_6, %dma_start3A] : memref<10000x128xf32, #tpu.memory_space<vmem_shared>> -> memref<624x128xf32, #tpu.memory_space<vmem_shared>>
      %dma_start3A_14 = arith.constant 0 : i32
      %dma_start3A_15 = tpu.memref_slice %arg2[%mul3A_4, %dma_start3A_14] : memref<10000x128xf32, #tpu.memory_space<hbm>> -> memref<624x128xf32, #tpu.memory_space<hbm>>
      tpu.enqueue_dma source(%dma_start3A_15 : memref<624x128xf32, #tpu.memory_space<hbm>>) target(%dma_start3A_13 : memref<624x128xf32, #tpu.memory_space<vmem_shared>>) target_semaphore(%run_scoped3A : memref<!tpu.dma_semaphore, #tpu.memory_space<semaphore_mem>>)
      %dma_wait3A = arith.constant 0 : i32
      %dma_wait3A_16 = tpu.memref_slice %arg15[%mul3A_6, %dma_wait3A] : memref<10000x128xf32, #tpu.memory_space<vmem_shared>> -> memref<624x128xf32, #tpu.memory_space<vmem_shared>>
      %dma_wait3A_17 = arith.constant 0 : i32
      %dma_wait3A_18 = tpu.memref_slice %arg2[%mul3A_4, %dma_wait3A_17] : memref<10000x128xf32, #tpu.memory_space<hbm>> -> memref<624x128xf32, #tpu.memory_space<hbm>>
      tpu.wait_dma2 semaphore(%run_scoped3A : memref<!tpu.dma_semaphore, #tpu.memory_space<semaphore_mem>>) src(%dma_wait3A_18 : memref<624x128xf32, #tpu.memory_space<hbm>>) dst(%dma_wait3A_16 : memref<624x128xf32, #tpu.memory_space<vmem_shared>>)
      tpu.yield
    }) : () -> ()
    %eq3A = arith.constant 0 : i32
    %eq3A_7 = arith.cmpi eq, %arg1, %eq3A : i32
    %convert_element_type3A = arith.extui %eq3A_7 : i1 to i32
    %cond3A = arith.constant 0 : i32
    %cond3A_8 = arith.cmpi ne, %convert_element_type3A, %cond3A : i32
    scf.if %cond3A_8 {
      "tpu.region"() ({
        %run_scoped3A = tpu.sem_alloc : memref<!tpu.dma_semaphore, #tpu.memory_space<semaphore_mem>>
        %dma_start3A = arith.constant 9984 : i32
        %dma_start3A_13 = arith.constant 0 : i32
        %dma_start3A_14 = tpu.memref_slice %arg15[%dma_start3A, %dma_start3A_13] : memref<10000x128xf32, #tpu.memory_space<vmem_shared>> -> memref<16x128xf32, #tpu.memory_space<vmem_shared>>
        %dma_start3A_15 = arith.constant 9984 : i32
        %dma_start3A_16 = arith.constant 0 : i32
        %dma_start3A_17 = tpu.memref_slice %arg2[%dma_start3A_15, %dma_start3A_16] : memref<10000x128xf32, #tpu.memory_space<hbm>> -> memref<16x128xf32, #tpu.memory_space<hbm>>
        tpu.enqueue_dma source(%dma_start3A_17 : memref<16x128xf32, #tpu.memory_space<hbm>>) target(%dma_start3A_14 : memref<16x128xf32, #tpu.memory_space<vmem_shared>>) target_semaphore(%run_scoped3A : memref<!tpu.dma_semaphore, #tpu.memory_space<semaphore_mem>>)
        %dma_wait3A = arith.constant 9984 : i32
        %dma_wait3A_18 = arith.constant 0 : i32
        %dma_wait3A_19 = tpu.memref_slice %arg15[%dma_wait3A, %dma_wait3A_18] : memref<10000x128xf32, #tpu.memory_space<vmem_shared>> -> memref<16x128xf32, #tpu.memory_space<vmem_shared>>
        %dma_wait3A_20 = arith.constant 9984 : i32
        %dma_wait3A_21 = arith.constant 0 : i32
        %dma_wait3A_22 = tpu.memref_slice %arg2[%dma_wait3A_20, %dma_wait3A_21] : memref<10000x128xf32, #tpu.memory_space<hbm>> -> memref<16x128xf32, #tpu.memory_space<hbm>>
        tpu.wait_dma2 semaphore(%run_scoped3A : memref<!tpu.dma_semaphore, #tpu.memory_space<semaphore_mem>>) src(%dma_wait3A_22 : memref<16x128xf32, #tpu.memory_space<hbm>>) dst(%dma_wait3A_19 : memref<16x128xf32, #tpu.memory_space<vmem_shared>>)
        tpu.yield
      }) : () -> ()
    } else {
    }
    "tpu.region"() ({
      %run_scoped3A = tpu.sem_alloc : memref<!tpu.dma_semaphore, #tpu.memory_space<semaphore_mem>>
      %dma_start3A = tpu.memref_slice %arg5[%mul3A_2] : memref<10240xf32, #tpu.memory_space<hbm>> -> memref<320xf32, #tpu.memory_space<hbm>>
      %dma_start3A_13 = tpu.memref_slice %arg5[%mul3A_2] : memref<10240xf32, #tpu.memory_space<hbm>> -> memref<320xf32, #tpu.memory_space<hbm>>
      tpu.enqueue_dma source(%dma_start3A_13 : memref<320xf32, #tpu.memory_space<hbm>>) target(%arg9 : memref<320xf32, #tpu.memory_space<vmem>>) target_semaphore(%run_scoped3A : memref<!tpu.dma_semaphore, #tpu.memory_space<semaphore_mem>>)
      %dma_wait3A = tpu.memref_slice %arg5[%mul3A_2] : memref<10240xf32, #tpu.memory_space<hbm>> -> memref<320xf32, #tpu.memory_space<hbm>>
      %dma_wait3A_14 = tpu.memref_slice %arg5[%mul3A_2] : memref<10240xf32, #tpu.memory_space<hbm>> -> memref<320xf32, #tpu.memory_space<hbm>>
      tpu.wait_dma2 semaphore(%run_scoped3A : memref<!tpu.dma_semaphore, #tpu.memory_space<semaphore_mem>>) src(%dma_wait3A_14 : memref<320xf32, #tpu.memory_space<hbm>>) dst(%arg9 : memref<320xf32, #tpu.memory_space<vmem>>)
      tpu.yield
    }) : () -> ()
    "tpu.region"() ({
      %run_scoped3A = tpu.sem_alloc : memref<!tpu.dma_semaphore, #tpu.memory_space<semaphore_mem>>
      tpu.enqueue_dma source(%arg6 : memref<10240xf32, #tpu.memory_space<hbm>>) target(%arg10 : memref<10240xf32, #tpu.memory_space<vmem>>) target_semaphore(%run_scoped3A : memref<!tpu.dma_semaphore, #tpu.memory_space<semaphore_mem>>)
      tpu.wait_dma2 semaphore(%run_scoped3A : memref<!tpu.dma_semaphore, #tpu.memory_space<semaphore_mem>>) src(%arg6 : memref<10240xf32, #tpu.memory_space<hbm>>) dst(%arg10 : memref<10240xf32, #tpu.memory_space<vmem>>)
      tpu.yield
    }) : () -> ()
    %barrier3A = arith.constant 0 : index
    tpu.barrier barrier_id(%barrier3A)
    %scan3A = arith.constant 0 : i32
    %scan3A_9 = arith.constant 2 : i32
    %scan3A_10 = arith.addi %scan3A, %scan3A_9 : i32
    %scan3A_11 = arith.constant 1 : i32
    scf.for %scan3A_13 = %scan3A to %scan3A_10 step %scan3A_11  : i32 {
      %mul3A_14 = arith.constant 1 : i32
      %mul3A_15 = arith.muli %scan3A_13, %mul3A_14 : i32
      %add3A_16 = arith.constant 0 : i32
      %add3A_17 = arith.addi %add3A_16, %mul3A_15 : i32
      %mul3A_18 = arith.constant 160 : i32
      %mul3A_19 = arith.muli %add3A_17, %mul3A_18 : i32
      %add3A_20 = arith.addi %mul3A_2, %mul3A_19 : i32
      %mul3A_21 = arith.constant 32 : i32
      %mul3A_22 = arith.muli %add3A_20, %mul3A_21 : i32
      "tpu.region"() ({
        %run_scoped3A = tpu.sem_alloc : memref<!tpu.dma_semaphore, #tpu.memory_space<semaphore_mem>>
        %dma_start3A_32 = tpu.memref_slice %arg4[%mul3A_22] : memref<327680xi32, #tpu.memory_space<hbm>> -> memref<5120xi32, #tpu.memory_space<hbm>>
        %dma_start3A_33 = tpu.memref_slice %arg4[%mul3A_22] : memref<327680xi32, #tpu.memory_space<hbm>> -> memref<5120xi32, #tpu.memory_space<hbm>>
        tpu.enqueue_dma source(%dma_start3A_33 : memref<5120xi32, #tpu.memory_space<hbm>>) target(%arg8 : memref<5120xi32, #tpu.memory_space<vmem>>) target_semaphore(%run_scoped3A : memref<!tpu.dma_semaphore, #tpu.memory_space<semaphore_mem>>)
        %dma_wait3A = tpu.memref_slice %arg4[%mul3A_22] : memref<327680xi32, #tpu.memory_space<hbm>> -> memref<5120xi32, #tpu.memory_space<hbm>>
        %dma_wait3A_34 = tpu.memref_slice %arg4[%mul3A_22] : memref<327680xi32, #tpu.memory_space<hbm>> -> memref<5120xi32, #tpu.memory_space<hbm>>
        tpu.wait_dma2 semaphore(%run_scoped3A : memref<!tpu.dma_semaphore, #tpu.memory_space<semaphore_mem>>) src(%dma_wait3A_34 : memref<5120xi32, #tpu.memory_space<hbm>>) dst(%arg8 : memref<5120xi32, #tpu.memory_space<vmem>>)
        tpu.yield
      }) : () -> ()
      %dma_start3A = arith.constant 0 : i32
      %dma_start3A_23 = tpu.memref_slice %arg8[%dma_start3A] : memref<5120xi32, #tpu.memory_space<vmem>> -> memref<128xi32, #tpu.memory_space<vmem>>
      %dma_start3A_24 = arith.constant 0 : i32
      %dma_start3A_25 = arith.constant 0 : i32
      %dma_start3A_26 = tpu.memref_slice %arg15[%dma_start3A_24, %dma_start3A_25] : memref<10000x128xf32, #tpu.memory_space<vmem_shared>> -> memref<10000x128xf32, #tpu.memory_space<vmem_shared>>
      tpu.enqueue_indirect_dma source(%dma_start3A_26 : memref<10000x128xf32, #tpu.memory_space<vmem_shared>>) target(%arg11 : memref<128x128xf32, #tpu.memory_space<vmem>>) offsets(%dma_start3A_23 : memref<128xi32, #tpu.memory_space<vmem>>) semaphore(%arg16 : memref<!tpu.dma_semaphore, #tpu.memory_space<semaphore_mem>>)
      %scan3A_27 = arith.constant 0 : i32
      %scan3A_28 = arith.constant 20 : i32
      %scan3A_29 = arith.addi %scan3A_27, %scan3A_28 : i32
      %scan3A_30 = arith.constant 1 : i32
      scf.for %scan3A_32 = %scan3A_27 to %scan3A_29 step %scan3A_30  : i32 {
        %mul3A_33 = arith.constant 2 : i32
        %mul3A_34 = arith.muli %scan3A_32, %mul3A_33 : i32
        %add3A_35 = arith.constant 0 : i32
        %add3A_36 = arith.addi %add3A_35, %mul3A_34 : i32
        %mul3A_37 = arith.constant 160 : i32
        %mul3A_38 = arith.muli %add3A_17, %mul3A_37 : i32
        %add3A_39 = arith.addi %mul3A_2, %mul3A_38 : i32
        %mul3A_40 = arith.constant 4 : i32
        %mul3A_41 = arith.muli %add3A_36, %mul3A_40 : i32
        %add3A_42 = arith.addi %add3A_39, %mul3A_41 : i32
        %add3A_43 = arith.constant 8 : i32
        %add3A_44 = arith.addi %add3A_42, %add3A_43 : i32
        %le3A = arith.constant 10000 : i32
        %le3A_45 = arith.cmpi sle, %add3A_44, %le3A : i32
        %convert_element_type3A_46 = arith.extui %le3A_45 : i1 to i32
        %cond3A_47 = arith.constant 0 : i32
        %cond3A_48 = arith.cmpi ne, %convert_element_type3A_46, %cond3A_47 : i32
        scf.if %cond3A_48 {
          %dma_start3A_1421 = arith.constant 0 : i32
          %dma_start3A_1422 = arith.constant 0 : i32
          %dma_start3A_1423 = tpu.memref_slice %arg14[%dma_start3A_1421, %dma_start3A_1422] : memref<8x256xf32, #tpu.memory_space<vmem>> -> memref<8x128xf32, #tpu.memory_space<vmem>>
          %dma_start3A_1424 = arith.constant 0 : i32
          %dma_start3A_1425 = tpu.memref_slice %arg3[%add3A_42, %dma_start3A_1424] : memref<10000x128xf32, #tpu.memory_space<hbm>> -> memref<8x128xf32, #tpu.memory_space<hbm>>
          %dma_start3A_1426 = arith.constant 0 : i32
          %dma_start3A_1427 = arith.constant 0 : i32
          %dma_start3A_1428 = tpu.memref_slice %arg14[%dma_start3A_1426, %dma_start3A_1427] : memref<8x256xf32, #tpu.memory_space<vmem>> -> memref<8x128xf32, #tpu.memory_space<vmem>>
          %dma_start3A_1429 = arith.constant 0 : i32
          %dma_start3A_1430 = tpu.memref_slice %arg3[%add3A_42, %dma_start3A_1429] : memref<10000x128xf32, #tpu.memory_space<hbm>> -> memref<8x128xf32, #tpu.memory_space<hbm>>
          tpu.enqueue_dma source(%dma_start3A_1430 : memref<8x128xf32, #tpu.memory_space<hbm>>) target(%dma_start3A_1428 : memref<8x128xf32, #tpu.memory_space<vmem>>) target_semaphore(%arg18 : memref<!tpu.dma_semaphore, #tpu.memory_space<semaphore_mem>>)
        } else {
        }
        %add3A_49 = arith.constant 0 : i32
        %add3A_50 = arith.addi %add3A_36, %add3A_49 : i32
        %mul3A_51 = arith.constant 128 : i32
        %mul3A_52 = arith.muli %add3A_50, %mul3A_51 : i32
        %dma_wait3A = tpu.memref_slice %arg8[%mul3A_52] : memref<5120xi32, #tpu.memory_space<vmem>> -> memref<128xi32, #tpu.memory_space<vmem>>
        %dma_wait3A_53 = arith.constant 0 : i32
        %dma_wait3A_54 = arith.constant 0 : i32
        %dma_wait3A_55 = tpu.memref_slice %arg15[%dma_wait3A_53, %dma_wait3A_54] : memref<10000x128xf32, #tpu.memory_space<vmem_shared>> -> memref<10000x128xf32, #tpu.memory_space<vmem_shared>>
        tpu.wait_indirect_dma semaphore(%arg16 : memref<!tpu.dma_semaphore, #tpu.memory_space<semaphore_mem>>) src(%dma_wait3A_55 : memref<10000x128xf32, #tpu.memory_space<vmem_shared>>) dst(%arg11 : memref<128x128xf32, #tpu.memory_space<vmem>>)
        %add3A_56 = arith.constant 1 : i32
        %add3A_57 = arith.addi %add3A_50, %add3A_56 : i32
        %lt3A = arith.constant 40 : i32
        %lt3A_58 = arith.cmpi slt, %add3A_57, %lt3A : i32
        %convert_element_type3A_59 = arith.extui %lt3A_58 : i1 to i32
        %cond3A_60 = arith.constant 0 : i32
        %cond3A_61 = arith.cmpi ne, %convert_element_type3A_59, %cond3A_60 : i32
        scf.if %cond3A_61 {
          %add3A_1421 = arith.constant 1 : i32
          %add3A_1422 = arith.addi %add3A_50, %add3A_1421 : i32
          %mul3A_1423 = arith.constant 128 : i32
          %mul3A_1424 = arith.muli %add3A_1422, %mul3A_1423 : i32
          %dma_start3A_1425 = tpu.memref_slice %arg8[%mul3A_1424] : memref<5120xi32, #tpu.memory_space<vmem>> -> memref<128xi32, #tpu.memory_space<vmem>>
          %dma_start3A_1426 = arith.constant 0 : i32
          %dma_start3A_1427 = arith.constant 0 : i32
          %dma_start3A_1428 = tpu.memref_slice %arg15[%dma_start3A_1426, %dma_start3A_1427] : memref<10000x128xf32, #tpu.memory_space<vmem_shared>> -> memref<10000x128xf32, #tpu.memory_space<vmem_shared>>
          tpu.enqueue_indirect_dma source(%dma_start3A_1428 : memref<10000x128xf32, #tpu.memory_space<vmem_shared>>) target(%arg12 : memref<128x128xf32, #tpu.memory_space<vmem>>) offsets(%dma_start3A_1425 : memref<128xi32, #tpu.memory_space<vmem>>) semaphore(%arg17 : memref<!tpu.dma_semaphore, #tpu.memory_space<semaphore_mem>>)
        } else {
        }
        %mul3A_62 = arith.constant 4 : i32
        %mul3A_63 = arith.muli %add3A_50, %mul3A_62 : i32
        %add3A_64 = arith.constant 0 : i32
        %add3A_65 = arith.addi %mul3A_63, %add3A_64 : i32
        %mul3A_66 = arith.constant 32 : i32
        %mul3A_67 = arith.muli %add3A_65, %mul3A_66 : i32
        %get3A = arith.index_cast %mul3A_67 : i32 to index
        %get3A_68 = tpu.vector_load %arg8[%get3A] {strides = array<i32>} : memref<5120xi32, #tpu.memory_space<vmem>>, vector<16xi32>,
        %mul3A_69 = arith.constant 32 : i32
        %mul3A_70 = arith.muli %add3A_65, %mul3A_69 : i32
        %add3A_71 = arith.constant 16 : i32
        %add3A_72 = arith.addi %mul3A_70, %add3A_71 : i32
        %get3A_73 = arith.index_cast %add3A_72 : i32 to index
        %get3A_74 = tpu.vector_load %arg8[%get3A_73] {strides = array<i32>} : memref<5120xi32, #tpu.memory_space<vmem>>, vector<16xi32>,
        %gather3A = tpu.vector_load_idx %arg10[%get3A_68] : memref<10240xf32, #tpu.memory_space<vmem>>[vector<16xi32>], vector<16xf32>,
        %gather3A_75 = tpu.vector_load_idx %arg10[%get3A_74] : memref<10240xf32, #tpu.memory_space<vmem>>[vector<16xi32>], vector<16xf32>,
        %mul3A_76 = arith.constant 160 : i32
        %mul3A_77 = arith.muli %add3A_17, %mul3A_76 : i32
        %add3A_78 = arith.addi %mul3A_77, %add3A_65 : i32
        %broadcast_in_dim3A = vector.broadcast %add3A_78 : i32 to vector<16xi32>
        %gather3A_79 = tpu.vector_load_idx %arg9[%broadcast_in_dim3A] : memref<320xf32, #tpu.memory_space<vmem>>[vector<16xi32>], vector<16xf32>,
        %add3A_80 = arith.addf %gather3A_79, %gather3A : vector<16xf32>
        %add3A_81 = arith.addf %gather3A_79, %gather3A_75 : vector<16xf32>
        %mul3A_82 = arith.constant 2.000000e-01 : f32
        %mul3A_83 = vector.broadcast %mul3A_82 : f32 to vector<16xf32>
        %mul3A_84 = arith.mulf %mul3A_83, %add3A_80 : vector<16xf32>
        %max3A = arith.maximumf %add3A_80, %mul3A_84 : vector<16xf32>
        %mul3A_85 = arith.constant 2.000000e-01 : f32
        %mul3A_86 = vector.broadcast %mul3A_85 : f32 to vector<16xf32>
        %mul3A_87 = arith.mulf %mul3A_86, %add3A_81 : vector<16xf32>
        %max3A_88 = arith.maximumf %add3A_81, %mul3A_87 : vector<16xf32>
        %exp3A = math.exp %max3A : vector<16xf32>
        %exp3A_89 = math.exp %max3A_88 : vector<16xf32>
        %add3A_90 = arith.addf %exp3A, %exp3A_89 : vector<16xf32>
        %reduce_sum3A = arith.constant true
        %reduce_sum3A_91 = vector.broadcast %reduce_sum3A : i1 to vector<16xi1>
        %reduce_sum3A_92 = tpu.scan <sum>, %add3A_90 masked %reduce_sum3A_91 : vector<16xf32>, vector<16xi1> -> vector<16xf32>
        %reduce_sum3A_93 = vector.extract %reduce_sum3A_92[15] : f32 from vector<16xf32>
        %swap3A = arith.constant 0 : index
        %swap3A_94 = tpu.vector_load %arg13[%swap3A] {strides = array<i32>} : memref<32xf32, #tpu.memory_space<vmem>>, vector<16xf32>,
        tpu.vector_store %arg13[%swap3A], %exp3A {strides = array<i32>} : memref<32xf32, #tpu.memory_space<vmem>>, vector<16xf32>,
        %swap3A_95 = arith.constant 16 : index
        %swap3A_96 = tpu.vector_load %arg13[%swap3A_95] {strides = array<i32>} : memref<32xf32, #tpu.memory_space<vmem>>, vector<16xf32>,
        tpu.vector_store %arg13[%swap3A_95], %exp3A_89 {strides = array<i32>} : memref<32xf32, #tpu.memory_space<vmem>>, vector<16xf32>,
        %broadcast_in_dim3A_97 = vector.broadcast %reduce_sum3A_93 : f32 to vector<16xf32>
        %broadcast_in_dim3A_98 = arith.constant 0.000000e+00 : f32
        %broadcast_in_dim3A_99 = vector.broadcast %broadcast_in_dim3A_98 : f32 to vector<16xf32>
        %broadcast_in_dim3A_100 = arith.constant 0.000000e+00 : f32
        %broadcast_in_dim3A_101 = vector.broadcast %broadcast_in_dim3A_100 : f32 to vector<16xf32>
        %broadcast_in_dim3A_102 = arith.constant 0.000000e+00 : f32
        %broadcast_in_dim3A_103 = vector.broadcast %broadcast_in_dim3A_102 : f32 to vector<16xf32>
        %broadcast_in_dim3A_104 = arith.constant 0.000000e+00 : f32
        %broadcast_in_dim3A_105 = vector.broadcast %broadcast_in_dim3A_104 : f32 to vector<16xf32>
        %broadcast_in_dim3A_106 = arith.constant 0.000000e+00 : f32
        %broadcast_in_dim3A_107 = vector.broadcast %broadcast_in_dim3A_106 : f32 to vector<16xf32>
        %broadcast_in_dim3A_108 = arith.constant 0.000000e+00 : f32
        %broadcast_in_dim3A_109 = vector.broadcast %broadcast_in_dim3A_108 : f32 to vector<16xf32>
        %broadcast_in_dim3A_110 = arith.constant 0.000000e+00 : f32
        %broadcast_in_dim3A_111 = vector.broadcast %broadcast_in_dim3A_110 : f32 to vector<16xf32>
        %broadcast_in_dim3A_112 = arith.constant 0.000000e+00 : f32
        %broadcast_in_dim3A_113 = vector.broadcast %broadcast_in_dim3A_112 : f32 to vector<16xf32>
        %scan3A_114 = arith.constant 0 : i32
        %scan3A_115 = arith.constant 32 : i32
        %scan3A_116 = arith.addi %scan3A_114, %scan3A_115 : i32
        %scan3A_117 = arith.constant 1 : i32
        %scan3A_118:8 = scf.for %scan3A_1421 = %scan3A_114 to %scan3A_116 step %scan3A_117 iter_args(%scan3A_1422 = %broadcast_in_dim3A_99, %scan3A_1423 = %broadcast_in_dim3A_101, %scan3A_1424 = %broadcast_in_dim3A_103, %scan3A_1425 = %broadcast_in_dim3A_105, %scan3A_1426 = %broadcast_in_dim3A_107, %scan3A_1427 = %broadcast_in_dim3A_109, %scan3A_1428 = %broadcast_in_dim3A_111, %scan3A_1429 = %broadcast_in_dim3A_113) -> (vector<16xf32>, vector<16xf32>, vector<16xf32>, vector<16xf32>, vector<16xf32>, vector<16xf32>, vector<16xf32>, vector<16xf32>)  : i32 {
          %broadcast_in_dim3A_1430 = vector.broadcast %scan3A_1421 : i32 to vector<16xi32>
          %gather3A_1431 = tpu.vector_load_idx %arg13[%broadcast_in_dim3A_1430] : memref<32xf32, #tpu.memory_space<vmem>>[vector<16xi32>], vector<16xf32>,
          %add3A_1432 = arith.constant 0 : i32
          %add3A_1433 = arith.addi %add3A_1432, %scan3A_1421 : i32
          %get3A_1434 = arith.index_cast %add3A_1433 : i32 to index
          %get3A_1435 = arith.constant 0 : index
          %get3A_1436 = tpu.vector_load %arg11[%get3A_1434, %get3A_1435] {strides = array<i32>} : memref<128x128xf32, #tpu.memory_space<vmem>>, vector<16xf32>,
          %mul3A_1437 = arith.mulf %gather3A_1431, %get3A_1436 : vector<16xf32>
          %add3A_1438 = arith.addf %scan3A_1422, %mul3A_1437 : vector<16xf32>
          %get3A_1439 = arith.index_cast %add3A_1433 : i32 to index
          %get3A_1440 = arith.constant 16 : index
          %get3A_1441 = tpu.vector_load %arg11[%get3A_1439, %get3A_1440] {strides = array<i32>} : memref<128x128xf32, #tpu.memory_space<vmem>>, vector<16xf32>,
          %mul3A_1442 = arith.mulf %gather3A_1431, %get3A_1441 : vector<16xf32>
          %add3A_1443 = arith.addf %scan3A_1423, %mul3A_1442 : vector<16xf32>
          %get3A_1444 = arith.index_cast %add3A_1433 : i32 to index
          %get3A_1445 = arith.constant 32 : index
          %get3A_1446 = tpu.vector_load %arg11[%get3A_1444, %get3A_1445] {strides = array<i32>} : memref<128x128xf32, #tpu.memory_space<vmem>>, vector<16xf32>,
          %mul3A_1447 = arith.mulf %gather3A_1431, %get3A_1446 : vector<16xf32>
          %add3A_1448 = arith.addf %scan3A_1424, %mul3A_1447 : vector<16xf32>
          %get3A_1449 = arith.index_cast %add3A_1433 : i32 to index
          %get3A_1450 = arith.constant 48 : index
          %get3A_1451 = tpu.vector_load %arg11[%get3A_1449, %get3A_1450] {strides = array<i32>} : memref<128x128xf32, #tpu.memory_space<vmem>>, vector<16xf32>,
          %mul3A_1452 = arith.mulf %gather3A_1431, %get3A_1451 : vector<16xf32>
          %add3A_1453 = arith.addf %scan3A_1425, %mul3A_1452 : vector<16xf32>
          %get3A_1454 = arith.index_cast %add3A_1433 : i32 to index
          %get3A_1455 = arith.constant 64 : index
          %get3A_1456 = tpu.vector_load %arg11[%get3A_1454, %get3A_1455] {strides = array<i32>} : memref<128x128xf32, #tpu.memory_space<vmem>>, vector<16xf32>,
          %mul3A_1457 = arith.mulf %gather3A_1431, %get3A_1456 : vector<16xf32>
          %add3A_1458 = arith.addf %scan3A_1426, %mul3A_1457 : vector<16xf32>
          %get3A_1459 = arith.index_cast %add3A_1433 : i32 to index
          %get3A_1460 = arith.constant 80 : index
          %get3A_1461 = tpu.vector_load %arg11[%get3A_1459, %get3A_1460] {strides = array<i32>} : memref<128x128xf32, #tpu.memory_space<vmem>>, vector<16xf32>,
          %mul3A_1462 = arith.mulf %gather3A_1431, %get3A_1461 : vector<16xf32>
          %add3A_1463 = arith.addf %scan3A_1427, %mul3A_1462 : vector<16xf32>
          %get3A_1464 = arith.index_cast %add3A_1433 : i32 to index
          %get3A_1465 = arith.constant 96 : index
          %get3A_1466 = tpu.vector_load %arg11[%get3A_1464, %get3A_1465] {strides = array<i32>} : memref<128x128xf32, #tpu.memory_space<vmem>>, vector<16xf32>,
          %mul3A_1467 = arith.mulf %gather3A_1431, %get3A_1466 : vector<16xf32>
          %add3A_1468 = arith.addf %scan3A_1428, %mul3A_1467 : vector<16xf32>
          %get3A_1469 = arith.index_cast %add3A_1433 : i32 to index
          %get3A_1470 = arith.constant 112 : index
          %get3A_1471 = tpu.vector_load %arg11[%get3A_1469, %get3A_1470] {strides = array<i32>} : memref<128x128xf32, #tpu.memory_space<vmem>>, vector<16xf32>,
          %mul3A_1472 = arith.mulf %gather3A_1431, %get3A_1471 : vector<16xf32>
          %add3A_1473 = arith.addf %scan3A_1429, %mul3A_1472 : vector<16xf32>
          scf.yield %add3A_1438, %add3A_1443, %add3A_1448, %add3A_1453, %add3A_1458, %add3A_1463, %add3A_1468, %add3A_1473 : vector<16xf32>, vector<16xf32>, vector<16xf32>, vector<16xf32>, vector<16xf32>, vector<16xf32>, vector<16xf32>, vector<16xf32>
        }
        %scan3A_119 = arith.constant 32 : i32
        %div3A = arith.divf %scan3A_118#0, %broadcast_in_dim3A_97 : vector<16xf32>
        %gt3A = arith.constant 0.000000e+00 : f32
        %gt3A_120 = vector.broadcast %gt3A : f32 to vector<16xf32>
        %gt3A_121 = arith.cmpf ogt, %div3A, %gt3A_120 : vector<16xf32>
        %exp3A_122 = math.exp %div3A : vector<16xf32>
        %sub3A = arith.constant 1.000000e+00 : f32
        %sub3A_123 = vector.broadcast %sub3A : f32 to vector<16xf32>
        %sub3A_124 = arith.subf %exp3A_122, %sub3A_123 : vector<16xf32>
        %select_n3A = arith.select %gt3A_121, %div3A, %sub3A_124 : vector<16xi1>, vector<16xf32>
        %swap3A_125 = arith.constant 0 : i32
        %swap3A_126 = arith.index_cast %swap3A_125 : i32 to index
        %swap3A_127 = arith.constant 128 : index
        %swap3A_128 = tpu.vector_load %arg14[%swap3A_126, %swap3A_127] {strides = array<i32>} : memref<8x256xf32, #tpu.memory_space<vmem>>, vector<16xf32>,
        tpu.vector_store %arg14[%swap3A_126, %swap3A_127], %select_n3A {strides = array<i32>} : memref<8x256xf32, #tpu.memory_space<vmem>>, vector<16xf32>,
        %div3A_129 = arith.divf %scan3A_118#1, %broadcast_in_dim3A_97 : vector<16xf32>
        %gt3A_130 = arith.constant 0.000000e+00 : f32
        %gt3A_131 = vector.broadcast %gt3A_130 : f32 to vector<16xf32>
        %gt3A_132 = arith.cmpf ogt, %div3A_129, %gt3A_131 : vector<16xf32>
        %exp3A_133 = math.exp %div3A_129 : vector<16xf32>
        %sub3A_134 = arith.constant 1.000000e+00 : f32
        %sub3A_135 = vector.broadcast %sub3A_134 : f32 to vector<16xf32>
        %sub3A_136 = arith.subf %exp3A_133, %sub3A_135 : vector<16xf32>
        %select_n3A_137 = arith.select %gt3A_132, %div3A_129, %sub3A_136 : vector<16xi1>, vector<16xf32>
        %swap3A_138 = arith.constant 0 : i32
        %swap3A_139 = arith.index_cast %swap3A_138 : i32 to index
        %swap3A_140 = arith.constant 144 : index
        %swap3A_141 = tpu.vector_load %arg14[%swap3A_139, %swap3A_140] {strides = array<i32>} : memref<8x256xf32, #tpu.memory_space<vmem>>, vector<16xf32>,
        tpu.vector_store %arg14[%swap3A_139, %swap3A_140], %select_n3A_137 {strides = array<i32>} : memref<8x256xf32, #tpu.memory_space<vmem>>, vector<16xf32>,
        %div3A_142 = arith.divf %scan3A_118#2, %broadcast_in_dim3A_97 : vector<16xf32>
        %gt3A_143 = arith.constant 0.000000e+00 : f32
        %gt3A_144 = vector.broadcast %gt3A_143 : f32 to vector<16xf32>
        %gt3A_145 = arith.cmpf ogt, %div3A_142, %gt3A_144 : vector<16xf32>
        %exp3A_146 = math.exp %div3A_142 : vector<16xf32>
        %sub3A_147 = arith.constant 1.000000e+00 : f32
        %sub3A_148 = vector.broadcast %sub3A_147 : f32 to vector<16xf32>
        %sub3A_149 = arith.subf %exp3A_146, %sub3A_148 : vector<16xf32>
        %select_n3A_150 = arith.select %gt3A_145, %div3A_142, %sub3A_149 : vector<16xi1>, vector<16xf32>
        %swap3A_151 = arith.constant 0 : i32
        %swap3A_152 = arith.index_cast %swap3A_151 : i32 to index
        %swap3A_153 = arith.constant 160 : index
        %swap3A_154 = tpu.vector_load %arg14[%swap3A_152, %swap3A_153] {strides = array<i32>} : memref<8x256xf32, #tpu.memory_space<vmem>>, vector<16xf32>,
        tpu.vector_store %arg14[%swap3A_152, %swap3A_153], %select_n3A_150 {strides = array<i32>} : memref<8x256xf32, #tpu.memory_space<vmem>>, vector<16xf32>,
        %div3A_155 = arith.divf %scan3A_118#3, %broadcast_in_dim3A_97 : vector<16xf32>
        %gt3A_156 = arith.constant 0.000000e+00 : f32
        %gt3A_157 = vector.broadcast %gt3A_156 : f32 to vector<16xf32>
        %gt3A_158 = arith.cmpf ogt, %div3A_155, %gt3A_157 : vector<16xf32>
        %exp3A_159 = math.exp %div3A_155 : vector<16xf32>
        %sub3A_160 = arith.constant 1.000000e+00 : f32
        %sub3A_161 = vector.broadcast %sub3A_160 : f32 to vector<16xf32>
        %sub3A_162 = arith.subf %exp3A_159, %sub3A_161 : vector<16xf32>
        %select_n3A_163 = arith.select %gt3A_158, %div3A_155, %sub3A_162 : vector<16xi1>, vector<16xf32>
        %swap3A_164 = arith.constant 0 : i32
        %swap3A_165 = arith.index_cast %swap3A_164 : i32 to index
        %swap3A_166 = arith.constant 176 : index
        %swap3A_167 = tpu.vector_load %arg14[%swap3A_165, %swap3A_166] {strides = array<i32>} : memref<8x256xf32, #tpu.memory_space<vmem>>, vector<16xf32>,
        tpu.vector_store %arg14[%swap3A_165, %swap3A_166], %select_n3A_163 {strides = array<i32>} : memref<8x256xf32, #tpu.memory_space<vmem>>, vector<16xf32>,
        %div3A_168 = arith.divf %scan3A_118#4, %broadcast_in_dim3A_97 : vector<16xf32>
        %gt3A_169 = arith.constant 0.000000e+00 : f32
        %gt3A_170 = vector.broadcast %gt3A_169 : f32 to vector<16xf32>
        %gt3A_171 = arith.cmpf ogt, %div3A_168, %gt3A_170 : vector<16xf32>
        %exp3A_172 = math.exp %div3A_168 : vector<16xf32>
        %sub3A_173 = arith.constant 1.000000e+00 : f32
        %sub3A_174 = vector.broadcast %sub3A_173 : f32 to vector<16xf32>
        %sub3A_175 = arith.subf %exp3A_172, %sub3A_174 : vector<16xf32>
        %select_n3A_176 = arith.select %gt3A_171, %div3A_168, %sub3A_175 : vector<16xi1>, vector<16xf32>
        %swap3A_177 = arith.constant 0 : i32
        %swap3A_178 = arith.index_cast %swap3A_177 : i32 to index
        %swap3A_179 = arith.constant 192 : index
        %swap3A_180 = tpu.vector_load %arg14[%swap3A_178, %swap3A_179] {strides = array<i32>} : memref<8x256xf32, #tpu.memory_space<vmem>>, vector<16xf32>,
        tpu.vector_store %arg14[%swap3A_178, %swap3A_179], %select_n3A_176 {strides = array<i32>} : memref<8x256xf32, #tpu.memory_space<vmem>>, vector<16xf32>,
        %div3A_181 = arith.divf %scan3A_118#5, %broadcast_in_dim3A_97 : vector<16xf32>
        %gt3A_182 = arith.constant 0.000000e+00 : f32
        %gt3A_183 = vector.broadcast %gt3A_182 : f32 to vector<16xf32>
        %gt3A_184 = arith.cmpf ogt, %div3A_181, %gt3A_183 : vector<16xf32>
        %exp3A_185 = math.exp %div3A_181 : vector<16xf32>
        %sub3A_186 = arith.constant 1.000000e+00 : f32
        %sub3A_187 = vector.broadcast %sub3A_186 : f32 to vector<16xf32>
        %sub3A_188 = arith.subf %exp3A_185, %sub3A_187 : vector<16xf32>
        %select_n3A_189 = arith.select %gt3A_184, %div3A_181, %sub3A_188 : vector<16xi1>, vector<16xf32>
        %swap3A_190 = arith.constant 0 : i32
        %swap3A_191 = arith.index_cast %swap3A_190 : i32 to index
        %swap3A_192 = arith.constant 208 : index
        %swap3A_193 = tpu.vector_load %arg14[%swap3A_191, %swap3A_192] {strides = array<i32>} : memref<8x256xf32, #tpu.memory_space<vmem>>, vector<16xf32>,
        tpu.vector_store %arg14[%swap3A_191, %swap3A_192], %select_n3A_189 {strides = array<i32>} : memref<8x256xf32, #tpu.memory_space<vmem>>, vector<16xf32>,
        %div3A_194 = arith.divf %scan3A_118#6, %broadcast_in_dim3A_97 : vector<16xf32>
        %gt3A_195 = arith.constant 0.000000e+00 : f32
        %gt3A_196 = vector.broadcast %gt3A_195 : f32 to vector<16xf32>
        %gt3A_197 = arith.cmpf ogt, %div3A_194, %gt3A_196 : vector<16xf32>
        %exp3A_198 = math.exp %div3A_194 : vector<16xf32>
        %sub3A_199 = arith.constant 1.000000e+00 : f32
        %sub3A_200 = vector.broadcast %sub3A_199 : f32 to vector<16xf32>
        %sub3A_201 = arith.subf %exp3A_198, %sub3A_200 : vector<16xf32>
        %select_n3A_202 = arith.select %gt3A_197, %div3A_194, %sub3A_201 : vector<16xi1>, vector<16xf32>
        %swap3A_203 = arith.constant 0 : i32
        %swap3A_204 = arith.index_cast %swap3A_203 : i32 to index
        %swap3A_205 = arith.constant 224 : index
        %swap3A_206 = tpu.vector_load %arg14[%swap3A_204, %swap3A_205] {strides = array<i32>} : memref<8x256xf32, #tpu.memory_space<vmem>>, vector<16xf32>,
        tpu.vector_store %arg14[%swap3A_204, %swap3A_205], %select_n3A_202 {strides = array<i32>} : memref<8x256xf32, #tpu.memory_space<vmem>>, vector<16xf32>,
        %div3A_207 = arith.divf %scan3A_118#7, %broadcast_in_dim3A_97 : vector<16xf32>
        %gt3A_208 = arith.constant 0.000000e+00 : f32
        %gt3A_209 = vector.broadcast %gt3A_208 : f32 to vector<16xf32>
        %gt3A_210 = arith.cmpf ogt, %div3A_207, %gt3A_209 : vector<16xf32>
        %exp3A_211 = math.exp %div3A_207 : vector<16xf32>
        %sub3A_212 = arith.constant 1.000000e+00 : f32
        %sub3A_213 = vector.broadcast %sub3A_212 : f32 to vector<16xf32>
        %sub3A_214 = arith.subf %exp3A_211, %sub3A_213 : vector<16xf32>
        %select_n3A_215 = arith.select %gt3A_210, %div3A_207, %sub3A_214 : vector<16xi1>, vector<16xf32>
        %swap3A_216 = arith.constant 0 : i32
        %swap3A_217 = arith.index_cast %swap3A_216 : i32 to index
        %swap3A_218 = arith.constant 240 : index
        %swap3A_219 = tpu.vector_load %arg14[%swap3A_217, %swap3A_218] {strides = array<i32>} : memref<8x256xf32, #tpu.memory_space<vmem>>, vector<16xf32>,
        tpu.vector_store %arg14[%swap3A_217, %swap3A_218], %select_n3A_215 {strides = array<i32>} : memref<8x256xf32, #tpu.memory_space<vmem>>, vector<16xf32>,
        %mul3A_220 = arith.constant 4 : i32
        %mul3A_221 = arith.muli %add3A_50, %mul3A_220 : i32
        %add3A_222 = arith.constant 1 : i32
        %add3A_223 = arith.addi %mul3A_221, %add3A_222 : i32
        %mul3A_224 = arith.constant 32 : i32
        %mul3A_225 = arith.muli %add3A_223, %mul3A_224 : i32
        %get3A_226 = arith.index_cast %mul3A_225 : i32 to index
        %get3A_227 = tpu.vector_load %arg8[%get3A_226] {strides = array<i32>} : memref<5120xi32, #tpu.memory_space<vmem>>, vector<16xi32>,
        %mul3A_228 = arith.constant 32 : i32
        %mul3A_229 = arith.muli %add3A_223, %mul3A_228 : i32
        %add3A_230 = arith.constant 16 : i32
        %add3A_231 = arith.addi %mul3A_229, %add3A_230 : i32
        %get3A_232 = arith.index_cast %add3A_231 : i32 to index
        %get3A_233 = tpu.vector_load %arg8[%get3A_232] {strides = array<i32>} : memref<5120xi32, #tpu.memory_space<vmem>>, vector<16xi32>,
        %gather3A_234 = tpu.vector_load_idx %arg10[%get3A_227] : memref<10240xf32, #tpu.memory_space<vmem>>[vector<16xi32>], vector<16xf32>,
        %gather3A_235 = tpu.vector_load_idx %arg10[%get3A_233] : memref<10240xf32, #tpu.memory_space<vmem>>[vector<16xi32>], vector<16xf32>,
        %mul3A_236 = arith.constant 160 : i32
        %mul3A_237 = arith.muli %add3A_17, %mul3A_236 : i32
        %add3A_238 = arith.addi %mul3A_237, %add3A_223 : i32
        %broadcast_in_dim3A_239 = vector.broadcast %add3A_238 : i32 to vector<16xi32>
        %gather3A_240 = tpu.vector_load_idx %arg9[%broadcast_in_dim3A_239] : memref<320xf32, #tpu.memory_space<vmem>>[vector<16xi32>], vector<16xf32>,
        %add3A_241 = arith.addf %gather3A_240, %gather3A_234 : vector<16xf32>
        %add3A_242 = arith.addf %gather3A_240, %gather3A_235 : vector<16xf32>
        %mul3A_243 = arith.constant 2.000000e-01 : f32
        %mul3A_244 = vector.broadcast %mul3A_243 : f32 to vector<16xf32>
        %mul3A_245 = arith.mulf %mul3A_244, %add3A_241 : vector<16xf32>
        %max3A_246 = arith.maximumf %add3A_241, %mul3A_245 : vector<16xf32>
        %mul3A_247 = arith.constant 2.000000e-01 : f32
        %mul3A_248 = vector.broadcast %mul3A_247 : f32 to vector<16xf32>
        %mul3A_249 = arith.mulf %mul3A_248, %add3A_242 : vector<16xf32>
        %max3A_250 = arith.maximumf %add3A_242, %mul3A_249 : vector<16xf32>
        %exp3A_251 = math.exp %max3A_246 : vector<16xf32>
        %exp3A_252 = math.exp %max3A_250 : vector<16xf32>
        %add3A_253 = arith.addf %exp3A_251, %exp3A_252 : vector<16xf32>
        %reduce_sum3A_254 = arith.constant true
        %reduce_sum3A_255 = vector.broadcast %reduce_sum3A_254 : i1 to vector<16xi1>
        %reduce_sum3A_256 = tpu.scan <sum>, %add3A_253 masked %reduce_sum3A_255 : vector<16xf32>, vector<16xi1> -> vector<16xf32>
        %reduce_sum3A_257 = vector.extract %reduce_sum3A_256[15] : f32 from vector<16xf32>
        %swap3A_258 = arith.constant 0 : index
        %swap3A_259 = tpu.vector_load %arg13[%swap3A_258] {strides = array<i32>} : memref<32xf32, #tpu.memory_space<vmem>>, vector<16xf32>,
        tpu.vector_store %arg13[%swap3A_258], %exp3A_251 {strides = array<i32>} : memref<32xf32, #tpu.memory_space<vmem>>, vector<16xf32>,
        %swap3A_260 = arith.constant 16 : index
        %swap3A_261 = tpu.vector_load %arg13[%swap3A_260] {strides = array<i32>} : memref<32xf32, #tpu.memory_space<vmem>>, vector<16xf32>,
        tpu.vector_store %arg13[%swap3A_260], %exp3A_252 {strides = array<i32>} : memref<32xf32, #tpu.memory_space<vmem>>, vector<16xf32>,
        %broadcast_in_dim3A_262 = vector.broadcast %reduce_sum3A_257 : f32 to vector<16xf32>
        %broadcast_in_dim3A_263 = arith.constant 0.000000e+00 : f32
        %broadcast_in_dim3A_264 = vector.broadcast %broadcast_in_dim3A_263 : f32 to vector<16xf32>
        %broadcast_in_dim3A_265 = arith.constant 0.000000e+00 : f32
        %broadcast_in_dim3A_266 = vector.broadcast %broadcast_in_dim3A_265 : f32 to vector<16xf32>
        %broadcast_in_dim3A_267 = arith.constant 0.000000e+00 : f32
        %broadcast_in_dim3A_268 = vector.broadcast %broadcast_in_dim3A_267 : f32 to vector<16xf32>
        %broadcast_in_dim3A_269 = arith.constant 0.000000e+00 : f32
        %broadcast_in_dim3A_270 = vector.broadcast %broadcast_in_dim3A_269 : f32 to vector<16xf32>
        %broadcast_in_dim3A_271 = arith.constant 0.000000e+00 : f32
        %broadcast_in_dim3A_272 = vector.broadcast %broadcast_in_dim3A_271 : f32 to vector<16xf32>
        %broadcast_in_dim3A_273 = arith.constant 0.000000e+00 : f32
        %broadcast_in_dim3A_274 = vector.broadcast %broadcast_in_dim3A_273 : f32 to vector<16xf32>
        %broadcast_in_dim3A_275 = arith.constant 0.000000e+00 : f32
        %broadcast_in_dim3A_276 = vector.broadcast %broadcast_in_dim3A_275 : f32 to vector<16xf32>
        %broadcast_in_dim3A_277 = arith.constant 0.000000e+00 : f32
        %broadcast_in_dim3A_278 = vector.broadcast %broadcast_in_dim3A_277 : f32 to vector<16xf32>
        %scan3A_279 = arith.constant 0 : i32
        %scan3A_280 = arith.constant 32 : i32
        %scan3A_281 = arith.addi %scan3A_279, %scan3A_280 : i32
        %scan3A_282 = arith.constant 1 : i32
        %scan3A_283:8 = scf.for %scan3A_1421 = %scan3A_279 to %scan3A_281 step %scan3A_282 iter_args(%scan3A_1422 = %broadcast_in_dim3A_264, %scan3A_1423 = %broadcast_in_dim3A_266, %scan3A_1424 = %broadcast_in_dim3A_268, %scan3A_1425 = %broadcast_in_dim3A_270, %scan3A_1426 = %broadcast_in_dim3A_272, %scan3A_1427 = %broadcast_in_dim3A_274, %scan3A_1428 = %broadcast_in_dim3A_276, %scan3A_1429 = %broadcast_in_dim3A_278) -> (vector<16xf32>, vector<16xf32>, vector<16xf32>, vector<16xf32>, vector<16xf32>, vector<16xf32>, vector<16xf32>, vector<16xf32>)  : i32 {
          %broadcast_in_dim3A_1430 = vector.broadcast %scan3A_1421 : i32 to vector<16xi32>
          %gather3A_1431 = tpu.vector_load_idx %arg13[%broadcast_in_dim3A_1430] : memref<32xf32, #tpu.memory_space<vmem>>[vector<16xi32>], vector<16xf32>,
          %add3A_1432 = arith.constant 32 : i32
          %add3A_1433 = arith.addi %add3A_1432, %scan3A_1421 : i32
          %get3A_1434 = arith.index_cast %add3A_1433 : i32 to index
          %get3A_1435 = arith.constant 0 : index
          %get3A_1436 = tpu.vector_load %arg11[%get3A_1434, %get3A_1435] {strides = array<i32>} : memref<128x128xf32, #tpu.memory_space<vmem>>, vector<16xf32>,
          %mul3A_1437 = arith.mulf %gather3A_1431, %get3A_1436 : vector<16xf32>
          %add3A_1438 = arith.addf %scan3A_1422, %mul3A_1437 : vector<16xf32>
          %get3A_1439 = arith.index_cast %add3A_1433 : i32 to index
          %get3A_1440 = arith.constant 16 : index
          %get3A_1441 = tpu.vector_load %arg11[%get3A_1439, %get3A_1440] {strides = array<i32>} : memref<128x128xf32, #tpu.memory_space<vmem>>, vector<16xf32>,
          %mul3A_1442 = arith.mulf %gather3A_1431, %get3A_1441 : vector<16xf32>
          %add3A_1443 = arith.addf %scan3A_1423, %mul3A_1442 : vector<16xf32>
          %get3A_1444 = arith.index_cast %add3A_1433 : i32 to index
          %get3A_1445 = arith.constant 32 : index
          %get3A_1446 = tpu.vector_load %arg11[%get3A_1444, %get3A_1445] {strides = array<i32>} : memref<128x128xf32, #tpu.memory_space<vmem>>, vector<16xf32>,
          %mul3A_1447 = arith.mulf %gather3A_1431, %get3A_1446 : vector<16xf32>
          %add3A_1448 = arith.addf %scan3A_1424, %mul3A_1447 : vector<16xf32>
          %get3A_1449 = arith.index_cast %add3A_1433 : i32 to index
          %get3A_1450 = arith.constant 48 : index
          %get3A_1451 = tpu.vector_load %arg11[%get3A_1449, %get3A_1450] {strides = array<i32>} : memref<128x128xf32, #tpu.memory_space<vmem>>, vector<16xf32>,
          %mul3A_1452 = arith.mulf %gather3A_1431, %get3A_1451 : vector<16xf32>
          %add3A_1453 = arith.addf %scan3A_1425, %mul3A_1452 : vector<16xf32>
          %get3A_1454 = arith.index_cast %add3A_1433 : i32 to index
          %get3A_1455 = arith.constant 64 : index
          %get3A_1456 = tpu.vector_load %arg11[%get3A_1454, %get3A_1455] {strides = array<i32>} : memref<128x128xf32, #tpu.memory_space<vmem>>, vector<16xf32>,
          %mul3A_1457 = arith.mulf %gather3A_1431, %get3A_1456 : vector<16xf32>
          %add3A_1458 = arith.addf %scan3A_1426, %mul3A_1457 : vector<16xf32>
          %get3A_1459 = arith.index_cast %add3A_1433 : i32 to index
          %get3A_1460 = arith.constant 80 : index
          %get3A_1461 = tpu.vector_load %arg11[%get3A_1459, %get3A_1460] {strides = array<i32>} : memref<128x128xf32, #tpu.memory_space<vmem>>, vector<16xf32>,
          %mul3A_1462 = arith.mulf %gather3A_1431, %get3A_1461 : vector<16xf32>
          %add3A_1463 = arith.addf %scan3A_1427, %mul3A_1462 : vector<16xf32>
          %get3A_1464 = arith.index_cast %add3A_1433 : i32 to index
          %get3A_1465 = arith.constant 96 : index
          %get3A_1466 = tpu.vector_load %arg11[%get3A_1464, %get3A_1465] {strides = array<i32>} : memref<128x128xf32, #tpu.memory_space<vmem>>, vector<16xf32>,
          %mul3A_1467 = arith.mulf %gather3A_1431, %get3A_1466 : vector<16xf32>
          %add3A_1468 = arith.addf %scan3A_1428, %mul3A_1467 : vector<16xf32>
          %get3A_1469 = arith.index_cast %add3A_1433 : i32 to index
          %get3A_1470 = arith.constant 112 : index
          %get3A_1471 = tpu.vector_load %arg11[%get3A_1469, %get3A_1470] {strides = array<i32>} : memref<128x128xf32, #tpu.memory_space<vmem>>, vector<16xf32>,
          %mul3A_1472 = arith.mulf %gather3A_1431, %get3A_1471 : vector<16xf32>
          %add3A_1473 = arith.addf %scan3A_1429, %mul3A_1472 : vector<16xf32>
          scf.yield %add3A_1438, %add3A_1443, %add3A_1448, %add3A_1453, %add3A_1458, %add3A_1463, %add3A_1468, %add3A_1473 : vector<16xf32>, vector<16xf32>, vector<16xf32>, vector<16xf32>, vector<16xf32>, vector<16xf32>, vector<16xf32>, vector<16xf32>
        }
        %scan3A_284 = arith.constant 32 : i32
        %div3A_285 = arith.divf %scan3A_283#0, %broadcast_in_dim3A_262 : vector<16xf32>
        %gt3A_286 = arith.constant 0.000000e+00 : f32
        %gt3A_287 = vector.broadcast %gt3A_286 : f32 to vector<16xf32>
        %gt3A_288 = arith.cmpf ogt, %div3A_285, %gt3A_287 : vector<16xf32>
        %exp3A_289 = math.exp %div3A_285 : vector<16xf32>
        %sub3A_290 = arith.constant 1.000000e+00 : f32
        %sub3A_291 = vector.broadcast %sub3A_290 : f32 to vector<16xf32>
        %sub3A_292 = arith.subf %exp3A_289, %sub3A_291 : vector<16xf32>
        %select_n3A_293 = arith.select %gt3A_288, %div3A_285, %sub3A_292 : vector<16xi1>, vector<16xf32>
        %swap3A_294 = arith.constant 1 : i32
        %swap3A_295 = arith.index_cast %swap3A_294 : i32 to index
        %swap3A_296 = arith.constant 128 : index
        %swap3A_297 = tpu.vector_load %arg14[%swap3A_295, %swap3A_296] {strides = array<i32>} : memref<8x256xf32, #tpu.memory_space<vmem>>, vector<16xf32>,
        tpu.vector_store %arg14[%swap3A_295, %swap3A_296], %select_n3A_293 {strides = array<i32>} : memref<8x256xf32, #tpu.memory_space<vmem>>, vector<16xf32>,
        %div3A_298 = arith.divf %scan3A_283#1, %broadcast_in_dim3A_262 : vector<16xf32>
        %gt3A_299 = arith.constant 0.000000e+00 : f32
        %gt3A_300 = vector.broadcast %gt3A_299 : f32 to vector<16xf32>
        %gt3A_301 = arith.cmpf ogt, %div3A_298, %gt3A_300 : vector<16xf32>
        %exp3A_302 = math.exp %div3A_298 : vector<16xf32>
        %sub3A_303 = arith.constant 1.000000e+00 : f32
        %sub3A_304 = vector.broadcast %sub3A_303 : f32 to vector<16xf32>
        %sub3A_305 = arith.subf %exp3A_302, %sub3A_304 : vector<16xf32>
        %select_n3A_306 = arith.select %gt3A_301, %div3A_298, %sub3A_305 : vector<16xi1>, vector<16xf32>
        %swap3A_307 = arith.constant 1 : i32
        %swap3A_308 = arith.index_cast %swap3A_307 : i32 to index
        %swap3A_309 = arith.constant 144 : index
        %swap3A_310 = tpu.vector_load %arg14[%swap3A_308, %swap3A_309] {strides = array<i32>} : memref<8x256xf32, #tpu.memory_space<vmem>>, vector<16xf32>,
        tpu.vector_store %arg14[%swap3A_308, %swap3A_309], %select_n3A_306 {strides = array<i32>} : memref<8x256xf32, #tpu.memory_space<vmem>>, vector<16xf32>,
        %div3A_311 = arith.divf %scan3A_283#2, %broadcast_in_dim3A_262 : vector<16xf32>
        %gt3A_312 = arith.constant 0.000000e+00 : f32
        %gt3A_313 = vector.broadcast %gt3A_312 : f32 to vector<16xf32>
        %gt3A_314 = arith.cmpf ogt, %div3A_311, %gt3A_313 : vector<16xf32>
        %exp3A_315 = math.exp %div3A_311 : vector<16xf32>
        %sub3A_316 = arith.constant 1.000000e+00 : f32
        %sub3A_317 = vector.broadcast %sub3A_316 : f32 to vector<16xf32>
        %sub3A_318 = arith.subf %exp3A_315, %sub3A_317 : vector<16xf32>
        %select_n3A_319 = arith.select %gt3A_314, %div3A_311, %sub3A_318 : vector<16xi1>, vector<16xf32>
        %swap3A_320 = arith.constant 1 : i32
        %swap3A_321 = arith.index_cast %swap3A_320 : i32 to index
        %swap3A_322 = arith.constant 160 : index
        %swap3A_323 = tpu.vector_load %arg14[%swap3A_321, %swap3A_322] {strides = array<i32>} : memref<8x256xf32, #tpu.memory_space<vmem>>, vector<16xf32>,
        tpu.vector_store %arg14[%swap3A_321, %swap3A_322], %select_n3A_319 {strides = array<i32>} : memref<8x256xf32, #tpu.memory_space<vmem>>, vector<16xf32>,
        %div3A_324 = arith.divf %scan3A_283#3, %broadcast_in_dim3A_262 : vector<16xf32>
        %gt3A_325 = arith.constant 0.000000e+00 : f32
        %gt3A_326 = vector.broadcast %gt3A_325 : f32 to vector<16xf32>
        %gt3A_327 = arith.cmpf ogt, %div3A_324, %gt3A_326 : vector<16xf32>
        %exp3A_328 = math.exp %div3A_324 : vector<16xf32>
        %sub3A_329 = arith.constant 1.000000e+00 : f32
        %sub3A_330 = vector.broadcast %sub3A_329 : f32 to vector<16xf32>
        %sub3A_331 = arith.subf %exp3A_328, %sub3A_330 : vector<16xf32>
        %select_n3A_332 = arith.select %gt3A_327, %div3A_324, %sub3A_331 : vector<16xi1>, vector<16xf32>
        %swap3A_333 = arith.constant 1 : i32
        %swap3A_334 = arith.index_cast %swap3A_333 : i32 to index
        %swap3A_335 = arith.constant 176 : index
        %swap3A_336 = tpu.vector_load %arg14[%swap3A_334, %swap3A_335] {strides = array<i32>} : memref<8x256xf32, #tpu.memory_space<vmem>>, vector<16xf32>,
        tpu.vector_store %arg14[%swap3A_334, %swap3A_335], %select_n3A_332 {strides = array<i32>} : memref<8x256xf32, #tpu.memory_space<vmem>>, vector<16xf32>,
        %div3A_337 = arith.divf %scan3A_283#4, %broadcast_in_dim3A_262 : vector<16xf32>
        %gt3A_338 = arith.constant 0.000000e+00 : f32
        %gt3A_339 = vector.broadcast %gt3A_338 : f32 to vector<16xf32>
        %gt3A_340 = arith.cmpf ogt, %div3A_337, %gt3A_339 : vector<16xf32>
        %exp3A_341 = math.exp %div3A_337 : vector<16xf32>
        %sub3A_342 = arith.constant 1.000000e+00 : f32
        %sub3A_343 = vector.broadcast %sub3A_342 : f32 to vector<16xf32>
        %sub3A_344 = arith.subf %exp3A_341, %sub3A_343 : vector<16xf32>
        %select_n3A_345 = arith.select %gt3A_340, %div3A_337, %sub3A_344 : vector<16xi1>, vector<16xf32>
        %swap3A_346 = arith.constant 1 : i32
        %swap3A_347 = arith.index_cast %swap3A_346 : i32 to index
        %swap3A_348 = arith.constant 192 : index
        %swap3A_349 = tpu.vector_load %arg14[%swap3A_347, %swap3A_348] {strides = array<i32>} : memref<8x256xf32, #tpu.memory_space<vmem>>, vector<16xf32>,
        tpu.vector_store %arg14[%swap3A_347, %swap3A_348], %select_n3A_345 {strides = array<i32>} : memref<8x256xf32, #tpu.memory_space<vmem>>, vector<16xf32>,
        %div3A_350 = arith.divf %scan3A_283#5, %broadcast_in_dim3A_262 : vector<16xf32>
        %gt3A_351 = arith.constant 0.000000e+00 : f32
        %gt3A_352 = vector.broadcast %gt3A_351 : f32 to vector<16xf32>
        %gt3A_353 = arith.cmpf ogt, %div3A_350, %gt3A_352 : vector<16xf32>
        %exp3A_354 = math.exp %div3A_350 : vector<16xf32>
        %sub3A_355 = arith.constant 1.000000e+00 : f32
        %sub3A_356 = vector.broadcast %sub3A_355 : f32 to vector<16xf32>
        %sub3A_357 = arith.subf %exp3A_354, %sub3A_356 : vector<16xf32>
        %select_n3A_358 = arith.select %gt3A_353, %div3A_350, %sub3A_357 : vector<16xi1>, vector<16xf32>
        %swap3A_359 = arith.constant 1 : i32
        %swap3A_360 = arith.index_cast %swap3A_359 : i32 to index
        %swap3A_361 = arith.constant 208 : index
        %swap3A_362 = tpu.vector_load %arg14[%swap3A_360, %swap3A_361] {strides = array<i32>} : memref<8x256xf32, #tpu.memory_space<vmem>>, vector<16xf32>,
        tpu.vector_store %arg14[%swap3A_360, %swap3A_361], %select_n3A_358 {strides = array<i32>} : memref<8x256xf32, #tpu.memory_space<vmem>>, vector<16xf32>,
        %div3A_363 = arith.divf %scan3A_283#6, %broadcast_in_dim3A_262 : vector<16xf32>
        %gt3A_364 = arith.constant 0.000000e+00 : f32
        %gt3A_365 = vector.broadcast %gt3A_364 : f32 to vector<16xf32>
        %gt3A_366 = arith.cmpf ogt, %div3A_363, %gt3A_365 : vector<16xf32>
        %exp3A_367 = math.exp %div3A_363 : vector<16xf32>
        %sub3A_368 = arith.constant 1.000000e+00 : f32
        %sub3A_369 = vector.broadcast %sub3A_368 : f32 to vector<16xf32>
        %sub3A_370 = arith.subf %exp3A_367, %sub3A_369 : vector<16xf32>
        %select_n3A_371 = arith.select %gt3A_366, %div3A_363, %sub3A_370 : vector<16xi1>, vector<16xf32>
        %swap3A_372 = arith.constant 1 : i32
        %swap3A_373 = arith.index_cast %swap3A_372 : i32 to index
        %swap3A_374 = arith.constant 224 : index
        %swap3A_375 = tpu.vector_load %arg14[%swap3A_373, %swap3A_374] {strides = array<i32>} : memref<8x256xf32, #tpu.memory_space<vmem>>, vector<16xf32>,
        tpu.vector_store %arg14[%swap3A_373, %swap3A_374], %select_n3A_371 {strides = array<i32>} : memref<8x256xf32, #tpu.memory_space<vmem>>, vector<16xf32>,
        %div3A_376 = arith.divf %scan3A_283#7, %broadcast_in_dim3A_262 : vector<16xf32>
        %gt3A_377 = arith.constant 0.000000e+00 : f32
        %gt3A_378 = vector.broadcast %gt3A_377 : f32 to vector<16xf32>
        %gt3A_379 = arith.cmpf ogt, %div3A_376, %gt3A_378 : vector<16xf32>
        %exp3A_380 = math.exp %div3A_376 : vector<16xf32>
        %sub3A_381 = arith.constant 1.000000e+00 : f32
        %sub3A_382 = vector.broadcast %sub3A_381 : f32 to vector<16xf32>
        %sub3A_383 = arith.subf %exp3A_380, %sub3A_382 : vector<16xf32>
        %select_n3A_384 = arith.select %gt3A_379, %div3A_376, %sub3A_383 : vector<16xi1>, vector<16xf32>
        %swap3A_385 = arith.constant 1 : i32
        %swap3A_386 = arith.index_cast %swap3A_385 : i32 to index
        %swap3A_387 = arith.constant 240 : index
        %swap3A_388 = tpu.vector_load %arg14[%swap3A_386, %swap3A_387] {strides = array<i32>} : memref<8x256xf32, #tpu.memory_space<vmem>>, vector<16xf32>,
        tpu.vector_store %arg14[%swap3A_386, %swap3A_387], %select_n3A_384 {strides = array<i32>} : memref<8x256xf32, #tpu.memory_space<vmem>>, vector<16xf32>,
        %mul3A_389 = arith.constant 4 : i32
        %mul3A_390 = arith.muli %add3A_50, %mul3A_389 : i32
        %add3A_391 = arith.constant 2 : i32
        %add3A_392 = arith.addi %mul3A_390, %add3A_391 : i32
        %mul3A_393 = arith.constant 32 : i32
        %mul3A_394 = arith.muli %add3A_392, %mul3A_393 : i32
        %get3A_395 = arith.index_cast %mul3A_394 : i32 to index
        %get3A_396 = tpu.vector_load %arg8[%get3A_395] {strides = array<i32>} : memref<5120xi32, #tpu.memory_space<vmem>>, vector<16xi32>,
        %mul3A_397 = arith.constant 32 : i32
        %mul3A_398 = arith.muli %add3A_392, %mul3A_397 : i32
        %add3A_399 = arith.constant 16 : i32
        %add3A_400 = arith.addi %mul3A_398, %add3A_399 : i32
        %get3A_401 = arith.index_cast %add3A_400 : i32 to index
        %get3A_402 = tpu.vector_load %arg8[%get3A_401] {strides = array<i32>} : memref<5120xi32, #tpu.memory_space<vmem>>, vector<16xi32>,
        %gather3A_403 = tpu.vector_load_idx %arg10[%get3A_396] : memref<10240xf32, #tpu.memory_space<vmem>>[vector<16xi32>], vector<16xf32>,
        %gather3A_404 = tpu.vector_load_idx %arg10[%get3A_402] : memref<10240xf32, #tpu.memory_space<vmem>>[vector<16xi32>], vector<16xf32>,
        %mul3A_405 = arith.constant 160 : i32
        %mul3A_406 = arith.muli %add3A_17, %mul3A_405 : i32
        %add3A_407 = arith.addi %mul3A_406, %add3A_392 : i32
        %broadcast_in_dim3A_408 = vector.broadcast %add3A_407 : i32 to vector<16xi32>
        %gather3A_409 = tpu.vector_load_idx %arg9[%broadcast_in_dim3A_408] : memref<320xf32, #tpu.memory_space<vmem>>[vector<16xi32>], vector<16xf32>,
        %add3A_410 = arith.addf %gather3A_409, %gather3A_403 : vector<16xf32>
        %add3A_411 = arith.addf %gather3A_409, %gather3A_404 : vector<16xf32>
        %mul3A_412 = arith.constant 2.000000e-01 : f32
        %mul3A_413 = vector.broadcast %mul3A_412 : f32 to vector<16xf32>
        %mul3A_414 = arith.mulf %mul3A_413, %add3A_410 : vector<16xf32>
        %max3A_415 = arith.maximumf %add3A_410, %mul3A_414 : vector<16xf32>
        %mul3A_416 = arith.constant 2.000000e-01 : f32
        %mul3A_417 = vector.broadcast %mul3A_416 : f32 to vector<16xf32>
        %mul3A_418 = arith.mulf %mul3A_417, %add3A_411 : vector<16xf32>
        %max3A_419 = arith.maximumf %add3A_411, %mul3A_418 : vector<16xf32>
        %exp3A_420 = math.exp %max3A_415 : vector<16xf32>
        %exp3A_421 = math.exp %max3A_419 : vector<16xf32>
        %add3A_422 = arith.addf %exp3A_420, %exp3A_421 : vector<16xf32>
        %reduce_sum3A_423 = arith.constant true
        %reduce_sum3A_424 = vector.broadcast %reduce_sum3A_423 : i1 to vector<16xi1>
        %reduce_sum3A_425 = tpu.scan <sum>, %add3A_422 masked %reduce_sum3A_424 : vector<16xf32>, vector<16xi1> -> vector<16xf32>
        %reduce_sum3A_426 = vector.extract %reduce_sum3A_425[15] : f32 from vector<16xf32>
        %swap3A_427 = arith.constant 0 : index
        %swap3A_428 = tpu.vector_load %arg13[%swap3A_427] {strides = array<i32>} : memref<32xf32, #tpu.memory_space<vmem>>, vector<16xf32>,
        tpu.vector_store %arg13[%swap3A_427], %exp3A_420 {strides = array<i32>} : memref<32xf32, #tpu.memory_space<vmem>>, vector<16xf32>,
        %swap3A_429 = arith.constant 16 : index
        %swap3A_430 = tpu.vector_load %arg13[%swap3A_429] {strides = array<i32>} : memref<32xf32, #tpu.memory_space<vmem>>, vector<16xf32>,
        tpu.vector_store %arg13[%swap3A_429], %exp3A_421 {strides = array<i32>} : memref<32xf32, #tpu.memory_space<vmem>>, vector<16xf32>,
        %broadcast_in_dim3A_431 = vector.broadcast %reduce_sum3A_426 : f32 to vector<16xf32>
        %broadcast_in_dim3A_432 = arith.constant 0.000000e+00 : f32
        %broadcast_in_dim3A_433 = vector.broadcast %broadcast_in_dim3A_432 : f32 to vector<16xf32>
        %broadcast_in_dim3A_434 = arith.constant 0.000000e+00 : f32
        %broadcast_in_dim3A_435 = vector.broadcast %broadcast_in_dim3A_434 : f32 to vector<16xf32>
        %broadcast_in_dim3A_436 = arith.constant 0.000000e+00 : f32
        %broadcast_in_dim3A_437 = vector.broadcast %broadcast_in_dim3A_436 : f32 to vector<16xf32>
        %broadcast_in_dim3A_438 = arith.constant 0.000000e+00 : f32
        %broadcast_in_dim3A_439 = vector.broadcast %broadcast_in_dim3A_438 : f32 to vector<16xf32>
        %broadcast_in_dim3A_440 = arith.constant 0.000000e+00 : f32
        %broadcast_in_dim3A_441 = vector.broadcast %broadcast_in_dim3A_440 : f32 to vector<16xf32>
        %broadcast_in_dim3A_442 = arith.constant 0.000000e+00 : f32
        %broadcast_in_dim3A_443 = vector.broadcast %broadcast_in_dim3A_442 : f32 to vector<16xf32>
        %broadcast_in_dim3A_444 = arith.constant 0.000000e+00 : f32
        %broadcast_in_dim3A_445 = vector.broadcast %broadcast_in_dim3A_444 : f32 to vector<16xf32>
        %broadcast_in_dim3A_446 = arith.constant 0.000000e+00 : f32
        %broadcast_in_dim3A_447 = vector.broadcast %broadcast_in_dim3A_446 : f32 to vector<16xf32>
        %scan3A_448 = arith.constant 0 : i32
        %scan3A_449 = arith.constant 32 : i32
        %scan3A_450 = arith.addi %scan3A_448, %scan3A_449 : i32
        %scan3A_451 = arith.constant 1 : i32
        %scan3A_452:8 = scf.for %scan3A_1421 = %scan3A_448 to %scan3A_450 step %scan3A_451 iter_args(%scan3A_1422 = %broadcast_in_dim3A_433, %scan3A_1423 = %broadcast_in_dim3A_435, %scan3A_1424 = %broadcast_in_dim3A_437, %scan3A_1425 = %broadcast_in_dim3A_439, %scan3A_1426 = %broadcast_in_dim3A_441, %scan3A_1427 = %broadcast_in_dim3A_443, %scan3A_1428 = %broadcast_in_dim3A_445, %scan3A_1429 = %broadcast_in_dim3A_447) -> (vector<16xf32>, vector<16xf32>, vector<16xf32>, vector<16xf32>, vector<16xf32>, vector<16xf32>, vector<16xf32>, vector<16xf32>)  : i32 {
          %broadcast_in_dim3A_1430 = vector.broadcast %scan3A_1421 : i32 to vector<16xi32>
          %gather3A_1431 = tpu.vector_load_idx %arg13[%broadcast_in_dim3A_1430] : memref<32xf32, #tpu.memory_space<vmem>>[vector<16xi32>], vector<16xf32>,
          %add3A_1432 = arith.constant 64 : i32
          %add3A_1433 = arith.addi %add3A_1432, %scan3A_1421 : i32
          %get3A_1434 = arith.index_cast %add3A_1433 : i32 to index
          %get3A_1435 = arith.constant 0 : index
          %get3A_1436 = tpu.vector_load %arg11[%get3A_1434, %get3A_1435] {strides = array<i32>} : memref<128x128xf32, #tpu.memory_space<vmem>>, vector<16xf32>,
          %mul3A_1437 = arith.mulf %gather3A_1431, %get3A_1436 : vector<16xf32>
          %add3A_1438 = arith.addf %scan3A_1422, %mul3A_1437 : vector<16xf32>
          %get3A_1439 = arith.index_cast %add3A_1433 : i32 to index
          %get3A_1440 = arith.constant 16 : index
          %get3A_1441 = tpu.vector_load %arg11[%get3A_1439, %get3A_1440] {strides = array<i32>} : memref<128x128xf32, #tpu.memory_space<vmem>>, vector<16xf32>,
          %mul3A_1442 = arith.mulf %gather3A_1431, %get3A_1441 : vector<16xf32>
          %add3A_1443 = arith.addf %scan3A_1423, %mul3A_1442 : vector<16xf32>
          %get3A_1444 = arith.index_cast %add3A_1433 : i32 to index
          %get3A_1445 = arith.constant 32 : index
          %get3A_1446 = tpu.vector_load %arg11[%get3A_1444, %get3A_1445] {strides = array<i32>} : memref<128x128xf32, #tpu.memory_space<vmem>>, vector<16xf32>,
          %mul3A_1447 = arith.mulf %gather3A_1431, %get3A_1446 : vector<16xf32>
          %add3A_1448 = arith.addf %scan3A_1424, %mul3A_1447 : vector<16xf32>
          %get3A_1449 = arith.index_cast %add3A_1433 : i32 to index
          %get3A_1450 = arith.constant 48 : index
          %get3A_1451 = tpu.vector_load %arg11[%get3A_1449, %get3A_1450] {strides = array<i32>} : memref<128x128xf32, #tpu.memory_space<vmem>>, vector<16xf32>,
          %mul3A_1452 = arith.mulf %gather3A_1431, %get3A_1451 : vector<16xf32>
          %add3A_1453 = arith.addf %scan3A_1425, %mul3A_1452 : vector<16xf32>
          %get3A_1454 = arith.index_cast %add3A_1433 : i32 to index
          %get3A_1455 = arith.constant 64 : index
          %get3A_1456 = tpu.vector_load %arg11[%get3A_1454, %get3A_1455] {strides = array<i32>} : memref<128x128xf32, #tpu.memory_space<vmem>>, vector<16xf32>,
          %mul3A_1457 = arith.mulf %gather3A_1431, %get3A_1456 : vector<16xf32>
          %add3A_1458 = arith.addf %scan3A_1426, %mul3A_1457 : vector<16xf32>
          %get3A_1459 = arith.index_cast %add3A_1433 : i32 to index
          %get3A_1460 = arith.constant 80 : index
          %get3A_1461 = tpu.vector_load %arg11[%get3A_1459, %get3A_1460] {strides = array<i32>} : memref<128x128xf32, #tpu.memory_space<vmem>>, vector<16xf32>,
          %mul3A_1462 = arith.mulf %gather3A_1431, %get3A_1461 : vector<16xf32>
          %add3A_1463 = arith.addf %scan3A_1427, %mul3A_1462 : vector<16xf32>
          %get3A_1464 = arith.index_cast %add3A_1433 : i32 to index
          %get3A_1465 = arith.constant 96 : index
          %get3A_1466 = tpu.vector_load %arg11[%get3A_1464, %get3A_1465] {strides = array<i32>} : memref<128x128xf32, #tpu.memory_space<vmem>>, vector<16xf32>,
          %mul3A_1467 = arith.mulf %gather3A_1431, %get3A_1466 : vector<16xf32>
          %add3A_1468 = arith.addf %scan3A_1428, %mul3A_1467 : vector<16xf32>
          %get3A_1469 = arith.index_cast %add3A_1433 : i32 to index
          %get3A_1470 = arith.constant 112 : index
          %get3A_1471 = tpu.vector_load %arg11[%get3A_1469, %get3A_1470] {strides = array<i32>} : memref<128x128xf32, #tpu.memory_space<vmem>>, vector<16xf32>,
          %mul3A_1472 = arith.mulf %gather3A_1431, %get3A_1471 : vector<16xf32>
          %add3A_1473 = arith.addf %scan3A_1429, %mul3A_1472 : vector<16xf32>
          scf.yield %add3A_1438, %add3A_1443, %add3A_1448, %add3A_1453, %add3A_1458, %add3A_1463, %add3A_1468, %add3A_1473 : vector<16xf32>, vector<16xf32>, vector<16xf32>, vector<16xf32>, vector<16xf32>, vector<16xf32>, vector<16xf32>, vector<16xf32>
        }
        %scan3A_453 = arith.constant 32 : i32
        %div3A_454 = arith.divf %scan3A_452#0, %broadcast_in_dim3A_431 : vector<16xf32>
        %gt3A_455 = arith.constant 0.000000e+00 : f32
        %gt3A_456 = vector.broadcast %gt3A_455 : f32 to vector<16xf32>
        %gt3A_457 = arith.cmpf ogt, %div3A_454, %gt3A_456 : vector<16xf32>
        %exp3A_458 = math.exp %div3A_454 : vector<16xf32>
        %sub3A_459 = arith.constant 1.000000e+00 : f32
        %sub3A_460 = vector.broadcast %sub3A_459 : f32 to vector<16xf32>
        %sub3A_461 = arith.subf %exp3A_458, %sub3A_460 : vector<16xf32>
        %select_n3A_462 = arith.select %gt3A_457, %div3A_454, %sub3A_461 : vector<16xi1>, vector<16xf32>
        %swap3A_463 = arith.constant 2 : i32
        %swap3A_464 = arith.index_cast %swap3A_463 : i32 to index
        %swap3A_465 = arith.constant 128 : index
        %swap3A_466 = tpu.vector_load %arg14[%swap3A_464, %swap3A_465] {strides = array<i32>} : memref<8x256xf32, #tpu.memory_space<vmem>>, vector<16xf32>,
        tpu.vector_store %arg14[%swap3A_464, %swap3A_465], %select_n3A_462 {strides = array<i32>} : memref<8x256xf32, #tpu.memory_space<vmem>>, vector<16xf32>,
        %div3A_467 = arith.divf %scan3A_452#1, %broadcast_in_dim3A_431 : vector<16xf32>
        %gt3A_468 = arith.constant 0.000000e+00 : f32
        %gt3A_469 = vector.broadcast %gt3A_468 : f32 to vector<16xf32>
        %gt3A_470 = arith.cmpf ogt, %div3A_467, %gt3A_469 : vector<16xf32>
        %exp3A_471 = math.exp %div3A_467 : vector<16xf32>
        %sub3A_472 = arith.constant 1.000000e+00 : f32
        %sub3A_473 = vector.broadcast %sub3A_472 : f32 to vector<16xf32>
        %sub3A_474 = arith.subf %exp3A_471, %sub3A_473 : vector<16xf32>
        %select_n3A_475 = arith.select %gt3A_470, %div3A_467, %sub3A_474 : vector<16xi1>, vector<16xf32>
        %swap3A_476 = arith.constant 2 : i32
        %swap3A_477 = arith.index_cast %swap3A_476 : i32 to index
        %swap3A_478 = arith.constant 144 : index
        %swap3A_479 = tpu.vector_load %arg14[%swap3A_477, %swap3A_478] {strides = array<i32>} : memref<8x256xf32, #tpu.memory_space<vmem>>, vector<16xf32>,
        tpu.vector_store %arg14[%swap3A_477, %swap3A_478], %select_n3A_475 {strides = array<i32>} : memref<8x256xf32, #tpu.memory_space<vmem>>, vector<16xf32>,
        %div3A_480 = arith.divf %scan3A_452#2, %broadcast_in_dim3A_431 : vector<16xf32>
        %gt3A_481 = arith.constant 0.000000e+00 : f32
        %gt3A_482 = vector.broadcast %gt3A_481 : f32 to vector<16xf32>
        %gt3A_483 = arith.cmpf ogt, %div3A_480, %gt3A_482 : vector<16xf32>
        %exp3A_484 = math.exp %div3A_480 : vector<16xf32>
        %sub3A_485 = arith.constant 1.000000e+00 : f32
        %sub3A_486 = vector.broadcast %sub3A_485 : f32 to vector<16xf32>
        %sub3A_487 = arith.subf %exp3A_484, %sub3A_486 : vector<16xf32>
        %select_n3A_488 = arith.select %gt3A_483, %div3A_480, %sub3A_487 : vector<16xi1>, vector<16xf32>
        %swap3A_489 = arith.constant 2 : i32
        %swap3A_490 = arith.index_cast %swap3A_489 : i32 to index
        %swap3A_491 = arith.constant 160 : index
        %swap3A_492 = tpu.vector_load %arg14[%swap3A_490, %swap3A_491] {strides = array<i32>} : memref<8x256xf32, #tpu.memory_space<vmem>>, vector<16xf32>,
        tpu.vector_store %arg14[%swap3A_490, %swap3A_491], %select_n3A_488 {strides = array<i32>} : memref<8x256xf32, #tpu.memory_space<vmem>>, vector<16xf32>,
        %div3A_493 = arith.divf %scan3A_452#3, %broadcast_in_dim3A_431 : vector<16xf32>
        %gt3A_494 = arith.constant 0.000000e+00 : f32
        %gt3A_495 = vector.broadcast %gt3A_494 : f32 to vector<16xf32>
        %gt3A_496 = arith.cmpf ogt, %div3A_493, %gt3A_495 : vector<16xf32>
        %exp3A_497 = math.exp %div3A_493 : vector<16xf32>
        %sub3A_498 = arith.constant 1.000000e+00 : f32
        %sub3A_499 = vector.broadcast %sub3A_498 : f32 to vector<16xf32>
        %sub3A_500 = arith.subf %exp3A_497, %sub3A_499 : vector<16xf32>
        %select_n3A_501 = arith.select %gt3A_496, %div3A_493, %sub3A_500 : vector<16xi1>, vector<16xf32>
        %swap3A_502 = arith.constant 2 : i32
        %swap3A_503 = arith.index_cast %swap3A_502 : i32 to index
        %swap3A_504 = arith.constant 176 : index
        %swap3A_505 = tpu.vector_load %arg14[%swap3A_503, %swap3A_504] {strides = array<i32>} : memref<8x256xf32, #tpu.memory_space<vmem>>, vector<16xf32>,
        tpu.vector_store %arg14[%swap3A_503, %swap3A_504], %select_n3A_501 {strides = array<i32>} : memref<8x256xf32, #tpu.memory_space<vmem>>, vector<16xf32>,
        %div3A_506 = arith.divf %scan3A_452#4, %broadcast_in_dim3A_431 : vector<16xf32>
        %gt3A_507 = arith.constant 0.000000e+00 : f32
        %gt3A_508 = vector.broadcast %gt3A_507 : f32 to vector<16xf32>
        %gt3A_509 = arith.cmpf ogt, %div3A_506, %gt3A_508 : vector<16xf32>
        %exp3A_510 = math.exp %div3A_506 : vector<16xf32>
        %sub3A_511 = arith.constant 1.000000e+00 : f32
        %sub3A_512 = vector.broadcast %sub3A_511 : f32 to vector<16xf32>
        %sub3A_513 = arith.subf %exp3A_510, %sub3A_512 : vector<16xf32>
        %select_n3A_514 = arith.select %gt3A_509, %div3A_506, %sub3A_513 : vector<16xi1>, vector<16xf32>
        %swap3A_515 = arith.constant 2 : i32
        %swap3A_516 = arith.index_cast %swap3A_515 : i32 to index
        %swap3A_517 = arith.constant 192 : index
        %swap3A_518 = tpu.vector_load %arg14[%swap3A_516, %swap3A_517] {strides = array<i32>} : memref<8x256xf32, #tpu.memory_space<vmem>>, vector<16xf32>,
        tpu.vector_store %arg14[%swap3A_516, %swap3A_517], %select_n3A_514 {strides = array<i32>} : memref<8x256xf32, #tpu.memory_space<vmem>>, vector<16xf32>,
        %div3A_519 = arith.divf %scan3A_452#5, %broadcast_in_dim3A_431 : vector<16xf32>
        %gt3A_520 = arith.constant 0.000000e+00 : f32
        %gt3A_521 = vector.broadcast %gt3A_520 : f32 to vector<16xf32>
        %gt3A_522 = arith.cmpf ogt, %div3A_519, %gt3A_521 : vector<16xf32>
        %exp3A_523 = math.exp %div3A_519 : vector<16xf32>
        %sub3A_524 = arith.constant 1.000000e+00 : f32
        %sub3A_525 = vector.broadcast %sub3A_524 : f32 to vector<16xf32>
        %sub3A_526 = arith.subf %exp3A_523, %sub3A_525 : vector<16xf32>
        %select_n3A_527 = arith.select %gt3A_522, %div3A_519, %sub3A_526 : vector<16xi1>, vector<16xf32>
        %swap3A_528 = arith.constant 2 : i32
        %swap3A_529 = arith.index_cast %swap3A_528 : i32 to index
        %swap3A_530 = arith.constant 208 : index
        %swap3A_531 = tpu.vector_load %arg14[%swap3A_529, %swap3A_530] {strides = array<i32>} : memref<8x256xf32, #tpu.memory_space<vmem>>, vector<16xf32>,
        tpu.vector_store %arg14[%swap3A_529, %swap3A_530], %select_n3A_527 {strides = array<i32>} : memref<8x256xf32, #tpu.memory_space<vmem>>, vector<16xf32>,
        %div3A_532 = arith.divf %scan3A_452#6, %broadcast_in_dim3A_431 : vector<16xf32>
        %gt3A_533 = arith.constant 0.000000e+00 : f32
        %gt3A_534 = vector.broadcast %gt3A_533 : f32 to vector<16xf32>
        %gt3A_535 = arith.cmpf ogt, %div3A_532, %gt3A_534 : vector<16xf32>
        %exp3A_536 = math.exp %div3A_532 : vector<16xf32>
        %sub3A_537 = arith.constant 1.000000e+00 : f32
        %sub3A_538 = vector.broadcast %sub3A_537 : f32 to vector<16xf32>
        %sub3A_539 = arith.subf %exp3A_536, %sub3A_538 : vector<16xf32>
        %select_n3A_540 = arith.select %gt3A_535, %div3A_532, %sub3A_539 : vector<16xi1>, vector<16xf32>
        %swap3A_541 = arith.constant 2 : i32
        %swap3A_542 = arith.index_cast %swap3A_541 : i32 to index
        %swap3A_543 = arith.constant 224 : index
        %swap3A_544 = tpu.vector_load %arg14[%swap3A_542, %swap3A_543] {strides = array<i32>} : memref<8x256xf32, #tpu.memory_space<vmem>>, vector<16xf32>,
        tpu.vector_store %arg14[%swap3A_542, %swap3A_543], %select_n3A_540 {strides = array<i32>} : memref<8x256xf32, #tpu.memory_space<vmem>>, vector<16xf32>,
        %div3A_545 = arith.divf %scan3A_452#7, %broadcast_in_dim3A_431 : vector<16xf32>
        %gt3A_546 = arith.constant 0.000000e+00 : f32
        %gt3A_547 = vector.broadcast %gt3A_546 : f32 to vector<16xf32>
        %gt3A_548 = arith.cmpf ogt, %div3A_545, %gt3A_547 : vector<16xf32>
        %exp3A_549 = math.exp %div3A_545 : vector<16xf32>
        %sub3A_550 = arith.constant 1.000000e+00 : f32
        %sub3A_551 = vector.broadcast %sub3A_550 : f32 to vector<16xf32>
        %sub3A_552 = arith.subf %exp3A_549, %sub3A_551 : vector<16xf32>
        %select_n3A_553 = arith.select %gt3A_548, %div3A_545, %sub3A_552 : vector<16xi1>, vector<16xf32>
        %swap3A_554 = arith.constant 2 : i32
        %swap3A_555 = arith.index_cast %swap3A_554 : i32 to index
        %swap3A_556 = arith.constant 240 : index
        %swap3A_557 = tpu.vector_load %arg14[%swap3A_555, %swap3A_556] {strides = array<i32>} : memref<8x256xf32, #tpu.memory_space<vmem>>, vector<16xf32>,
        tpu.vector_store %arg14[%swap3A_555, %swap3A_556], %select_n3A_553 {strides = array<i32>} : memref<8x256xf32, #tpu.memory_space<vmem>>, vector<16xf32>,
        %mul3A_558 = arith.constant 4 : i32
        %mul3A_559 = arith.muli %add3A_50, %mul3A_558 : i32
        %add3A_560 = arith.constant 3 : i32
        %add3A_561 = arith.addi %mul3A_559, %add3A_560 : i32
        %mul3A_562 = arith.constant 32 : i32
        %mul3A_563 = arith.muli %add3A_561, %mul3A_562 : i32
        %get3A_564 = arith.index_cast %mul3A_563 : i32 to index
        %get3A_565 = tpu.vector_load %arg8[%get3A_564] {strides = array<i32>} : memref<5120xi32, #tpu.memory_space<vmem>>, vector<16xi32>,
        %mul3A_566 = arith.constant 32 : i32
        %mul3A_567 = arith.muli %add3A_561, %mul3A_566 : i32
        %add3A_568 = arith.constant 16 : i32
        %add3A_569 = arith.addi %mul3A_567, %add3A_568 : i32
        %get3A_570 = arith.index_cast %add3A_569 : i32 to index
        %get3A_571 = tpu.vector_load %arg8[%get3A_570] {strides = array<i32>} : memref<5120xi32, #tpu.memory_space<vmem>>, vector<16xi32>,
        %gather3A_572 = tpu.vector_load_idx %arg10[%get3A_565] : memref<10240xf32, #tpu.memory_space<vmem>>[vector<16xi32>], vector<16xf32>,
        %gather3A_573 = tpu.vector_load_idx %arg10[%get3A_571] : memref<10240xf32, #tpu.memory_space<vmem>>[vector<16xi32>], vector<16xf32>,
        %mul3A_574 = arith.constant 160 : i32
        %mul3A_575 = arith.muli %add3A_17, %mul3A_574 : i32
        %add3A_576 = arith.addi %mul3A_575, %add3A_561 : i32
        %broadcast_in_dim3A_577 = vector.broadcast %add3A_576 : i32 to vector<16xi32>
        %gather3A_578 = tpu.vector_load_idx %arg9[%broadcast_in_dim3A_577] : memref<320xf32, #tpu.memory_space<vmem>>[vector<16xi32>], vector<16xf32>,
        %add3A_579 = arith.addf %gather3A_578, %gather3A_572 : vector<16xf32>
        %add3A_580 = arith.addf %gather3A_578, %gather3A_573 : vector<16xf32>
        %mul3A_581 = arith.constant 2.000000e-01 : f32
        %mul3A_582 = vector.broadcast %mul3A_581 : f32 to vector<16xf32>
        %mul3A_583 = arith.mulf %mul3A_582, %add3A_579 : vector<16xf32>
        %max3A_584 = arith.maximumf %add3A_579, %mul3A_583 : vector<16xf32>
        %mul3A_585 = arith.constant 2.000000e-01 : f32
        %mul3A_586 = vector.broadcast %mul3A_585 : f32 to vector<16xf32>
        %mul3A_587 = arith.mulf %mul3A_586, %add3A_580 : vector<16xf32>
        %max3A_588 = arith.maximumf %add3A_580, %mul3A_587 : vector<16xf32>
        %exp3A_589 = math.exp %max3A_584 : vector<16xf32>
        %exp3A_590 = math.exp %max3A_588 : vector<16xf32>
        %add3A_591 = arith.addf %exp3A_589, %exp3A_590 : vector<16xf32>
        %reduce_sum3A_592 = arith.constant true
        %reduce_sum3A_593 = vector.broadcast %reduce_sum3A_592 : i1 to vector<16xi1>
        %reduce_sum3A_594 = tpu.scan <sum>, %add3A_591 masked %reduce_sum3A_593 : vector<16xf32>, vector<16xi1> -> vector<16xf32>
        %reduce_sum3A_595 = vector.extract %reduce_sum3A_594[15] : f32 from vector<16xf32>
        %swap3A_596 = arith.constant 0 : index
        %swap3A_597 = tpu.vector_load %arg13[%swap3A_596] {strides = array<i32>} : memref<32xf32, #tpu.memory_space<vmem>>, vector<16xf32>,
        tpu.vector_store %arg13[%swap3A_596], %exp3A_589 {strides = array<i32>} : memref<32xf32, #tpu.memory_space<vmem>>, vector<16xf32>,
        %swap3A_598 = arith.constant 16 : index
        %swap3A_599 = tpu.vector_load %arg13[%swap3A_598] {strides = array<i32>} : memref<32xf32, #tpu.memory_space<vmem>>, vector<16xf32>,
        tpu.vector_store %arg13[%swap3A_598], %exp3A_590 {strides = array<i32>} : memref<32xf32, #tpu.memory_space<vmem>>, vector<16xf32>,
        %broadcast_in_dim3A_600 = vector.broadcast %reduce_sum3A_595 : f32 to vector<16xf32>
        %broadcast_in_dim3A_601 = arith.constant 0.000000e+00 : f32
        %broadcast_in_dim3A_602 = vector.broadcast %broadcast_in_dim3A_601 : f32 to vector<16xf32>
        %broadcast_in_dim3A_603 = arith.constant 0.000000e+00 : f32
        %broadcast_in_dim3A_604 = vector.broadcast %broadcast_in_dim3A_603 : f32 to vector<16xf32>
        %broadcast_in_dim3A_605 = arith.constant 0.000000e+00 : f32
        %broadcast_in_dim3A_606 = vector.broadcast %broadcast_in_dim3A_605 : f32 to vector<16xf32>
        %broadcast_in_dim3A_607 = arith.constant 0.000000e+00 : f32
        %broadcast_in_dim3A_608 = vector.broadcast %broadcast_in_dim3A_607 : f32 to vector<16xf32>
        %broadcast_in_dim3A_609 = arith.constant 0.000000e+00 : f32
        %broadcast_in_dim3A_610 = vector.broadcast %broadcast_in_dim3A_609 : f32 to vector<16xf32>
        %broadcast_in_dim3A_611 = arith.constant 0.000000e+00 : f32
        %broadcast_in_dim3A_612 = vector.broadcast %broadcast_in_dim3A_611 : f32 to vector<16xf32>
        %broadcast_in_dim3A_613 = arith.constant 0.000000e+00 : f32
        %broadcast_in_dim3A_614 = vector.broadcast %broadcast_in_dim3A_613 : f32 to vector<16xf32>
        %broadcast_in_dim3A_615 = arith.constant 0.000000e+00 : f32
        %broadcast_in_dim3A_616 = vector.broadcast %broadcast_in_dim3A_615 : f32 to vector<16xf32>
        %scan3A_617 = arith.constant 0 : i32
        %scan3A_618 = arith.constant 32 : i32
        %scan3A_619 = arith.addi %scan3A_617, %scan3A_618 : i32
        %scan3A_620 = arith.constant 1 : i32
        %scan3A_621:8 = scf.for %scan3A_1421 = %scan3A_617 to %scan3A_619 step %scan3A_620 iter_args(%scan3A_1422 = %broadcast_in_dim3A_602, %scan3A_1423 = %broadcast_in_dim3A_604, %scan3A_1424 = %broadcast_in_dim3A_606, %scan3A_1425 = %broadcast_in_dim3A_608, %scan3A_1426 = %broadcast_in_dim3A_610, %scan3A_1427 = %broadcast_in_dim3A_612, %scan3A_1428 = %broadcast_in_dim3A_614, %scan3A_1429 = %broadcast_in_dim3A_616) -> (vector<16xf32>, vector<16xf32>, vector<16xf32>, vector<16xf32>, vector<16xf32>, vector<16xf32>, vector<16xf32>, vector<16xf32>)  : i32 {
          %broadcast_in_dim3A_1430 = vector.broadcast %scan3A_1421 : i32 to vector<16xi32>
          %gather3A_1431 = tpu.vector_load_idx %arg13[%broadcast_in_dim3A_1430] : memref<32xf32, #tpu.memory_space<vmem>>[vector<16xi32>], vector<16xf32>,
          %add3A_1432 = arith.constant 96 : i32
          %add3A_1433 = arith.addi %add3A_1432, %scan3A_1421 : i32
          %get3A_1434 = arith.index_cast %add3A_1433 : i32 to index
          %get3A_1435 = arith.constant 0 : index
          %get3A_1436 = tpu.vector_load %arg11[%get3A_1434, %get3A_1435] {strides = array<i32>} : memref<128x128xf32, #tpu.memory_space<vmem>>, vector<16xf32>,
          %mul3A_1437 = arith.mulf %gather3A_1431, %get3A_1436 : vector<16xf32>
          %add3A_1438 = arith.addf %scan3A_1422, %mul3A_1437 : vector<16xf32>
          %get3A_1439 = arith.index_cast %add3A_1433 : i32 to index
          %get3A_1440 = arith.constant 16 : index
          %get3A_1441 = tpu.vector_load %arg11[%get3A_1439, %get3A_1440] {strides = array<i32>} : memref<128x128xf32, #tpu.memory_space<vmem>>, vector<16xf32>,
          %mul3A_1442 = arith.mulf %gather3A_1431, %get3A_1441 : vector<16xf32>
          %add3A_1443 = arith.addf %scan3A_1423, %mul3A_1442 : vector<16xf32>
          %get3A_1444 = arith.index_cast %add3A_1433 : i32 to index
          %get3A_1445 = arith.constant 32 : index
          %get3A_1446 = tpu.vector_load %arg11[%get3A_1444, %get3A_1445] {strides = array<i32>} : memref<128x128xf32, #tpu.memory_space<vmem>>, vector<16xf32>,
          %mul3A_1447 = arith.mulf %gather3A_1431, %get3A_1446 : vector<16xf32>
          %add3A_1448 = arith.addf %scan3A_1424, %mul3A_1447 : vector<16xf32>
          %get3A_1449 = arith.index_cast %add3A_1433 : i32 to index
          %get3A_1450 = arith.constant 48 : index
          %get3A_1451 = tpu.vector_load %arg11[%get3A_1449, %get3A_1450] {strides = array<i32>} : memref<128x128xf32, #tpu.memory_space<vmem>>, vector<16xf32>,
          %mul3A_1452 = arith.mulf %gather3A_1431, %get3A_1451 : vector<16xf32>
          %add3A_1453 = arith.addf %scan3A_1425, %mul3A_1452 : vector<16xf32>
          %get3A_1454 = arith.index_cast %add3A_1433 : i32 to index
          %get3A_1455 = arith.constant 64 : index
          %get3A_1456 = tpu.vector_load %arg11[%get3A_1454, %get3A_1455] {strides = array<i32>} : memref<128x128xf32, #tpu.memory_space<vmem>>, vector<16xf32>,
          %mul3A_1457 = arith.mulf %gather3A_1431, %get3A_1456 : vector<16xf32>
          %add3A_1458 = arith.addf %scan3A_1426, %mul3A_1457 : vector<16xf32>
          %get3A_1459 = arith.index_cast %add3A_1433 : i32 to index
          %get3A_1460 = arith.constant 80 : index
          %get3A_1461 = tpu.vector_load %arg11[%get3A_1459, %get3A_1460] {strides = array<i32>} : memref<128x128xf32, #tpu.memory_space<vmem>>, vector<16xf32>,
          %mul3A_1462 = arith.mulf %gather3A_1431, %get3A_1461 : vector<16xf32>
          %add3A_1463 = arith.addf %scan3A_1427, %mul3A_1462 : vector<16xf32>
          %get3A_1464 = arith.index_cast %add3A_1433 : i32 to index
          %get3A_1465 = arith.constant 96 : index
          %get3A_1466 = tpu.vector_load %arg11[%get3A_1464, %get3A_1465] {strides = array<i32>} : memref<128x128xf32, #tpu.memory_space<vmem>>, vector<16xf32>,
          %mul3A_1467 = arith.mulf %gather3A_1431, %get3A_1466 : vector<16xf32>
          %add3A_1468 = arith.addf %scan3A_1428, %mul3A_1467 : vector<16xf32>
          %get3A_1469 = arith.index_cast %add3A_1433 : i32 to index
          %get3A_1470 = arith.constant 112 : index
          %get3A_1471 = tpu.vector_load %arg11[%get3A_1469, %get3A_1470] {strides = array<i32>} : memref<128x128xf32, #tpu.memory_space<vmem>>, vector<16xf32>,
          %mul3A_1472 = arith.mulf %gather3A_1431, %get3A_1471 : vector<16xf32>
          %add3A_1473 = arith.addf %scan3A_1429, %mul3A_1472 : vector<16xf32>
          scf.yield %add3A_1438, %add3A_1443, %add3A_1448, %add3A_1453, %add3A_1458, %add3A_1463, %add3A_1468, %add3A_1473 : vector<16xf32>, vector<16xf32>, vector<16xf32>, vector<16xf32>, vector<16xf32>, vector<16xf32>, vector<16xf32>, vector<16xf32>
        }
        %scan3A_622 = arith.constant 32 : i32
        %div3A_623 = arith.divf %scan3A_621#0, %broadcast_in_dim3A_600 : vector<16xf32>
        %gt3A_624 = arith.constant 0.000000e+00 : f32
        %gt3A_625 = vector.broadcast %gt3A_624 : f32 to vector<16xf32>
        %gt3A_626 = arith.cmpf ogt, %div3A_623, %gt3A_625 : vector<16xf32>
        %exp3A_627 = math.exp %div3A_623 : vector<16xf32>
        %sub3A_628 = arith.constant 1.000000e+00 : f32
        %sub3A_629 = vector.broadcast %sub3A_628 : f32 to vector<16xf32>
        %sub3A_630 = arith.subf %exp3A_627, %sub3A_629 : vector<16xf32>
        %select_n3A_631 = arith.select %gt3A_626, %div3A_623, %sub3A_630 : vector<16xi1>, vector<16xf32>
        %swap3A_632 = arith.constant 3 : i32
        %swap3A_633 = arith.index_cast %swap3A_632 : i32 to index
        %swap3A_634 = arith.constant 128 : index
        %swap3A_635 = tpu.vector_load %arg14[%swap3A_633, %swap3A_634] {strides = array<i32>} : memref<8x256xf32, #tpu.memory_space<vmem>>, vector<16xf32>,
        tpu.vector_store %arg14[%swap3A_633, %swap3A_634], %select_n3A_631 {strides = array<i32>} : memref<8x256xf32, #tpu.memory_space<vmem>>, vector<16xf32>,
        %div3A_636 = arith.divf %scan3A_621#1, %broadcast_in_dim3A_600 : vector<16xf32>
        %gt3A_637 = arith.constant 0.000000e+00 : f32
        %gt3A_638 = vector.broadcast %gt3A_637 : f32 to vector<16xf32>
        %gt3A_639 = arith.cmpf ogt, %div3A_636, %gt3A_638 : vector<16xf32>
        %exp3A_640 = math.exp %div3A_636 : vector<16xf32>
        %sub3A_641 = arith.constant 1.000000e+00 : f32
        %sub3A_642 = vector.broadcast %sub3A_641 : f32 to vector<16xf32>
        %sub3A_643 = arith.subf %exp3A_640, %sub3A_642 : vector<16xf32>
        %select_n3A_644 = arith.select %gt3A_639, %div3A_636, %sub3A_643 : vector<16xi1>, vector<16xf32>
        %swap3A_645 = arith.constant 3 : i32
        %swap3A_646 = arith.index_cast %swap3A_645 : i32 to index
        %swap3A_647 = arith.constant 144 : index
        %swap3A_648 = tpu.vector_load %arg14[%swap3A_646, %swap3A_647] {strides = array<i32>} : memref<8x256xf32, #tpu.memory_space<vmem>>, vector<16xf32>,
        tpu.vector_store %arg14[%swap3A_646, %swap3A_647], %select_n3A_644 {strides = array<i32>} : memref<8x256xf32, #tpu.memory_space<vmem>>, vector<16xf32>,
        %div3A_649 = arith.divf %scan3A_621#2, %broadcast_in_dim3A_600 : vector<16xf32>
        %gt3A_650 = arith.constant 0.000000e+00 : f32
        %gt3A_651 = vector.broadcast %gt3A_650 : f32 to vector<16xf32>
        %gt3A_652 = arith.cmpf ogt, %div3A_649, %gt3A_651 : vector<16xf32>
        %exp3A_653 = math.exp %div3A_649 : vector<16xf32>
        %sub3A_654 = arith.constant 1.000000e+00 : f32
        %sub3A_655 = vector.broadcast %sub3A_654 : f32 to vector<16xf32>
        %sub3A_656 = arith.subf %exp3A_653, %sub3A_655 : vector<16xf32>
        %select_n3A_657 = arith.select %gt3A_652, %div3A_649, %sub3A_656 : vector<16xi1>, vector<16xf32>
        %swap3A_658 = arith.constant 3 : i32
        %swap3A_659 = arith.index_cast %swap3A_658 : i32 to index
        %swap3A_660 = arith.constant 160 : index
        %swap3A_661 = tpu.vector_load %arg14[%swap3A_659, %swap3A_660] {strides = array<i32>} : memref<8x256xf32, #tpu.memory_space<vmem>>, vector<16xf32>,
        tpu.vector_store %arg14[%swap3A_659, %swap3A_660], %select_n3A_657 {strides = array<i32>} : memref<8x256xf32, #tpu.memory_space<vmem>>, vector<16xf32>,
        %div3A_662 = arith.divf %scan3A_621#3, %broadcast_in_dim3A_600 : vector<16xf32>
        %gt3A_663 = arith.constant 0.000000e+00 : f32
        %gt3A_664 = vector.broadcast %gt3A_663 : f32 to vector<16xf32>
        %gt3A_665 = arith.cmpf ogt, %div3A_662, %gt3A_664 : vector<16xf32>
        %exp3A_666 = math.exp %div3A_662 : vector<16xf32>
        %sub3A_667 = arith.constant 1.000000e+00 : f32
        %sub3A_668 = vector.broadcast %sub3A_667 : f32 to vector<16xf32>
        %sub3A_669 = arith.subf %exp3A_666, %sub3A_668 : vector<16xf32>
        %select_n3A_670 = arith.select %gt3A_665, %div3A_662, %sub3A_669 : vector<16xi1>, vector<16xf32>
        %swap3A_671 = arith.constant 3 : i32
        %swap3A_672 = arith.index_cast %swap3A_671 : i32 to index
        %swap3A_673 = arith.constant 176 : index
        %swap3A_674 = tpu.vector_load %arg14[%swap3A_672, %swap3A_673] {strides = array<i32>} : memref<8x256xf32, #tpu.memory_space<vmem>>, vector<16xf32>,
        tpu.vector_store %arg14[%swap3A_672, %swap3A_673], %select_n3A_670 {strides = array<i32>} : memref<8x256xf32, #tpu.memory_space<vmem>>, vector<16xf32>,
        %div3A_675 = arith.divf %scan3A_621#4, %broadcast_in_dim3A_600 : vector<16xf32>
        %gt3A_676 = arith.constant 0.000000e+00 : f32
        %gt3A_677 = vector.broadcast %gt3A_676 : f32 to vector<16xf32>
        %gt3A_678 = arith.cmpf ogt, %div3A_675, %gt3A_677 : vector<16xf32>
        %exp3A_679 = math.exp %div3A_675 : vector<16xf32>
        %sub3A_680 = arith.constant 1.000000e+00 : f32
        %sub3A_681 = vector.broadcast %sub3A_680 : f32 to vector<16xf32>
        %sub3A_682 = arith.subf %exp3A_679, %sub3A_681 : vector<16xf32>
        %select_n3A_683 = arith.select %gt3A_678, %div3A_675, %sub3A_682 : vector<16xi1>, vector<16xf32>
        %swap3A_684 = arith.constant 3 : i32
        %swap3A_685 = arith.index_cast %swap3A_684 : i32 to index
        %swap3A_686 = arith.constant 192 : index
        %swap3A_687 = tpu.vector_load %arg14[%swap3A_685, %swap3A_686] {strides = array<i32>} : memref<8x256xf32, #tpu.memory_space<vmem>>, vector<16xf32>,
        tpu.vector_store %arg14[%swap3A_685, %swap3A_686], %select_n3A_683 {strides = array<i32>} : memref<8x256xf32, #tpu.memory_space<vmem>>, vector<16xf32>,
        %div3A_688 = arith.divf %scan3A_621#5, %broadcast_in_dim3A_600 : vector<16xf32>
        %gt3A_689 = arith.constant 0.000000e+00 : f32
        %gt3A_690 = vector.broadcast %gt3A_689 : f32 to vector<16xf32>
        %gt3A_691 = arith.cmpf ogt, %div3A_688, %gt3A_690 : vector<16xf32>
        %exp3A_692 = math.exp %div3A_688 : vector<16xf32>
        %sub3A_693 = arith.constant 1.000000e+00 : f32
        %sub3A_694 = vector.broadcast %sub3A_693 : f32 to vector<16xf32>
        %sub3A_695 = arith.subf %exp3A_692, %sub3A_694 : vector<16xf32>
        %select_n3A_696 = arith.select %gt3A_691, %div3A_688, %sub3A_695 : vector<16xi1>, vector<16xf32>
        %swap3A_697 = arith.constant 3 : i32
        %swap3A_698 = arith.index_cast %swap3A_697 : i32 to index
        %swap3A_699 = arith.constant 208 : index
        %swap3A_700 = tpu.vector_load %arg14[%swap3A_698, %swap3A_699] {strides = array<i32>} : memref<8x256xf32, #tpu.memory_space<vmem>>, vector<16xf32>,
        tpu.vector_store %arg14[%swap3A_698, %swap3A_699], %select_n3A_696 {strides = array<i32>} : memref<8x256xf32, #tpu.memory_space<vmem>>, vector<16xf32>,
        %div3A_701 = arith.divf %scan3A_621#6, %broadcast_in_dim3A_600 : vector<16xf32>
        %gt3A_702 = arith.constant 0.000000e+00 : f32
        %gt3A_703 = vector.broadcast %gt3A_702 : f32 to vector<16xf32>
        %gt3A_704 = arith.cmpf ogt, %div3A_701, %gt3A_703 : vector<16xf32>
        %exp3A_705 = math.exp %div3A_701 : vector<16xf32>
        %sub3A_706 = arith.constant 1.000000e+00 : f32
        %sub3A_707 = vector.broadcast %sub3A_706 : f32 to vector<16xf32>
        %sub3A_708 = arith.subf %exp3A_705, %sub3A_707 : vector<16xf32>
        %select_n3A_709 = arith.select %gt3A_704, %div3A_701, %sub3A_708 : vector<16xi1>, vector<16xf32>
        %swap3A_710 = arith.constant 3 : i32
        %swap3A_711 = arith.index_cast %swap3A_710 : i32 to index
        %swap3A_712 = arith.constant 224 : index
        %swap3A_713 = tpu.vector_load %arg14[%swap3A_711, %swap3A_712] {strides = array<i32>} : memref<8x256xf32, #tpu.memory_space<vmem>>, vector<16xf32>,
        tpu.vector_store %arg14[%swap3A_711, %swap3A_712], %select_n3A_709 {strides = array<i32>} : memref<8x256xf32, #tpu.memory_space<vmem>>, vector<16xf32>,
        %div3A_714 = arith.divf %scan3A_621#7, %broadcast_in_dim3A_600 : vector<16xf32>
        %gt3A_715 = arith.constant 0.000000e+00 : f32
        %gt3A_716 = vector.broadcast %gt3A_715 : f32 to vector<16xf32>
        %gt3A_717 = arith.cmpf ogt, %div3A_714, %gt3A_716 : vector<16xf32>
        %exp3A_718 = math.exp %div3A_714 : vector<16xf32>
        %sub3A_719 = arith.constant 1.000000e+00 : f32
        %sub3A_720 = vector.broadcast %sub3A_719 : f32 to vector<16xf32>
        %sub3A_721 = arith.subf %exp3A_718, %sub3A_720 : vector<16xf32>
        %select_n3A_722 = arith.select %gt3A_717, %div3A_714, %sub3A_721 : vector<16xi1>, vector<16xf32>
        %swap3A_723 = arith.constant 3 : i32
        %swap3A_724 = arith.index_cast %swap3A_723 : i32 to index
        %swap3A_725 = arith.constant 240 : index
        %swap3A_726 = tpu.vector_load %arg14[%swap3A_724, %swap3A_725] {strides = array<i32>} : memref<8x256xf32, #tpu.memory_space<vmem>>, vector<16xf32>,
        tpu.vector_store %arg14[%swap3A_724, %swap3A_725], %select_n3A_722 {strides = array<i32>} : memref<8x256xf32, #tpu.memory_space<vmem>>, vector<16xf32>,
        %add3A_727 = arith.constant 1 : i32
        %add3A_728 = arith.addi %add3A_36, %add3A_727 : i32
        %mul3A_729 = arith.constant 128 : i32
        %mul3A_730 = arith.muli %add3A_728, %mul3A_729 : i32
        %dma_wait3A_731 = tpu.memref_slice %arg8[%mul3A_730] : memref<5120xi32, #tpu.memory_space<vmem>> -> memref<128xi32, #tpu.memory_space<vmem>>
        %dma_wait3A_732 = arith.constant 0 : i32
        %dma_wait3A_733 = arith.constant 0 : i32
        %dma_wait3A_734 = tpu.memref_slice %arg15[%dma_wait3A_732, %dma_wait3A_733] : memref<10000x128xf32, #tpu.memory_space<vmem_shared>> -> memref<10000x128xf32, #tpu.memory_space<vmem_shared>>
        tpu.wait_indirect_dma semaphore(%arg17 : memref<!tpu.dma_semaphore, #tpu.memory_space<semaphore_mem>>) src(%dma_wait3A_734 : memref<10000x128xf32, #tpu.memory_space<vmem_shared>>) dst(%arg12 : memref<128x128xf32, #tpu.memory_space<vmem>>)
        %add3A_735 = arith.constant 1 : i32
        %add3A_736 = arith.addi %add3A_728, %add3A_735 : i32
        %lt3A_737 = arith.constant 40 : i32
        %lt3A_738 = arith.cmpi slt, %add3A_736, %lt3A_737 : i32
        %convert_element_type3A_739 = arith.extui %lt3A_738 : i1 to i32
        %cond3A_740 = arith.constant 0 : i32
        %cond3A_741 = arith.cmpi ne, %convert_element_type3A_739, %cond3A_740 : i32
        scf.if %cond3A_741 {
          %add3A_1421 = arith.constant 1 : i32
          %add3A_1422 = arith.addi %add3A_728, %add3A_1421 : i32
          %mul3A_1423 = arith.constant 128 : i32
          %mul3A_1424 = arith.muli %add3A_1422, %mul3A_1423 : i32
          %dma_start3A_1425 = tpu.memref_slice %arg8[%mul3A_1424] : memref<5120xi32, #tpu.memory_space<vmem>> -> memref<128xi32, #tpu.memory_space<vmem>>
          %dma_start3A_1426 = arith.constant 0 : i32
          %dma_start3A_1427 = arith.constant 0 : i32
          %dma_start3A_1428 = tpu.memref_slice %arg15[%dma_start3A_1426, %dma_start3A_1427] : memref<10000x128xf32, #tpu.memory_space<vmem_shared>> -> memref<10000x128xf32, #tpu.memory_space<vmem_shared>>
          tpu.enqueue_indirect_dma source(%dma_start3A_1428 : memref<10000x128xf32, #tpu.memory_space<vmem_shared>>) target(%arg11 : memref<128x128xf32, #tpu.memory_space<vmem>>) offsets(%dma_start3A_1425 : memref<128xi32, #tpu.memory_space<vmem>>) semaphore(%arg16 : memref<!tpu.dma_semaphore, #tpu.memory_space<semaphore_mem>>)
        } else {
        }
        %mul3A_742 = arith.constant 4 : i32
        %mul3A_743 = arith.muli %add3A_728, %mul3A_742 : i32
        %add3A_744 = arith.constant 0 : i32
        %add3A_745 = arith.addi %mul3A_743, %add3A_744 : i32
        %mul3A_746 = arith.constant 32 : i32
        %mul3A_747 = arith.muli %add3A_745, %mul3A_746 : i32
        %get3A_748 = arith.index_cast %mul3A_747 : i32 to index
        %get3A_749 = tpu.vector_load %arg8[%get3A_748] {strides = array<i32>} : memref<5120xi32, #tpu.memory_space<vmem>>, vector<16xi32>,
        %mul3A_750 = arith.constant 32 : i32
        %mul3A_751 = arith.muli %add3A_745, %mul3A_750 : i32
        %add3A_752 = arith.constant 16 : i32
        %add3A_753 = arith.addi %mul3A_751, %add3A_752 : i32
        %get3A_754 = arith.index_cast %add3A_753 : i32 to index
        %get3A_755 = tpu.vector_load %arg8[%get3A_754] {strides = array<i32>} : memref<5120xi32, #tpu.memory_space<vmem>>, vector<16xi32>,
        %gather3A_756 = tpu.vector_load_idx %arg10[%get3A_749] : memref<10240xf32, #tpu.memory_space<vmem>>[vector<16xi32>], vector<16xf32>,
        %gather3A_757 = tpu.vector_load_idx %arg10[%get3A_755] : memref<10240xf32, #tpu.memory_space<vmem>>[vector<16xi32>], vector<16xf32>,
        %mul3A_758 = arith.constant 160 : i32
        %mul3A_759 = arith.muli %add3A_17, %mul3A_758 : i32
        %add3A_760 = arith.addi %mul3A_759, %add3A_745 : i32
        %broadcast_in_dim3A_761 = vector.broadcast %add3A_760 : i32 to vector<16xi32>
        %gather3A_762 = tpu.vector_load_idx %arg9[%broadcast_in_dim3A_761] : memref<320xf32, #tpu.memory_space<vmem>>[vector<16xi32>], vector<16xf32>,
        %add3A_763 = arith.addf %gather3A_762, %gather3A_756 : vector<16xf32>
        %add3A_764 = arith.addf %gather3A_762, %gather3A_757 : vector<16xf32>
        %mul3A_765 = arith.constant 2.000000e-01 : f32
        %mul3A_766 = vector.broadcast %mul3A_765 : f32 to vector<16xf32>
        %mul3A_767 = arith.mulf %mul3A_766, %add3A_763 : vector<16xf32>
        %max3A_768 = arith.maximumf %add3A_763, %mul3A_767 : vector<16xf32>
        %mul3A_769 = arith.constant 2.000000e-01 : f32
        %mul3A_770 = vector.broadcast %mul3A_769 : f32 to vector<16xf32>
        %mul3A_771 = arith.mulf %mul3A_770, %add3A_764 : vector<16xf32>
        %max3A_772 = arith.maximumf %add3A_764, %mul3A_771 : vector<16xf32>
        %exp3A_773 = math.exp %max3A_768 : vector<16xf32>
        %exp3A_774 = math.exp %max3A_772 : vector<16xf32>
        %add3A_775 = arith.addf %exp3A_773, %exp3A_774 : vector<16xf32>
        %reduce_sum3A_776 = arith.constant true
        %reduce_sum3A_777 = vector.broadcast %reduce_sum3A_776 : i1 to vector<16xi1>
        %reduce_sum3A_778 = tpu.scan <sum>, %add3A_775 masked %reduce_sum3A_777 : vector<16xf32>, vector<16xi1> -> vector<16xf32>
        %reduce_sum3A_779 = vector.extract %reduce_sum3A_778[15] : f32 from vector<16xf32>
        %swap3A_780 = arith.constant 0 : index
        %swap3A_781 = tpu.vector_load %arg13[%swap3A_780] {strides = array<i32>} : memref<32xf32, #tpu.memory_space<vmem>>, vector<16xf32>,
        tpu.vector_store %arg13[%swap3A_780], %exp3A_773 {strides = array<i32>} : memref<32xf32, #tpu.memory_space<vmem>>, vector<16xf32>,
        %swap3A_782 = arith.constant 16 : index
        %swap3A_783 = tpu.vector_load %arg13[%swap3A_782] {strides = array<i32>} : memref<32xf32, #tpu.memory_space<vmem>>, vector<16xf32>,
        tpu.vector_store %arg13[%swap3A_782], %exp3A_774 {strides = array<i32>} : memref<32xf32, #tpu.memory_space<vmem>>, vector<16xf32>,
        %broadcast_in_dim3A_784 = vector.broadcast %reduce_sum3A_779 : f32 to vector<16xf32>
        %broadcast_in_dim3A_785 = arith.constant 0.000000e+00 : f32
        %broadcast_in_dim3A_786 = vector.broadcast %broadcast_in_dim3A_785 : f32 to vector<16xf32>
        %broadcast_in_dim3A_787 = arith.constant 0.000000e+00 : f32
        %broadcast_in_dim3A_788 = vector.broadcast %broadcast_in_dim3A_787 : f32 to vector<16xf32>
        %broadcast_in_dim3A_789 = arith.constant 0.000000e+00 : f32
        %broadcast_in_dim3A_790 = vector.broadcast %broadcast_in_dim3A_789 : f32 to vector<16xf32>
        %broadcast_in_dim3A_791 = arith.constant 0.000000e+00 : f32
        %broadcast_in_dim3A_792 = vector.broadcast %broadcast_in_dim3A_791 : f32 to vector<16xf32>
        %broadcast_in_dim3A_793 = arith.constant 0.000000e+00 : f32
        %broadcast_in_dim3A_794 = vector.broadcast %broadcast_in_dim3A_793 : f32 to vector<16xf32>
        %broadcast_in_dim3A_795 = arith.constant 0.000000e+00 : f32
        %broadcast_in_dim3A_796 = vector.broadcast %broadcast_in_dim3A_795 : f32 to vector<16xf32>
        %broadcast_in_dim3A_797 = arith.constant 0.000000e+00 : f32
        %broadcast_in_dim3A_798 = vector.broadcast %broadcast_in_dim3A_797 : f32 to vector<16xf32>
        %broadcast_in_dim3A_799 = arith.constant 0.000000e+00 : f32
        %broadcast_in_dim3A_800 = vector.broadcast %broadcast_in_dim3A_799 : f32 to vector<16xf32>
        %scan3A_801 = arith.constant 0 : i32
        %scan3A_802 = arith.constant 32 : i32
        %scan3A_803 = arith.addi %scan3A_801, %scan3A_802 : i32
        %scan3A_804 = arith.constant 1 : i32
        %scan3A_805:8 = scf.for %scan3A_1421 = %scan3A_801 to %scan3A_803 step %scan3A_804 iter_args(%scan3A_1422 = %broadcast_in_dim3A_786, %scan3A_1423 = %broadcast_in_dim3A_788, %scan3A_1424 = %broadcast_in_dim3A_790, %scan3A_1425 = %broadcast_in_dim3A_792, %scan3A_1426 = %broadcast_in_dim3A_794, %scan3A_1427 = %broadcast_in_dim3A_796, %scan3A_1428 = %broadcast_in_dim3A_798, %scan3A_1429 = %broadcast_in_dim3A_800) -> (vector<16xf32>, vector<16xf32>, vector<16xf32>, vector<16xf32>, vector<16xf32>, vector<16xf32>, vector<16xf32>, vector<16xf32>)  : i32 {
          %broadcast_in_dim3A_1430 = vector.broadcast %scan3A_1421 : i32 to vector<16xi32>
          %gather3A_1431 = tpu.vector_load_idx %arg13[%broadcast_in_dim3A_1430] : memref<32xf32, #tpu.memory_space<vmem>>[vector<16xi32>], vector<16xf32>,
          %add3A_1432 = arith.constant 0 : i32
          %add3A_1433 = arith.addi %add3A_1432, %scan3A_1421 : i32
          %get3A_1434 = arith.index_cast %add3A_1433 : i32 to index
          %get3A_1435 = arith.constant 0 : index
          %get3A_1436 = tpu.vector_load %arg12[%get3A_1434, %get3A_1435] {strides = array<i32>} : memref<128x128xf32, #tpu.memory_space<vmem>>, vector<16xf32>,
          %mul3A_1437 = arith.mulf %gather3A_1431, %get3A_1436 : vector<16xf32>
          %add3A_1438 = arith.addf %scan3A_1422, %mul3A_1437 : vector<16xf32>
          %get3A_1439 = arith.index_cast %add3A_1433 : i32 to index
          %get3A_1440 = arith.constant 16 : index
          %get3A_1441 = tpu.vector_load %arg12[%get3A_1439, %get3A_1440] {strides = array<i32>} : memref<128x128xf32, #tpu.memory_space<vmem>>, vector<16xf32>,
          %mul3A_1442 = arith.mulf %gather3A_1431, %get3A_1441 : vector<16xf32>
          %add3A_1443 = arith.addf %scan3A_1423, %mul3A_1442 : vector<16xf32>
          %get3A_1444 = arith.index_cast %add3A_1433 : i32 to index
          %get3A_1445 = arith.constant 32 : index
          %get3A_1446 = tpu.vector_load %arg12[%get3A_1444, %get3A_1445] {strides = array<i32>} : memref<128x128xf32, #tpu.memory_space<vmem>>, vector<16xf32>,
          %mul3A_1447 = arith.mulf %gather3A_1431, %get3A_1446 : vector<16xf32>
          %add3A_1448 = arith.addf %scan3A_1424, %mul3A_1447 : vector<16xf32>
          %get3A_1449 = arith.index_cast %add3A_1433 : i32 to index
          %get3A_1450 = arith.constant 48 : index
          %get3A_1451 = tpu.vector_load %arg12[%get3A_1449, %get3A_1450] {strides = array<i32>} : memref<128x128xf32, #tpu.memory_space<vmem>>, vector<16xf32>,
          %mul3A_1452 = arith.mulf %gather3A_1431, %get3A_1451 : vector<16xf32>
          %add3A_1453 = arith.addf %scan3A_1425, %mul3A_1452 : vector<16xf32>
          %get3A_1454 = arith.index_cast %add3A_1433 : i32 to index
          %get3A_1455 = arith.constant 64 : index
          %get3A_1456 = tpu.vector_load %arg12[%get3A_1454, %get3A_1455] {strides = array<i32>} : memref<128x128xf32, #tpu.memory_space<vmem>>, vector<16xf32>,
          %mul3A_1457 = arith.mulf %gather3A_1431, %get3A_1456 : vector<16xf32>
          %add3A_1458 = arith.addf %scan3A_1426, %mul3A_1457 : vector<16xf32>
          %get3A_1459 = arith.index_cast %add3A_1433 : i32 to index
          %get3A_1460 = arith.constant 80 : index
          %get3A_1461 = tpu.vector_load %arg12[%get3A_1459, %get3A_1460] {strides = array<i32>} : memref<128x128xf32, #tpu.memory_space<vmem>>, vector<16xf32>,
          %mul3A_1462 = arith.mulf %gather3A_1431, %get3A_1461 : vector<16xf32>
          %add3A_1463 = arith.addf %scan3A_1427, %mul3A_1462 : vector<16xf32>
          %get3A_1464 = arith.index_cast %add3A_1433 : i32 to index
          %get3A_1465 = arith.constant 96 : index
          %get3A_1466 = tpu.vector_load %arg12[%get3A_1464, %get3A_1465] {strides = array<i32>} : memref<128x128xf32, #tpu.memory_space<vmem>>, vector<16xf32>,
          %mul3A_1467 = arith.mulf %gather3A_1431, %get3A_1466 : vector<16xf32>
          %add3A_1468 = arith.addf %scan3A_1428, %mul3A_1467 : vector<16xf32>
          %get3A_1469 = arith.index_cast %add3A_1433 : i32 to index
          %get3A_1470 = arith.constant 112 : index
          %get3A_1471 = tpu.vector_load %arg12[%get3A_1469, %get3A_1470] {strides = array<i32>} : memref<128x128xf32, #tpu.memory_space<vmem>>, vector<16xf32>,
          %mul3A_1472 = arith.mulf %gather3A_1431, %get3A_1471 : vector<16xf32>
          %add3A_1473 = arith.addf %scan3A_1429, %mul3A_1472 : vector<16xf32>
          scf.yield %add3A_1438, %add3A_1443, %add3A_1448, %add3A_1453, %add3A_1458, %add3A_1463, %add3A_1468, %add3A_1473 : vector<16xf32>, vector<16xf32>, vector<16xf32>, vector<16xf32>, vector<16xf32>, vector<16xf32>, vector<16xf32>, vector<16xf32>
        }
        %scan3A_806 = arith.constant 32 : i32
        %div3A_807 = arith.divf %scan3A_805#0, %broadcast_in_dim3A_784 : vector<16xf32>
        %gt3A_808 = arith.constant 0.000000e+00 : f32
        %gt3A_809 = vector.broadcast %gt3A_808 : f32 to vector<16xf32>
        %gt3A_810 = arith.cmpf ogt, %div3A_807, %gt3A_809 : vector<16xf32>
        %exp3A_811 = math.exp %div3A_807 : vector<16xf32>
        %sub3A_812 = arith.constant 1.000000e+00 : f32
        %sub3A_813 = vector.broadcast %sub3A_812 : f32 to vector<16xf32>
        %sub3A_814 = arith.subf %exp3A_811, %sub3A_813 : vector<16xf32>
        %select_n3A_815 = arith.select %gt3A_810, %div3A_807, %sub3A_814 : vector<16xi1>, vector<16xf32>
        %swap3A_816 = arith.constant 4 : i32
        %swap3A_817 = arith.index_cast %swap3A_816 : i32 to index
        %swap3A_818 = arith.constant 128 : index
        %swap3A_819 = tpu.vector_load %arg14[%swap3A_817, %swap3A_818] {strides = array<i32>} : memref<8x256xf32, #tpu.memory_space<vmem>>, vector<16xf32>,
        tpu.vector_store %arg14[%swap3A_817, %swap3A_818], %select_n3A_815 {strides = array<i32>} : memref<8x256xf32, #tpu.memory_space<vmem>>, vector<16xf32>,
        %div3A_820 = arith.divf %scan3A_805#1, %broadcast_in_dim3A_784 : vector<16xf32>
        %gt3A_821 = arith.constant 0.000000e+00 : f32
        %gt3A_822 = vector.broadcast %gt3A_821 : f32 to vector<16xf32>
        %gt3A_823 = arith.cmpf ogt, %div3A_820, %gt3A_822 : vector<16xf32>
        %exp3A_824 = math.exp %div3A_820 : vector<16xf32>
        %sub3A_825 = arith.constant 1.000000e+00 : f32
        %sub3A_826 = vector.broadcast %sub3A_825 : f32 to vector<16xf32>
        %sub3A_827 = arith.subf %exp3A_824, %sub3A_826 : vector<16xf32>
        %select_n3A_828 = arith.select %gt3A_823, %div3A_820, %sub3A_827 : vector<16xi1>, vector<16xf32>
        %swap3A_829 = arith.constant 4 : i32
        %swap3A_830 = arith.index_cast %swap3A_829 : i32 to index
        %swap3A_831 = arith.constant 144 : index
        %swap3A_832 = tpu.vector_load %arg14[%swap3A_830, %swap3A_831] {strides = array<i32>} : memref<8x256xf32, #tpu.memory_space<vmem>>, vector<16xf32>,
        tpu.vector_store %arg14[%swap3A_830, %swap3A_831], %select_n3A_828 {strides = array<i32>} : memref<8x256xf32, #tpu.memory_space<vmem>>, vector<16xf32>,
        %div3A_833 = arith.divf %scan3A_805#2, %broadcast_in_dim3A_784 : vector<16xf32>
        %gt3A_834 = arith.constant 0.000000e+00 : f32
        %gt3A_835 = vector.broadcast %gt3A_834 : f32 to vector<16xf32>
        %gt3A_836 = arith.cmpf ogt, %div3A_833, %gt3A_835 : vector<16xf32>
        %exp3A_837 = math.exp %div3A_833 : vector<16xf32>
        %sub3A_838 = arith.constant 1.000000e+00 : f32
        %sub3A_839 = vector.broadcast %sub3A_838 : f32 to vector<16xf32>
        %sub3A_840 = arith.subf %exp3A_837, %sub3A_839 : vector<16xf32>
        %select_n3A_841 = arith.select %gt3A_836, %div3A_833, %sub3A_840 : vector<16xi1>, vector<16xf32>
        %swap3A_842 = arith.constant 4 : i32
        %swap3A_843 = arith.index_cast %swap3A_842 : i32 to index
        %swap3A_844 = arith.constant 160 : index
        %swap3A_845 = tpu.vector_load %arg14[%swap3A_843, %swap3A_844] {strides = array<i32>} : memref<8x256xf32, #tpu.memory_space<vmem>>, vector<16xf32>,
        tpu.vector_store %arg14[%swap3A_843, %swap3A_844], %select_n3A_841 {strides = array<i32>} : memref<8x256xf32, #tpu.memory_space<vmem>>, vector<16xf32>,
        %div3A_846 = arith.divf %scan3A_805#3, %broadcast_in_dim3A_784 : vector<16xf32>
        %gt3A_847 = arith.constant 0.000000e+00 : f32
        %gt3A_848 = vector.broadcast %gt3A_847 : f32 to vector<16xf32>
        %gt3A_849 = arith.cmpf ogt, %div3A_846, %gt3A_848 : vector<16xf32>
        %exp3A_850 = math.exp %div3A_846 : vector<16xf32>
        %sub3A_851 = arith.constant 1.000000e+00 : f32
        %sub3A_852 = vector.broadcast %sub3A_851 : f32 to vector<16xf32>
        %sub3A_853 = arith.subf %exp3A_850, %sub3A_852 : vector<16xf32>
        %select_n3A_854 = arith.select %gt3A_849, %div3A_846, %sub3A_853 : vector<16xi1>, vector<16xf32>
        %swap3A_855 = arith.constant 4 : i32
        %swap3A_856 = arith.index_cast %swap3A_855 : i32 to index
        %swap3A_857 = arith.constant 176 : index
        %swap3A_858 = tpu.vector_load %arg14[%swap3A_856, %swap3A_857] {strides = array<i32>} : memref<8x256xf32, #tpu.memory_space<vmem>>, vector<16xf32>,
        tpu.vector_store %arg14[%swap3A_856, %swap3A_857], %select_n3A_854 {strides = array<i32>} : memref<8x256xf32, #tpu.memory_space<vmem>>, vector<16xf32>,
        %div3A_859 = arith.divf %scan3A_805#4, %broadcast_in_dim3A_784 : vector<16xf32>
        %gt3A_860 = arith.constant 0.000000e+00 : f32
        %gt3A_861 = vector.broadcast %gt3A_860 : f32 to vector<16xf32>
        %gt3A_862 = arith.cmpf ogt, %div3A_859, %gt3A_861 : vector<16xf32>
        %exp3A_863 = math.exp %div3A_859 : vector<16xf32>
        %sub3A_864 = arith.constant 1.000000e+00 : f32
        %sub3A_865 = vector.broadcast %sub3A_864 : f32 to vector<16xf32>
        %sub3A_866 = arith.subf %exp3A_863, %sub3A_865 : vector<16xf32>
        %select_n3A_867 = arith.select %gt3A_862, %div3A_859, %sub3A_866 : vector<16xi1>, vector<16xf32>
        %swap3A_868 = arith.constant 4 : i32
        %swap3A_869 = arith.index_cast %swap3A_868 : i32 to index
        %swap3A_870 = arith.constant 192 : index
        %swap3A_871 = tpu.vector_load %arg14[%swap3A_869, %swap3A_870] {strides = array<i32>} : memref<8x256xf32, #tpu.memory_space<vmem>>, vector<16xf32>,
        tpu.vector_store %arg14[%swap3A_869, %swap3A_870], %select_n3A_867 {strides = array<i32>} : memref<8x256xf32, #tpu.memory_space<vmem>>, vector<16xf32>,
        %div3A_872 = arith.divf %scan3A_805#5, %broadcast_in_dim3A_784 : vector<16xf32>
        %gt3A_873 = arith.constant 0.000000e+00 : f32
        %gt3A_874 = vector.broadcast %gt3A_873 : f32 to vector<16xf32>
        %gt3A_875 = arith.cmpf ogt, %div3A_872, %gt3A_874 : vector<16xf32>
        %exp3A_876 = math.exp %div3A_872 : vector<16xf32>
        %sub3A_877 = arith.constant 1.000000e+00 : f32
        %sub3A_878 = vector.broadcast %sub3A_877 : f32 to vector<16xf32>
        %sub3A_879 = arith.subf %exp3A_876, %sub3A_878 : vector<16xf32>
        %select_n3A_880 = arith.select %gt3A_875, %div3A_872, %sub3A_879 : vector<16xi1>, vector<16xf32>
        %swap3A_881 = arith.constant 4 : i32
        %swap3A_882 = arith.index_cast %swap3A_881 : i32 to index
        %swap3A_883 = arith.constant 208 : index
        %swap3A_884 = tpu.vector_load %arg14[%swap3A_882, %swap3A_883] {strides = array<i32>} : memref<8x256xf32, #tpu.memory_space<vmem>>, vector<16xf32>,
        tpu.vector_store %arg14[%swap3A_882, %swap3A_883], %select_n3A_880 {strides = array<i32>} : memref<8x256xf32, #tpu.memory_space<vmem>>, vector<16xf32>,
        %div3A_885 = arith.divf %scan3A_805#6, %broadcast_in_dim3A_784 : vector<16xf32>
        %gt3A_886 = arith.constant 0.000000e+00 : f32
        %gt3A_887 = vector.broadcast %gt3A_886 : f32 to vector<16xf32>
        %gt3A_888 = arith.cmpf ogt, %div3A_885, %gt3A_887 : vector<16xf32>
        %exp3A_889 = math.exp %div3A_885 : vector<16xf32>
        %sub3A_890 = arith.constant 1.000000e+00 : f32
        %sub3A_891 = vector.broadcast %sub3A_890 : f32 to vector<16xf32>
        %sub3A_892 = arith.subf %exp3A_889, %sub3A_891 : vector<16xf32>
        %select_n3A_893 = arith.select %gt3A_888, %div3A_885, %sub3A_892 : vector<16xi1>, vector<16xf32>
        %swap3A_894 = arith.constant 4 : i32
        %swap3A_895 = arith.index_cast %swap3A_894 : i32 to index
        %swap3A_896 = arith.constant 224 : index
        %swap3A_897 = tpu.vector_load %arg14[%swap3A_895, %swap3A_896] {strides = array<i32>} : memref<8x256xf32, #tpu.memory_space<vmem>>, vector<16xf32>,
        tpu.vector_store %arg14[%swap3A_895, %swap3A_896], %select_n3A_893 {strides = array<i32>} : memref<8x256xf32, #tpu.memory_space<vmem>>, vector<16xf32>,
        %div3A_898 = arith.divf %scan3A_805#7, %broadcast_in_dim3A_784 : vector<16xf32>
        %gt3A_899 = arith.constant 0.000000e+00 : f32
        %gt3A_900 = vector.broadcast %gt3A_899 : f32 to vector<16xf32>
        %gt3A_901 = arith.cmpf ogt, %div3A_898, %gt3A_900 : vector<16xf32>
        %exp3A_902 = math.exp %div3A_898 : vector<16xf32>
        %sub3A_903 = arith.constant 1.000000e+00 : f32
        %sub3A_904 = vector.broadcast %sub3A_903 : f32 to vector<16xf32>
        %sub3A_905 = arith.subf %exp3A_902, %sub3A_904 : vector<16xf32>
        %select_n3A_906 = arith.select %gt3A_901, %div3A_898, %sub3A_905 : vector<16xi1>, vector<16xf32>
        %swap3A_907 = arith.constant 4 : i32
        %swap3A_908 = arith.index_cast %swap3A_907 : i32 to index
        %swap3A_909 = arith.constant 240 : index
        %swap3A_910 = tpu.vector_load %arg14[%swap3A_908, %swap3A_909] {strides = array<i32>} : memref<8x256xf32, #tpu.memory_space<vmem>>, vector<16xf32>,
        tpu.vector_store %arg14[%swap3A_908, %swap3A_909], %select_n3A_906 {strides = array<i32>} : memref<8x256xf32, #tpu.memory_space<vmem>>, vector<16xf32>,
        %mul3A_911 = arith.constant 4 : i32
        %mul3A_912 = arith.muli %add3A_728, %mul3A_911 : i32
        %add3A_913 = arith.constant 1 : i32
        %add3A_914 = arith.addi %mul3A_912, %add3A_913 : i32
        %mul3A_915 = arith.constant 32 : i32
        %mul3A_916 = arith.muli %add3A_914, %mul3A_915 : i32
        %get3A_917 = arith.index_cast %mul3A_916 : i32 to index
        %get3A_918 = tpu.vector_load %arg8[%get3A_917] {strides = array<i32>} : memref<5120xi32, #tpu.memory_space<vmem>>, vector<16xi32>,
        %mul3A_919 = arith.constant 32 : i32
        %mul3A_920 = arith.muli %add3A_914, %mul3A_919 : i32
        %add3A_921 = arith.constant 16 : i32
        %add3A_922 = arith.addi %mul3A_920, %add3A_921 : i32
        %get3A_923 = arith.index_cast %add3A_922 : i32 to index
        %get3A_924 = tpu.vector_load %arg8[%get3A_923] {strides = array<i32>} : memref<5120xi32, #tpu.memory_space<vmem>>, vector<16xi32>,
        %gather3A_925 = tpu.vector_load_idx %arg10[%get3A_918] : memref<10240xf32, #tpu.memory_space<vmem>>[vector<16xi32>], vector<16xf32>,
        %gather3A_926 = tpu.vector_load_idx %arg10[%get3A_924] : memref<10240xf32, #tpu.memory_space<vmem>>[vector<16xi32>], vector<16xf32>,
        %mul3A_927 = arith.constant 160 : i32
        %mul3A_928 = arith.muli %add3A_17, %mul3A_927 : i32
        %add3A_929 = arith.addi %mul3A_928, %add3A_914 : i32
        %broadcast_in_dim3A_930 = vector.broadcast %add3A_929 : i32 to vector<16xi32>
        %gather3A_931 = tpu.vector_load_idx %arg9[%broadcast_in_dim3A_930] : memref<320xf32, #tpu.memory_space<vmem>>[vector<16xi32>], vector<16xf32>,
        %add3A_932 = arith.addf %gather3A_931, %gather3A_925 : vector<16xf32>
        %add3A_933 = arith.addf %gather3A_931, %gather3A_926 : vector<16xf32>
        %mul3A_934 = arith.constant 2.000000e-01 : f32
        %mul3A_935 = vector.broadcast %mul3A_934 : f32 to vector<16xf32>
        %mul3A_936 = arith.mulf %mul3A_935, %add3A_932 : vector<16xf32>
        %max3A_937 = arith.maximumf %add3A_932, %mul3A_936 : vector<16xf32>
        %mul3A_938 = arith.constant 2.000000e-01 : f32
        %mul3A_939 = vector.broadcast %mul3A_938 : f32 to vector<16xf32>
        %mul3A_940 = arith.mulf %mul3A_939, %add3A_933 : vector<16xf32>
        %max3A_941 = arith.maximumf %add3A_933, %mul3A_940 : vector<16xf32>
        %exp3A_942 = math.exp %max3A_937 : vector<16xf32>
        %exp3A_943 = math.exp %max3A_941 : vector<16xf32>
        %add3A_944 = arith.addf %exp3A_942, %exp3A_943 : vector<16xf32>
        %reduce_sum3A_945 = arith.constant true
        %reduce_sum3A_946 = vector.broadcast %reduce_sum3A_945 : i1 to vector<16xi1>
        %reduce_sum3A_947 = tpu.scan <sum>, %add3A_944 masked %reduce_sum3A_946 : vector<16xf32>, vector<16xi1> -> vector<16xf32>
        %reduce_sum3A_948 = vector.extract %reduce_sum3A_947[15] : f32 from vector<16xf32>
        %swap3A_949 = arith.constant 0 : index
        %swap3A_950 = tpu.vector_load %arg13[%swap3A_949] {strides = array<i32>} : memref<32xf32, #tpu.memory_space<vmem>>, vector<16xf32>,
        tpu.vector_store %arg13[%swap3A_949], %exp3A_942 {strides = array<i32>} : memref<32xf32, #tpu.memory_space<vmem>>, vector<16xf32>,
        %swap3A_951 = arith.constant 16 : index
        %swap3A_952 = tpu.vector_load %arg13[%swap3A_951] {strides = array<i32>} : memref<32xf32, #tpu.memory_space<vmem>>, vector<16xf32>,
        tpu.vector_store %arg13[%swap3A_951], %exp3A_943 {strides = array<i32>} : memref<32xf32, #tpu.memory_space<vmem>>, vector<16xf32>,
        %broadcast_in_dim3A_953 = vector.broadcast %reduce_sum3A_948 : f32 to vector<16xf32>
        %broadcast_in_dim3A_954 = arith.constant 0.000000e+00 : f32
        %broadcast_in_dim3A_955 = vector.broadcast %broadcast_in_dim3A_954 : f32 to vector<16xf32>
        %broadcast_in_dim3A_956 = arith.constant 0.000000e+00 : f32
        %broadcast_in_dim3A_957 = vector.broadcast %broadcast_in_dim3A_956 : f32 to vector<16xf32>
        %broadcast_in_dim3A_958 = arith.constant 0.000000e+00 : f32
        %broadcast_in_dim3A_959 = vector.broadcast %broadcast_in_dim3A_958 : f32 to vector<16xf32>
        %broadcast_in_dim3A_960 = arith.constant 0.000000e+00 : f32
        %broadcast_in_dim3A_961 = vector.broadcast %broadcast_in_dim3A_960 : f32 to vector<16xf32>
        %broadcast_in_dim3A_962 = arith.constant 0.000000e+00 : f32
        %broadcast_in_dim3A_963 = vector.broadcast %broadcast_in_dim3A_962 : f32 to vector<16xf32>
        %broadcast_in_dim3A_964 = arith.constant 0.000000e+00 : f32
        %broadcast_in_dim3A_965 = vector.broadcast %broadcast_in_dim3A_964 : f32 to vector<16xf32>
        %broadcast_in_dim3A_966 = arith.constant 0.000000e+00 : f32
        %broadcast_in_dim3A_967 = vector.broadcast %broadcast_in_dim3A_966 : f32 to vector<16xf32>
        %broadcast_in_dim3A_968 = arith.constant 0.000000e+00 : f32
        %broadcast_in_dim3A_969 = vector.broadcast %broadcast_in_dim3A_968 : f32 to vector<16xf32>
        %scan3A_970 = arith.constant 0 : i32
        %scan3A_971 = arith.constant 32 : i32
        %scan3A_972 = arith.addi %scan3A_970, %scan3A_971 : i32
        %scan3A_973 = arith.constant 1 : i32
        %scan3A_974:8 = scf.for %scan3A_1421 = %scan3A_970 to %scan3A_972 step %scan3A_973 iter_args(%scan3A_1422 = %broadcast_in_dim3A_955, %scan3A_1423 = %broadcast_in_dim3A_957, %scan3A_1424 = %broadcast_in_dim3A_959, %scan3A_1425 = %broadcast_in_dim3A_961, %scan3A_1426 = %broadcast_in_dim3A_963, %scan3A_1427 = %broadcast_in_dim3A_965, %scan3A_1428 = %broadcast_in_dim3A_967, %scan3A_1429 = %broadcast_in_dim3A_969) -> (vector<16xf32>, vector<16xf32>, vector<16xf32>, vector<16xf32>, vector<16xf32>, vector<16xf32>, vector<16xf32>, vector<16xf32>)  : i32 {
          %broadcast_in_dim3A_1430 = vector.broadcast %scan3A_1421 : i32 to vector<16xi32>
          %gather3A_1431 = tpu.vector_load_idx %arg13[%broadcast_in_dim3A_1430] : memref<32xf32, #tpu.memory_space<vmem>>[vector<16xi32>], vector<16xf32>,
          %add3A_1432 = arith.constant 32 : i32
          %add3A_1433 = arith.addi %add3A_1432, %scan3A_1421 : i32
          %get3A_1434 = arith.index_cast %add3A_1433 : i32 to index
          %get3A_1435 = arith.constant 0 : index
          %get3A_1436 = tpu.vector_load %arg12[%get3A_1434, %get3A_1435] {strides = array<i32>} : memref<128x128xf32, #tpu.memory_space<vmem>>, vector<16xf32>,
          %mul3A_1437 = arith.mulf %gather3A_1431, %get3A_1436 : vector<16xf32>
          %add3A_1438 = arith.addf %scan3A_1422, %mul3A_1437 : vector<16xf32>
          %get3A_1439 = arith.index_cast %add3A_1433 : i32 to index
          %get3A_1440 = arith.constant 16 : index
          %get3A_1441 = tpu.vector_load %arg12[%get3A_1439, %get3A_1440] {strides = array<i32>} : memref<128x128xf32, #tpu.memory_space<vmem>>, vector<16xf32>,
          %mul3A_1442 = arith.mulf %gather3A_1431, %get3A_1441 : vector<16xf32>
          %add3A_1443 = arith.addf %scan3A_1423, %mul3A_1442 : vector<16xf32>
          %get3A_1444 = arith.index_cast %add3A_1433 : i32 to index
          %get3A_1445 = arith.constant 32 : index
          %get3A_1446 = tpu.vector_load %arg12[%get3A_1444, %get3A_1445] {strides = array<i32>} : memref<128x128xf32, #tpu.memory_space<vmem>>, vector<16xf32>,
          %mul3A_1447 = arith.mulf %gather3A_1431, %get3A_1446 : vector<16xf32>
          %add3A_1448 = arith.addf %scan3A_1424, %mul3A_1447 : vector<16xf32>
          %get3A_1449 = arith.index_cast %add3A_1433 : i32 to index
          %get3A_1450 = arith.constant 48 : index
          %get3A_1451 = tpu.vector_load %arg12[%get3A_1449, %get3A_1450] {strides = array<i32>} : memref<128x128xf32, #tpu.memory_space<vmem>>, vector<16xf32>,
          %mul3A_1452 = arith.mulf %gather3A_1431, %get3A_1451 : vector<16xf32>
          %add3A_1453 = arith.addf %scan3A_1425, %mul3A_1452 : vector<16xf32>
          %get3A_1454 = arith.index_cast %add3A_1433 : i32 to index
          %get3A_1455 = arith.constant 64 : index
          %get3A_1456 = tpu.vector_load %arg12[%get3A_1454, %get3A_1455] {strides = array<i32>} : memref<128x128xf32, #tpu.memory_space<vmem>>, vector<16xf32>,
          %mul3A_1457 = arith.mulf %gather3A_1431, %get3A_1456 : vector<16xf32>
          %add3A_1458 = arith.addf %scan3A_1426, %mul3A_1457 : vector<16xf32>
          %get3A_1459 = arith.index_cast %add3A_1433 : i32 to index
          %get3A_1460 = arith.constant 80 : index
          %get3A_1461 = tpu.vector_load %arg12[%get3A_1459, %get3A_1460] {strides = array<i32>} : memref<128x128xf32, #tpu.memory_space<vmem>>, vector<16xf32>,
          %mul3A_1462 = arith.mulf %gather3A_1431, %get3A_1461 : vector<16xf32>
          %add3A_1463 = arith.addf %scan3A_1427, %mul3A_1462 : vector<16xf32>
          %get3A_1464 = arith.index_cast %add3A_1433 : i32 to index
          %get3A_1465 = arith.constant 96 : index
          %get3A_1466 = tpu.vector_load %arg12[%get3A_1464, %get3A_1465] {strides = array<i32>} : memref<128x128xf32, #tpu.memory_space<vmem>>, vector<16xf32>,
          %mul3A_1467 = arith.mulf %gather3A_1431, %get3A_1466 : vector<16xf32>
          %add3A_1468 = arith.addf %scan3A_1428, %mul3A_1467 : vector<16xf32>
          %get3A_1469 = arith.index_cast %add3A_1433 : i32 to index
          %get3A_1470 = arith.constant 112 : index
          %get3A_1471 = tpu.vector_load %arg12[%get3A_1469, %get3A_1470] {strides = array<i32>} : memref<128x128xf32, #tpu.memory_space<vmem>>, vector<16xf32>,
          %mul3A_1472 = arith.mulf %gather3A_1431, %get3A_1471 : vector<16xf32>
          %add3A_1473 = arith.addf %scan3A_1429, %mul3A_1472 : vector<16xf32>
          scf.yield %add3A_1438, %add3A_1443, %add3A_1448, %add3A_1453, %add3A_1458, %add3A_1463, %add3A_1468, %add3A_1473 : vector<16xf32>, vector<16xf32>, vector<16xf32>, vector<16xf32>, vector<16xf32>, vector<16xf32>, vector<16xf32>, vector<16xf32>
        }
        %scan3A_975 = arith.constant 32 : i32
        %div3A_976 = arith.divf %scan3A_974#0, %broadcast_in_dim3A_953 : vector<16xf32>
        %gt3A_977 = arith.constant 0.000000e+00 : f32
        %gt3A_978 = vector.broadcast %gt3A_977 : f32 to vector<16xf32>
        %gt3A_979 = arith.cmpf ogt, %div3A_976, %gt3A_978 : vector<16xf32>
        %exp3A_980 = math.exp %div3A_976 : vector<16xf32>
        %sub3A_981 = arith.constant 1.000000e+00 : f32
        %sub3A_982 = vector.broadcast %sub3A_981 : f32 to vector<16xf32>
        %sub3A_983 = arith.subf %exp3A_980, %sub3A_982 : vector<16xf32>
        %select_n3A_984 = arith.select %gt3A_979, %div3A_976, %sub3A_983 : vector<16xi1>, vector<16xf32>
        %swap3A_985 = arith.constant 5 : i32
        %swap3A_986 = arith.index_cast %swap3A_985 : i32 to index
        %swap3A_987 = arith.constant 128 : index
        %swap3A_988 = tpu.vector_load %arg14[%swap3A_986, %swap3A_987] {strides = array<i32>} : memref<8x256xf32, #tpu.memory_space<vmem>>, vector<16xf32>,
        tpu.vector_store %arg14[%swap3A_986, %swap3A_987], %select_n3A_984 {strides = array<i32>} : memref<8x256xf32, #tpu.memory_space<vmem>>, vector<16xf32>,
        %div3A_989 = arith.divf %scan3A_974#1, %broadcast_in_dim3A_953 : vector<16xf32>
        %gt3A_990 = arith.constant 0.000000e+00 : f32
        %gt3A_991 = vector.broadcast %gt3A_990 : f32 to vector<16xf32>
        %gt3A_992 = arith.cmpf ogt, %div3A_989, %gt3A_991 : vector<16xf32>
        %exp3A_993 = math.exp %div3A_989 : vector<16xf32>
        %sub3A_994 = arith.constant 1.000000e+00 : f32
        %sub3A_995 = vector.broadcast %sub3A_994 : f32 to vector<16xf32>
        %sub3A_996 = arith.subf %exp3A_993, %sub3A_995 : vector<16xf32>
        %select_n3A_997 = arith.select %gt3A_992, %div3A_989, %sub3A_996 : vector<16xi1>, vector<16xf32>
        %swap3A_998 = arith.constant 5 : i32
        %swap3A_999 = arith.index_cast %swap3A_998 : i32 to index
        %swap3A_1000 = arith.constant 144 : index
        %swap3A_1001 = tpu.vector_load %arg14[%swap3A_999, %swap3A_1000] {strides = array<i32>} : memref<8x256xf32, #tpu.memory_space<vmem>>, vector<16xf32>,
        tpu.vector_store %arg14[%swap3A_999, %swap3A_1000], %select_n3A_997 {strides = array<i32>} : memref<8x256xf32, #tpu.memory_space<vmem>>, vector<16xf32>,
        %div3A_1002 = arith.divf %scan3A_974#2, %broadcast_in_dim3A_953 : vector<16xf32>
        %gt3A_1003 = arith.constant 0.000000e+00 : f32
        %gt3A_1004 = vector.broadcast %gt3A_1003 : f32 to vector<16xf32>
        %gt3A_1005 = arith.cmpf ogt, %div3A_1002, %gt3A_1004 : vector<16xf32>
        %exp3A_1006 = math.exp %div3A_1002 : vector<16xf32>
        %sub3A_1007 = arith.constant 1.000000e+00 : f32
        %sub3A_1008 = vector.broadcast %sub3A_1007 : f32 to vector<16xf32>
        %sub3A_1009 = arith.subf %exp3A_1006, %sub3A_1008 : vector<16xf32>
        %select_n3A_1010 = arith.select %gt3A_1005, %div3A_1002, %sub3A_1009 : vector<16xi1>, vector<16xf32>
        %swap3A_1011 = arith.constant 5 : i32
        %swap3A_1012 = arith.index_cast %swap3A_1011 : i32 to index
        %swap3A_1013 = arith.constant 160 : index
        %swap3A_1014 = tpu.vector_load %arg14[%swap3A_1012, %swap3A_1013] {strides = array<i32>} : memref<8x256xf32, #tpu.memory_space<vmem>>, vector<16xf32>,
        tpu.vector_store %arg14[%swap3A_1012, %swap3A_1013], %select_n3A_1010 {strides = array<i32>} : memref<8x256xf32, #tpu.memory_space<vmem>>, vector<16xf32>,
        %div3A_1015 = arith.divf %scan3A_974#3, %broadcast_in_dim3A_953 : vector<16xf32>
        %gt3A_1016 = arith.constant 0.000000e+00 : f32
        %gt3A_1017 = vector.broadcast %gt3A_1016 : f32 to vector<16xf32>
        %gt3A_1018 = arith.cmpf ogt, %div3A_1015, %gt3A_1017 : vector<16xf32>
        %exp3A_1019 = math.exp %div3A_1015 : vector<16xf32>
        %sub3A_1020 = arith.constant 1.000000e+00 : f32
        %sub3A_1021 = vector.broadcast %sub3A_1020 : f32 to vector<16xf32>
        %sub3A_1022 = arith.subf %exp3A_1019, %sub3A_1021 : vector<16xf32>
        %select_n3A_1023 = arith.select %gt3A_1018, %div3A_1015, %sub3A_1022 : vector<16xi1>, vector<16xf32>
        %swap3A_1024 = arith.constant 5 : i32
        %swap3A_1025 = arith.index_cast %swap3A_1024 : i32 to index
        %swap3A_1026 = arith.constant 176 : index
        %swap3A_1027 = tpu.vector_load %arg14[%swap3A_1025, %swap3A_1026] {strides = array<i32>} : memref<8x256xf32, #tpu.memory_space<vmem>>, vector<16xf32>,
        tpu.vector_store %arg14[%swap3A_1025, %swap3A_1026], %select_n3A_1023 {strides = array<i32>} : memref<8x256xf32, #tpu.memory_space<vmem>>, vector<16xf32>,
        %div3A_1028 = arith.divf %scan3A_974#4, %broadcast_in_dim3A_953 : vector<16xf32>
        %gt3A_1029 = arith.constant 0.000000e+00 : f32
        %gt3A_1030 = vector.broadcast %gt3A_1029 : f32 to vector<16xf32>
        %gt3A_1031 = arith.cmpf ogt, %div3A_1028, %gt3A_1030 : vector<16xf32>
        %exp3A_1032 = math.exp %div3A_1028 : vector<16xf32>
        %sub3A_1033 = arith.constant 1.000000e+00 : f32
        %sub3A_1034 = vector.broadcast %sub3A_1033 : f32 to vector<16xf32>
        %sub3A_1035 = arith.subf %exp3A_1032, %sub3A_1034 : vector<16xf32>
        %select_n3A_1036 = arith.select %gt3A_1031, %div3A_1028, %sub3A_1035 : vector<16xi1>, vector<16xf32>
        %swap3A_1037 = arith.constant 5 : i32
        %swap3A_1038 = arith.index_cast %swap3A_1037 : i32 to index
        %swap3A_1039 = arith.constant 192 : index
        %swap3A_1040 = tpu.vector_load %arg14[%swap3A_1038, %swap3A_1039] {strides = array<i32>} : memref<8x256xf32, #tpu.memory_space<vmem>>, vector<16xf32>,
        tpu.vector_store %arg14[%swap3A_1038, %swap3A_1039], %select_n3A_1036 {strides = array<i32>} : memref<8x256xf32, #tpu.memory_space<vmem>>, vector<16xf32>,
        %div3A_1041 = arith.divf %scan3A_974#5, %broadcast_in_dim3A_953 : vector<16xf32>
        %gt3A_1042 = arith.constant 0.000000e+00 : f32
        %gt3A_1043 = vector.broadcast %gt3A_1042 : f32 to vector<16xf32>
        %gt3A_1044 = arith.cmpf ogt, %div3A_1041, %gt3A_1043 : vector<16xf32>
        %exp3A_1045 = math.exp %div3A_1041 : vector<16xf32>
        %sub3A_1046 = arith.constant 1.000000e+00 : f32
        %sub3A_1047 = vector.broadcast %sub3A_1046 : f32 to vector<16xf32>
        %sub3A_1048 = arith.subf %exp3A_1045, %sub3A_1047 : vector<16xf32>
        %select_n3A_1049 = arith.select %gt3A_1044, %div3A_1041, %sub3A_1048 : vector<16xi1>, vector<16xf32>
        %swap3A_1050 = arith.constant 5 : i32
        %swap3A_1051 = arith.index_cast %swap3A_1050 : i32 to index
        %swap3A_1052 = arith.constant 208 : index
        %swap3A_1053 = tpu.vector_load %arg14[%swap3A_1051, %swap3A_1052] {strides = array<i32>} : memref<8x256xf32, #tpu.memory_space<vmem>>, vector<16xf32>,
        tpu.vector_store %arg14[%swap3A_1051, %swap3A_1052], %select_n3A_1049 {strides = array<i32>} : memref<8x256xf32, #tpu.memory_space<vmem>>, vector<16xf32>,
        %div3A_1054 = arith.divf %scan3A_974#6, %broadcast_in_dim3A_953 : vector<16xf32>
        %gt3A_1055 = arith.constant 0.000000e+00 : f32
        %gt3A_1056 = vector.broadcast %gt3A_1055 : f32 to vector<16xf32>
        %gt3A_1057 = arith.cmpf ogt, %div3A_1054, %gt3A_1056 : vector<16xf32>
        %exp3A_1058 = math.exp %div3A_1054 : vector<16xf32>
        %sub3A_1059 = arith.constant 1.000000e+00 : f32
        %sub3A_1060 = vector.broadcast %sub3A_1059 : f32 to vector<16xf32>
        %sub3A_1061 = arith.subf %exp3A_1058, %sub3A_1060 : vector<16xf32>
        %select_n3A_1062 = arith.select %gt3A_1057, %div3A_1054, %sub3A_1061 : vector<16xi1>, vector<16xf32>
        %swap3A_1063 = arith.constant 5 : i32
        %swap3A_1064 = arith.index_cast %swap3A_1063 : i32 to index
        %swap3A_1065 = arith.constant 224 : index
        %swap3A_1066 = tpu.vector_load %arg14[%swap3A_1064, %swap3A_1065] {strides = array<i32>} : memref<8x256xf32, #tpu.memory_space<vmem>>, vector<16xf32>,
        tpu.vector_store %arg14[%swap3A_1064, %swap3A_1065], %select_n3A_1062 {strides = array<i32>} : memref<8x256xf32, #tpu.memory_space<vmem>>, vector<16xf32>,
        %div3A_1067 = arith.divf %scan3A_974#7, %broadcast_in_dim3A_953 : vector<16xf32>
        %gt3A_1068 = arith.constant 0.000000e+00 : f32
        %gt3A_1069 = vector.broadcast %gt3A_1068 : f32 to vector<16xf32>
        %gt3A_1070 = arith.cmpf ogt, %div3A_1067, %gt3A_1069 : vector<16xf32>
        %exp3A_1071 = math.exp %div3A_1067 : vector<16xf32>
        %sub3A_1072 = arith.constant 1.000000e+00 : f32
        %sub3A_1073 = vector.broadcast %sub3A_1072 : f32 to vector<16xf32>
        %sub3A_1074 = arith.subf %exp3A_1071, %sub3A_1073 : vector<16xf32>
        %select_n3A_1075 = arith.select %gt3A_1070, %div3A_1067, %sub3A_1074 : vector<16xi1>, vector<16xf32>
        %swap3A_1076 = arith.constant 5 : i32
        %swap3A_1077 = arith.index_cast %swap3A_1076 : i32 to index
        %swap3A_1078 = arith.constant 240 : index
        %swap3A_1079 = tpu.vector_load %arg14[%swap3A_1077, %swap3A_1078] {strides = array<i32>} : memref<8x256xf32, #tpu.memory_space<vmem>>, vector<16xf32>,
        tpu.vector_store %arg14[%swap3A_1077, %swap3A_1078], %select_n3A_1075 {strides = array<i32>} : memref<8x256xf32, #tpu.memory_space<vmem>>, vector<16xf32>,
        %mul3A_1080 = arith.constant 4 : i32
        %mul3A_1081 = arith.muli %add3A_728, %mul3A_1080 : i32
        %add3A_1082 = arith.constant 2 : i32
        %add3A_1083 = arith.addi %mul3A_1081, %add3A_1082 : i32
        %mul3A_1084 = arith.constant 32 : i32
        %mul3A_1085 = arith.muli %add3A_1083, %mul3A_1084 : i32
        %get3A_1086 = arith.index_cast %mul3A_1085 : i32 to index
        %get3A_1087 = tpu.vector_load %arg8[%get3A_1086] {strides = array<i32>} : memref<5120xi32, #tpu.memory_space<vmem>>, vector<16xi32>,
        %mul3A_1088 = arith.constant 32 : i32
        %mul3A_1089 = arith.muli %add3A_1083, %mul3A_1088 : i32
        %add3A_1090 = arith.constant 16 : i32
        %add3A_1091 = arith.addi %mul3A_1089, %add3A_1090 : i32
        %get3A_1092 = arith.index_cast %add3A_1091 : i32 to index
        %get3A_1093 = tpu.vector_load %arg8[%get3A_1092] {strides = array<i32>} : memref<5120xi32, #tpu.memory_space<vmem>>, vector<16xi32>,
        %gather3A_1094 = tpu.vector_load_idx %arg10[%get3A_1087] : memref<10240xf32, #tpu.memory_space<vmem>>[vector<16xi32>], vector<16xf32>,
        %gather3A_1095 = tpu.vector_load_idx %arg10[%get3A_1093] : memref<10240xf32, #tpu.memory_space<vmem>>[vector<16xi32>], vector<16xf32>,
        %mul3A_1096 = arith.constant 160 : i32
        %mul3A_1097 = arith.muli %add3A_17, %mul3A_1096 : i32
        %add3A_1098 = arith.addi %mul3A_1097, %add3A_1083 : i32
        %broadcast_in_dim3A_1099 = vector.broadcast %add3A_1098 : i32 to vector<16xi32>
        %gather3A_1100 = tpu.vector_load_idx %arg9[%broadcast_in_dim3A_1099] : memref<320xf32, #tpu.memory_space<vmem>>[vector<16xi32>], vector<16xf32>,
        %add3A_1101 = arith.addf %gather3A_1100, %gather3A_1094 : vector<16xf32>
        %add3A_1102 = arith.addf %gather3A_1100, %gather3A_1095 : vector<16xf32>
        %mul3A_1103 = arith.constant 2.000000e-01 : f32
        %mul3A_1104 = vector.broadcast %mul3A_1103 : f32 to vector<16xf32>
        %mul3A_1105 = arith.mulf %mul3A_1104, %add3A_1101 : vector<16xf32>
        %max3A_1106 = arith.maximumf %add3A_1101, %mul3A_1105 : vector<16xf32>
        %mul3A_1107 = arith.constant 2.000000e-01 : f32
        %mul3A_1108 = vector.broadcast %mul3A_1107 : f32 to vector<16xf32>
        %mul3A_1109 = arith.mulf %mul3A_1108, %add3A_1102 : vector<16xf32>
        %max3A_1110 = arith.maximumf %add3A_1102, %mul3A_1109 : vector<16xf32>
        %exp3A_1111 = math.exp %max3A_1106 : vector<16xf32>
        %exp3A_1112 = math.exp %max3A_1110 : vector<16xf32>
        %add3A_1113 = arith.addf %exp3A_1111, %exp3A_1112 : vector<16xf32>
        %reduce_sum3A_1114 = arith.constant true
        %reduce_sum3A_1115 = vector.broadcast %reduce_sum3A_1114 : i1 to vector<16xi1>
        %reduce_sum3A_1116 = tpu.scan <sum>, %add3A_1113 masked %reduce_sum3A_1115 : vector<16xf32>, vector<16xi1> -> vector<16xf32>
        %reduce_sum3A_1117 = vector.extract %reduce_sum3A_1116[15] : f32 from vector<16xf32>
        %swap3A_1118 = arith.constant 0 : index
        %swap3A_1119 = tpu.vector_load %arg13[%swap3A_1118] {strides = array<i32>} : memref<32xf32, #tpu.memory_space<vmem>>, vector<16xf32>,
        tpu.vector_store %arg13[%swap3A_1118], %exp3A_1111 {strides = array<i32>} : memref<32xf32, #tpu.memory_space<vmem>>, vector<16xf32>,
        %swap3A_1120 = arith.constant 16 : index
        %swap3A_1121 = tpu.vector_load %arg13[%swap3A_1120] {strides = array<i32>} : memref<32xf32, #tpu.memory_space<vmem>>, vector<16xf32>,
        tpu.vector_store %arg13[%swap3A_1120], %exp3A_1112 {strides = array<i32>} : memref<32xf32, #tpu.memory_space<vmem>>, vector<16xf32>,
        %broadcast_in_dim3A_1122 = vector.broadcast %reduce_sum3A_1117 : f32 to vector<16xf32>
        %broadcast_in_dim3A_1123 = arith.constant 0.000000e+00 : f32
        %broadcast_in_dim3A_1124 = vector.broadcast %broadcast_in_dim3A_1123 : f32 to vector<16xf32>
        %broadcast_in_dim3A_1125 = arith.constant 0.000000e+00 : f32
        %broadcast_in_dim3A_1126 = vector.broadcast %broadcast_in_dim3A_1125 : f32 to vector<16xf32>
        %broadcast_in_dim3A_1127 = arith.constant 0.000000e+00 : f32
        %broadcast_in_dim3A_1128 = vector.broadcast %broadcast_in_dim3A_1127 : f32 to vector<16xf32>
        %broadcast_in_dim3A_1129 = arith.constant 0.000000e+00 : f32
        %broadcast_in_dim3A_1130 = vector.broadcast %broadcast_in_dim3A_1129 : f32 to vector<16xf32>
        %broadcast_in_dim3A_1131 = arith.constant 0.000000e+00 : f32
        %broadcast_in_dim3A_1132 = vector.broadcast %broadcast_in_dim3A_1131 : f32 to vector<16xf32>
        %broadcast_in_dim3A_1133 = arith.constant 0.000000e+00 : f32
        %broadcast_in_dim3A_1134 = vector.broadcast %broadcast_in_dim3A_1133 : f32 to vector<16xf32>
        %broadcast_in_dim3A_1135 = arith.constant 0.000000e+00 : f32
        %broadcast_in_dim3A_1136 = vector.broadcast %broadcast_in_dim3A_1135 : f32 to vector<16xf32>
        %broadcast_in_dim3A_1137 = arith.constant 0.000000e+00 : f32
        %broadcast_in_dim3A_1138 = vector.broadcast %broadcast_in_dim3A_1137 : f32 to vector<16xf32>
        %scan3A_1139 = arith.constant 0 : i32
        %scan3A_1140 = arith.constant 32 : i32
        %scan3A_1141 = arith.addi %scan3A_1139, %scan3A_1140 : i32
        %scan3A_1142 = arith.constant 1 : i32
        %scan3A_1143:8 = scf.for %scan3A_1421 = %scan3A_1139 to %scan3A_1141 step %scan3A_1142 iter_args(%scan3A_1422 = %broadcast_in_dim3A_1124, %scan3A_1423 = %broadcast_in_dim3A_1126, %scan3A_1424 = %broadcast_in_dim3A_1128, %scan3A_1425 = %broadcast_in_dim3A_1130, %scan3A_1426 = %broadcast_in_dim3A_1132, %scan3A_1427 = %broadcast_in_dim3A_1134, %scan3A_1428 = %broadcast_in_dim3A_1136, %scan3A_1429 = %broadcast_in_dim3A_1138) -> (vector<16xf32>, vector<16xf32>, vector<16xf32>, vector<16xf32>, vector<16xf32>, vector<16xf32>, vector<16xf32>, vector<16xf32>)  : i32 {
          %broadcast_in_dim3A_1430 = vector.broadcast %scan3A_1421 : i32 to vector<16xi32>
          %gather3A_1431 = tpu.vector_load_idx %arg13[%broadcast_in_dim3A_1430] : memref<32xf32, #tpu.memory_space<vmem>>[vector<16xi32>], vector<16xf32>,
          %add3A_1432 = arith.constant 64 : i32
          %add3A_1433 = arith.addi %add3A_1432, %scan3A_1421 : i32
          %get3A_1434 = arith.index_cast %add3A_1433 : i32 to index
          %get3A_1435 = arith.constant 0 : index
          %get3A_1436 = tpu.vector_load %arg12[%get3A_1434, %get3A_1435] {strides = array<i32>} : memref<128x128xf32, #tpu.memory_space<vmem>>, vector<16xf32>,
          %mul3A_1437 = arith.mulf %gather3A_1431, %get3A_1436 : vector<16xf32>
          %add3A_1438 = arith.addf %scan3A_1422, %mul3A_1437 : vector<16xf32>
          %get3A_1439 = arith.index_cast %add3A_1433 : i32 to index
          %get3A_1440 = arith.constant 16 : index
          %get3A_1441 = tpu.vector_load %arg12[%get3A_1439, %get3A_1440] {strides = array<i32>} : memref<128x128xf32, #tpu.memory_space<vmem>>, vector<16xf32>,
          %mul3A_1442 = arith.mulf %gather3A_1431, %get3A_1441 : vector<16xf32>
          %add3A_1443 = arith.addf %scan3A_1423, %mul3A_1442 : vector<16xf32>
          %get3A_1444 = arith.index_cast %add3A_1433 : i32 to index
          %get3A_1445 = arith.constant 32 : index
          %get3A_1446 = tpu.vector_load %arg12[%get3A_1444, %get3A_1445] {strides = array<i32>} : memref<128x128xf32, #tpu.memory_space<vmem>>, vector<16xf32>,
          %mul3A_1447 = arith.mulf %gather3A_1431, %get3A_1446 : vector<16xf32>
          %add3A_1448 = arith.addf %scan3A_1424, %mul3A_1447 : vector<16xf32>
          %get3A_1449 = arith.index_cast %add3A_1433 : i32 to index
          %get3A_1450 = arith.constant 48 : index
          %get3A_1451 = tpu.vector_load %arg12[%get3A_1449, %get3A_1450] {strides = array<i32>} : memref<128x128xf32, #tpu.memory_space<vmem>>, vector<16xf32>,
          %mul3A_1452 = arith.mulf %gather3A_1431, %get3A_1451 : vector<16xf32>
          %add3A_1453 = arith.addf %scan3A_1425, %mul3A_1452 : vector<16xf32>
          %get3A_1454 = arith.index_cast %add3A_1433 : i32 to index
          %get3A_1455 = arith.constant 64 : index
          %get3A_1456 = tpu.vector_load %arg12[%get3A_1454, %get3A_1455] {strides = array<i32>} : memref<128x128xf32, #tpu.memory_space<vmem>>, vector<16xf32>,
          %mul3A_1457 = arith.mulf %gather3A_1431, %get3A_1456 : vector<16xf32>
          %add3A_1458 = arith.addf %scan3A_1426, %mul3A_1457 : vector<16xf32>
          %get3A_1459 = arith.index_cast %add3A_1433 : i32 to index
          %get3A_1460 = arith.constant 80 : index
          %get3A_1461 = tpu.vector_load %arg12[%get3A_1459, %get3A_1460] {strides = array<i32>} : memref<128x128xf32, #tpu.memory_space<vmem>>, vector<16xf32>,
          %mul3A_1462 = arith.mulf %gather3A_1431, %get3A_1461 : vector<16xf32>
          %add3A_1463 = arith.addf %scan3A_1427, %mul3A_1462 : vector<16xf32>
          %get3A_1464 = arith.index_cast %add3A_1433 : i32 to index
          %get3A_1465 = arith.constant 96 : index
          %get3A_1466 = tpu.vector_load %arg12[%get3A_1464, %get3A_1465] {strides = array<i32>} : memref<128x128xf32, #tpu.memory_space<vmem>>, vector<16xf32>,
          %mul3A_1467 = arith.mulf %gather3A_1431, %get3A_1466 : vector<16xf32>
          %add3A_1468 = arith.addf %scan3A_1428, %mul3A_1467 : vector<16xf32>
          %get3A_1469 = arith.index_cast %add3A_1433 : i32 to index
          %get3A_1470 = arith.constant 112 : index
          %get3A_1471 = tpu.vector_load %arg12[%get3A_1469, %get3A_1470] {strides = array<i32>} : memref<128x128xf32, #tpu.memory_space<vmem>>, vector<16xf32>,
          %mul3A_1472 = arith.mulf %gather3A_1431, %get3A_1471 : vector<16xf32>
          %add3A_1473 = arith.addf %scan3A_1429, %mul3A_1472 : vector<16xf32>
          scf.yield %add3A_1438, %add3A_1443, %add3A_1448, %add3A_1453, %add3A_1458, %add3A_1463, %add3A_1468, %add3A_1473 : vector<16xf32>, vector<16xf32>, vector<16xf32>, vector<16xf32>, vector<16xf32>, vector<16xf32>, vector<16xf32>, vector<16xf32>
        }
        %scan3A_1144 = arith.constant 32 : i32
        %div3A_1145 = arith.divf %scan3A_1143#0, %broadcast_in_dim3A_1122 : vector<16xf32>
        %gt3A_1146 = arith.constant 0.000000e+00 : f32
        %gt3A_1147 = vector.broadcast %gt3A_1146 : f32 to vector<16xf32>
        %gt3A_1148 = arith.cmpf ogt, %div3A_1145, %gt3A_1147 : vector<16xf32>
        %exp3A_1149 = math.exp %div3A_1145 : vector<16xf32>
        %sub3A_1150 = arith.constant 1.000000e+00 : f32
        %sub3A_1151 = vector.broadcast %sub3A_1150 : f32 to vector<16xf32>
        %sub3A_1152 = arith.subf %exp3A_1149, %sub3A_1151 : vector<16xf32>
        %select_n3A_1153 = arith.select %gt3A_1148, %div3A_1145, %sub3A_1152 : vector<16xi1>, vector<16xf32>
        %swap3A_1154 = arith.constant 6 : i32
        %swap3A_1155 = arith.index_cast %swap3A_1154 : i32 to index
        %swap3A_1156 = arith.constant 128 : index
        %swap3A_1157 = tpu.vector_load %arg14[%swap3A_1155, %swap3A_1156] {strides = array<i32>} : memref<8x256xf32, #tpu.memory_space<vmem>>, vector<16xf32>,
        tpu.vector_store %arg14[%swap3A_1155, %swap3A_1156], %select_n3A_1153 {strides = array<i32>} : memref<8x256xf32, #tpu.memory_space<vmem>>, vector<16xf32>,
        %div3A_1158 = arith.divf %scan3A_1143#1, %broadcast_in_dim3A_1122 : vector<16xf32>
        %gt3A_1159 = arith.constant 0.000000e+00 : f32
        %gt3A_1160 = vector.broadcast %gt3A_1159 : f32 to vector<16xf32>
        %gt3A_1161 = arith.cmpf ogt, %div3A_1158, %gt3A_1160 : vector<16xf32>
        %exp3A_1162 = math.exp %div3A_1158 : vector<16xf32>
        %sub3A_1163 = arith.constant 1.000000e+00 : f32
        %sub3A_1164 = vector.broadcast %sub3A_1163 : f32 to vector<16xf32>
        %sub3A_1165 = arith.subf %exp3A_1162, %sub3A_1164 : vector<16xf32>
        %select_n3A_1166 = arith.select %gt3A_1161, %div3A_1158, %sub3A_1165 : vector<16xi1>, vector<16xf32>
        %swap3A_1167 = arith.constant 6 : i32
        %swap3A_1168 = arith.index_cast %swap3A_1167 : i32 to index
        %swap3A_1169 = arith.constant 144 : index
        %swap3A_1170 = tpu.vector_load %arg14[%swap3A_1168, %swap3A_1169] {strides = array<i32>} : memref<8x256xf32, #tpu.memory_space<vmem>>, vector<16xf32>,
        tpu.vector_store %arg14[%swap3A_1168, %swap3A_1169], %select_n3A_1166 {strides = array<i32>} : memref<8x256xf32, #tpu.memory_space<vmem>>, vector<16xf32>,
        %div3A_1171 = arith.divf %scan3A_1143#2, %broadcast_in_dim3A_1122 : vector<16xf32>
        %gt3A_1172 = arith.constant 0.000000e+00 : f32
        %gt3A_1173 = vector.broadcast %gt3A_1172 : f32 to vector<16xf32>
        %gt3A_1174 = arith.cmpf ogt, %div3A_1171, %gt3A_1173 : vector<16xf32>
        %exp3A_1175 = math.exp %div3A_1171 : vector<16xf32>
        %sub3A_1176 = arith.constant 1.000000e+00 : f32
        %sub3A_1177 = vector.broadcast %sub3A_1176 : f32 to vector<16xf32>
        %sub3A_1178 = arith.subf %exp3A_1175, %sub3A_1177 : vector<16xf32>
        %select_n3A_1179 = arith.select %gt3A_1174, %div3A_1171, %sub3A_1178 : vector<16xi1>, vector<16xf32>
        %swap3A_1180 = arith.constant 6 : i32
        %swap3A_1181 = arith.index_cast %swap3A_1180 : i32 to index
        %swap3A_1182 = arith.constant 160 : index
        %swap3A_1183 = tpu.vector_load %arg14[%swap3A_1181, %swap3A_1182] {strides = array<i32>} : memref<8x256xf32, #tpu.memory_space<vmem>>, vector<16xf32>,
        tpu.vector_store %arg14[%swap3A_1181, %swap3A_1182], %select_n3A_1179 {strides = array<i32>} : memref<8x256xf32, #tpu.memory_space<vmem>>, vector<16xf32>,
        %div3A_1184 = arith.divf %scan3A_1143#3, %broadcast_in_dim3A_1122 : vector<16xf32>
        %gt3A_1185 = arith.constant 0.000000e+00 : f32
        %gt3A_1186 = vector.broadcast %gt3A_1185 : f32 to vector<16xf32>
        %gt3A_1187 = arith.cmpf ogt, %div3A_1184, %gt3A_1186 : vector<16xf32>
        %exp3A_1188 = math.exp %div3A_1184 : vector<16xf32>
        %sub3A_1189 = arith.constant 1.000000e+00 : f32
        %sub3A_1190 = vector.broadcast %sub3A_1189 : f32 to vector<16xf32>
        %sub3A_1191 = arith.subf %exp3A_1188, %sub3A_1190 : vector<16xf32>
        %select_n3A_1192 = arith.select %gt3A_1187, %div3A_1184, %sub3A_1191 : vector<16xi1>, vector<16xf32>
        %swap3A_1193 = arith.constant 6 : i32
        %swap3A_1194 = arith.index_cast %swap3A_1193 : i32 to index
        %swap3A_1195 = arith.constant 176 : index
        %swap3A_1196 = tpu.vector_load %arg14[%swap3A_1194, %swap3A_1195] {strides = array<i32>} : memref<8x256xf32, #tpu.memory_space<vmem>>, vector<16xf32>,
        tpu.vector_store %arg14[%swap3A_1194, %swap3A_1195], %select_n3A_1192 {strides = array<i32>} : memref<8x256xf32, #tpu.memory_space<vmem>>, vector<16xf32>,
        %div3A_1197 = arith.divf %scan3A_1143#4, %broadcast_in_dim3A_1122 : vector<16xf32>
        %gt3A_1198 = arith.constant 0.000000e+00 : f32
        %gt3A_1199 = vector.broadcast %gt3A_1198 : f32 to vector<16xf32>
        %gt3A_1200 = arith.cmpf ogt, %div3A_1197, %gt3A_1199 : vector<16xf32>
        %exp3A_1201 = math.exp %div3A_1197 : vector<16xf32>
        %sub3A_1202 = arith.constant 1.000000e+00 : f32
        %sub3A_1203 = vector.broadcast %sub3A_1202 : f32 to vector<16xf32>
        %sub3A_1204 = arith.subf %exp3A_1201, %sub3A_1203 : vector<16xf32>
        %select_n3A_1205 = arith.select %gt3A_1200, %div3A_1197, %sub3A_1204 : vector<16xi1>, vector<16xf32>
        %swap3A_1206 = arith.constant 6 : i32
        %swap3A_1207 = arith.index_cast %swap3A_1206 : i32 to index
        %swap3A_1208 = arith.constant 192 : index
        %swap3A_1209 = tpu.vector_load %arg14[%swap3A_1207, %swap3A_1208] {strides = array<i32>} : memref<8x256xf32, #tpu.memory_space<vmem>>, vector<16xf32>,
        tpu.vector_store %arg14[%swap3A_1207, %swap3A_1208], %select_n3A_1205 {strides = array<i32>} : memref<8x256xf32, #tpu.memory_space<vmem>>, vector<16xf32>,
        %div3A_1210 = arith.divf %scan3A_1143#5, %broadcast_in_dim3A_1122 : vector<16xf32>
        %gt3A_1211 = arith.constant 0.000000e+00 : f32
        %gt3A_1212 = vector.broadcast %gt3A_1211 : f32 to vector<16xf32>
        %gt3A_1213 = arith.cmpf ogt, %div3A_1210, %gt3A_1212 : vector<16xf32>
        %exp3A_1214 = math.exp %div3A_1210 : vector<16xf32>
        %sub3A_1215 = arith.constant 1.000000e+00 : f32
        %sub3A_1216 = vector.broadcast %sub3A_1215 : f32 to vector<16xf32>
        %sub3A_1217 = arith.subf %exp3A_1214, %sub3A_1216 : vector<16xf32>
        %select_n3A_1218 = arith.select %gt3A_1213, %div3A_1210, %sub3A_1217 : vector<16xi1>, vector<16xf32>
        %swap3A_1219 = arith.constant 6 : i32
        %swap3A_1220 = arith.index_cast %swap3A_1219 : i32 to index
        %swap3A_1221 = arith.constant 208 : index
        %swap3A_1222 = tpu.vector_load %arg14[%swap3A_1220, %swap3A_1221] {strides = array<i32>} : memref<8x256xf32, #tpu.memory_space<vmem>>, vector<16xf32>,
        tpu.vector_store %arg14[%swap3A_1220, %swap3A_1221], %select_n3A_1218 {strides = array<i32>} : memref<8x256xf32, #tpu.memory_space<vmem>>, vector<16xf32>,
        %div3A_1223 = arith.divf %scan3A_1143#6, %broadcast_in_dim3A_1122 : vector<16xf32>
        %gt3A_1224 = arith.constant 0.000000e+00 : f32
        %gt3A_1225 = vector.broadcast %gt3A_1224 : f32 to vector<16xf32>
        %gt3A_1226 = arith.cmpf ogt, %div3A_1223, %gt3A_1225 : vector<16xf32>
        %exp3A_1227 = math.exp %div3A_1223 : vector<16xf32>
        %sub3A_1228 = arith.constant 1.000000e+00 : f32
        %sub3A_1229 = vector.broadcast %sub3A_1228 : f32 to vector<16xf32>
        %sub3A_1230 = arith.subf %exp3A_1227, %sub3A_1229 : vector<16xf32>
        %select_n3A_1231 = arith.select %gt3A_1226, %div3A_1223, %sub3A_1230 : vector<16xi1>, vector<16xf32>
        %swap3A_1232 = arith.constant 6 : i32
        %swap3A_1233 = arith.index_cast %swap3A_1232 : i32 to index
        %swap3A_1234 = arith.constant 224 : index
        %swap3A_1235 = tpu.vector_load %arg14[%swap3A_1233, %swap3A_1234] {strides = array<i32>} : memref<8x256xf32, #tpu.memory_space<vmem>>, vector<16xf32>,
        tpu.vector_store %arg14[%swap3A_1233, %swap3A_1234], %select_n3A_1231 {strides = array<i32>} : memref<8x256xf32, #tpu.memory_space<vmem>>, vector<16xf32>,
        %div3A_1236 = arith.divf %scan3A_1143#7, %broadcast_in_dim3A_1122 : vector<16xf32>
        %gt3A_1237 = arith.constant 0.000000e+00 : f32
        %gt3A_1238 = vector.broadcast %gt3A_1237 : f32 to vector<16xf32>
        %gt3A_1239 = arith.cmpf ogt, %div3A_1236, %gt3A_1238 : vector<16xf32>
        %exp3A_1240 = math.exp %div3A_1236 : vector<16xf32>
        %sub3A_1241 = arith.constant 1.000000e+00 : f32
        %sub3A_1242 = vector.broadcast %sub3A_1241 : f32 to vector<16xf32>
        %sub3A_1243 = arith.subf %exp3A_1240, %sub3A_1242 : vector<16xf32>
        %select_n3A_1244 = arith.select %gt3A_1239, %div3A_1236, %sub3A_1243 : vector<16xi1>, vector<16xf32>
        %swap3A_1245 = arith.constant 6 : i32
        %swap3A_1246 = arith.index_cast %swap3A_1245 : i32 to index
        %swap3A_1247 = arith.constant 240 : index
        %swap3A_1248 = tpu.vector_load %arg14[%swap3A_1246, %swap3A_1247] {strides = array<i32>} : memref<8x256xf32, #tpu.memory_space<vmem>>, vector<16xf32>,
        tpu.vector_store %arg14[%swap3A_1246, %swap3A_1247], %select_n3A_1244 {strides = array<i32>} : memref<8x256xf32, #tpu.memory_space<vmem>>, vector<16xf32>,
        %mul3A_1249 = arith.constant 4 : i32
        %mul3A_1250 = arith.muli %add3A_728, %mul3A_1249 : i32
        %add3A_1251 = arith.constant 3 : i32
        %add3A_1252 = arith.addi %mul3A_1250, %add3A_1251 : i32
        %mul3A_1253 = arith.constant 32 : i32
        %mul3A_1254 = arith.muli %add3A_1252, %mul3A_1253 : i32
        %get3A_1255 = arith.index_cast %mul3A_1254 : i32 to index
        %get3A_1256 = tpu.vector_load %arg8[%get3A_1255] {strides = array<i32>} : memref<5120xi32, #tpu.memory_space<vmem>>, vector<16xi32>,
        %mul3A_1257 = arith.constant 32 : i32
        %mul3A_1258 = arith.muli %add3A_1252, %mul3A_1257 : i32
        %add3A_1259 = arith.constant 16 : i32
        %add3A_1260 = arith.addi %mul3A_1258, %add3A_1259 : i32
        %get3A_1261 = arith.index_cast %add3A_1260 : i32 to index
        %get3A_1262 = tpu.vector_load %arg8[%get3A_1261] {strides = array<i32>} : memref<5120xi32, #tpu.memory_space<vmem>>, vector<16xi32>,
        %gather3A_1263 = tpu.vector_load_idx %arg10[%get3A_1256] : memref<10240xf32, #tpu.memory_space<vmem>>[vector<16xi32>], vector<16xf32>,
        %gather3A_1264 = tpu.vector_load_idx %arg10[%get3A_1262] : memref<10240xf32, #tpu.memory_space<vmem>>[vector<16xi32>], vector<16xf32>,
        %mul3A_1265 = arith.constant 160 : i32
        %mul3A_1266 = arith.muli %add3A_17, %mul3A_1265 : i32
        %add3A_1267 = arith.addi %mul3A_1266, %add3A_1252 : i32
        %broadcast_in_dim3A_1268 = vector.broadcast %add3A_1267 : i32 to vector<16xi32>
        %gather3A_1269 = tpu.vector_load_idx %arg9[%broadcast_in_dim3A_1268] : memref<320xf32, #tpu.memory_space<vmem>>[vector<16xi32>], vector<16xf32>,
        %add3A_1270 = arith.addf %gather3A_1269, %gather3A_1263 : vector<16xf32>
        %add3A_1271 = arith.addf %gather3A_1269, %gather3A_1264 : vector<16xf32>
        %mul3A_1272 = arith.constant 2.000000e-01 : f32
        %mul3A_1273 = vector.broadcast %mul3A_1272 : f32 to vector<16xf32>
        %mul3A_1274 = arith.mulf %mul3A_1273, %add3A_1270 : vector<16xf32>
        %max3A_1275 = arith.maximumf %add3A_1270, %mul3A_1274 : vector<16xf32>
        %mul3A_1276 = arith.constant 2.000000e-01 : f32
        %mul3A_1277 = vector.broadcast %mul3A_1276 : f32 to vector<16xf32>
        %mul3A_1278 = arith.mulf %mul3A_1277, %add3A_1271 : vector<16xf32>
        %max3A_1279 = arith.maximumf %add3A_1271, %mul3A_1278 : vector<16xf32>
        %exp3A_1280 = math.exp %max3A_1275 : vector<16xf32>
        %exp3A_1281 = math.exp %max3A_1279 : vector<16xf32>
        %add3A_1282 = arith.addf %exp3A_1280, %exp3A_1281 : vector<16xf32>
        %reduce_sum3A_1283 = arith.constant true
        %reduce_sum3A_1284 = vector.broadcast %reduce_sum3A_1283 : i1 to vector<16xi1>
        %reduce_sum3A_1285 = tpu.scan <sum>, %add3A_1282 masked %reduce_sum3A_1284 : vector<16xf32>, vector<16xi1> -> vector<16xf32>
        %reduce_sum3A_1286 = vector.extract %reduce_sum3A_1285[15] : f32 from vector<16xf32>
        %swap3A_1287 = arith.constant 0 : index
        %swap3A_1288 = tpu.vector_load %arg13[%swap3A_1287] {strides = array<i32>} : memref<32xf32, #tpu.memory_space<vmem>>, vector<16xf32>,
        tpu.vector_store %arg13[%swap3A_1287], %exp3A_1280 {strides = array<i32>} : memref<32xf32, #tpu.memory_space<vmem>>, vector<16xf32>,
        %swap3A_1289 = arith.constant 16 : index
        %swap3A_1290 = tpu.vector_load %arg13[%swap3A_1289] {strides = array<i32>} : memref<32xf32, #tpu.memory_space<vmem>>, vector<16xf32>,
        tpu.vector_store %arg13[%swap3A_1289], %exp3A_1281 {strides = array<i32>} : memref<32xf32, #tpu.memory_space<vmem>>, vector<16xf32>,
        %broadcast_in_dim3A_1291 = vector.broadcast %reduce_sum3A_1286 : f32 to vector<16xf32>
        %broadcast_in_dim3A_1292 = arith.constant 0.000000e+00 : f32
        %broadcast_in_dim3A_1293 = vector.broadcast %broadcast_in_dim3A_1292 : f32 to vector<16xf32>
        %broadcast_in_dim3A_1294 = arith.constant 0.000000e+00 : f32
        %broadcast_in_dim3A_1295 = vector.broadcast %broadcast_in_dim3A_1294 : f32 to vector<16xf32>
        %broadcast_in_dim3A_1296 = arith.constant 0.000000e+00 : f32
        %broadcast_in_dim3A_1297 = vector.broadcast %broadcast_in_dim3A_1296 : f32 to vector<16xf32>
        %broadcast_in_dim3A_1298 = arith.constant 0.000000e+00 : f32
        %broadcast_in_dim3A_1299 = vector.broadcast %broadcast_in_dim3A_1298 : f32 to vector<16xf32>
        %broadcast_in_dim3A_1300 = arith.constant 0.000000e+00 : f32
        %broadcast_in_dim3A_1301 = vector.broadcast %broadcast_in_dim3A_1300 : f32 to vector<16xf32>
        %broadcast_in_dim3A_1302 = arith.constant 0.000000e+00 : f32
        %broadcast_in_dim3A_1303 = vector.broadcast %broadcast_in_dim3A_1302 : f32 to vector<16xf32>
        %broadcast_in_dim3A_1304 = arith.constant 0.000000e+00 : f32
        %broadcast_in_dim3A_1305 = vector.broadcast %broadcast_in_dim3A_1304 : f32 to vector<16xf32>
        %broadcast_in_dim3A_1306 = arith.constant 0.000000e+00 : f32
        %broadcast_in_dim3A_1307 = vector.broadcast %broadcast_in_dim3A_1306 : f32 to vector<16xf32>
        %scan3A_1308 = arith.constant 0 : i32
        %scan3A_1309 = arith.constant 32 : i32
        %scan3A_1310 = arith.addi %scan3A_1308, %scan3A_1309 : i32
        %scan3A_1311 = arith.constant 1 : i32
        %scan3A_1312:8 = scf.for %scan3A_1421 = %scan3A_1308 to %scan3A_1310 step %scan3A_1311 iter_args(%scan3A_1422 = %broadcast_in_dim3A_1293, %scan3A_1423 = %broadcast_in_dim3A_1295, %scan3A_1424 = %broadcast_in_dim3A_1297, %scan3A_1425 = %broadcast_in_dim3A_1299, %scan3A_1426 = %broadcast_in_dim3A_1301, %scan3A_1427 = %broadcast_in_dim3A_1303, %scan3A_1428 = %broadcast_in_dim3A_1305, %scan3A_1429 = %broadcast_in_dim3A_1307) -> (vector<16xf32>, vector<16xf32>, vector<16xf32>, vector<16xf32>, vector<16xf32>, vector<16xf32>, vector<16xf32>, vector<16xf32>)  : i32 {
          %broadcast_in_dim3A_1430 = vector.broadcast %scan3A_1421 : i32 to vector<16xi32>
          %gather3A_1431 = tpu.vector_load_idx %arg13[%broadcast_in_dim3A_1430] : memref<32xf32, #tpu.memory_space<vmem>>[vector<16xi32>], vector<16xf32>,
          %add3A_1432 = arith.constant 96 : i32
          %add3A_1433 = arith.addi %add3A_1432, %scan3A_1421 : i32
          %get3A_1434 = arith.index_cast %add3A_1433 : i32 to index
          %get3A_1435 = arith.constant 0 : index
          %get3A_1436 = tpu.vector_load %arg12[%get3A_1434, %get3A_1435] {strides = array<i32>} : memref<128x128xf32, #tpu.memory_space<vmem>>, vector<16xf32>,
          %mul3A_1437 = arith.mulf %gather3A_1431, %get3A_1436 : vector<16xf32>
          %add3A_1438 = arith.addf %scan3A_1422, %mul3A_1437 : vector<16xf32>
          %get3A_1439 = arith.index_cast %add3A_1433 : i32 to index
          %get3A_1440 = arith.constant 16 : index
          %get3A_1441 = tpu.vector_load %arg12[%get3A_1439, %get3A_1440] {strides = array<i32>} : memref<128x128xf32, #tpu.memory_space<vmem>>, vector<16xf32>,
          %mul3A_1442 = arith.mulf %gather3A_1431, %get3A_1441 : vector<16xf32>
          %add3A_1443 = arith.addf %scan3A_1423, %mul3A_1442 : vector<16xf32>
          %get3A_1444 = arith.index_cast %add3A_1433 : i32 to index
          %get3A_1445 = arith.constant 32 : index
          %get3A_1446 = tpu.vector_load %arg12[%get3A_1444, %get3A_1445] {strides = array<i32>} : memref<128x128xf32, #tpu.memory_space<vmem>>, vector<16xf32>,
          %mul3A_1447 = arith.mulf %gather3A_1431, %get3A_1446 : vector<16xf32>
          %add3A_1448 = arith.addf %scan3A_1424, %mul3A_1447 : vector<16xf32>
          %get3A_1449 = arith.index_cast %add3A_1433 : i32 to index
          %get3A_1450 = arith.constant 48 : index
          %get3A_1451 = tpu.vector_load %arg12[%get3A_1449, %get3A_1450] {strides = array<i32>} : memref<128x128xf32, #tpu.memory_space<vmem>>, vector<16xf32>,
          %mul3A_1452 = arith.mulf %gather3A_1431, %get3A_1451 : vector<16xf32>
          %add3A_1453 = arith.addf %scan3A_1425, %mul3A_1452 : vector<16xf32>
          %get3A_1454 = arith.index_cast %add3A_1433 : i32 to index
          %get3A_1455 = arith.constant 64 : index
          %get3A_1456 = tpu.vector_load %arg12[%get3A_1454, %get3A_1455] {strides = array<i32>} : memref<128x128xf32, #tpu.memory_space<vmem>>, vector<16xf32>,
          %mul3A_1457 = arith.mulf %gather3A_1431, %get3A_1456 : vector<16xf32>
          %add3A_1458 = arith.addf %scan3A_1426, %mul3A_1457 : vector<16xf32>
          %get3A_1459 = arith.index_cast %add3A_1433 : i32 to index
          %get3A_1460 = arith.constant 80 : index
          %get3A_1461 = tpu.vector_load %arg12[%get3A_1459, %get3A_1460] {strides = array<i32>} : memref<128x128xf32, #tpu.memory_space<vmem>>, vector<16xf32>,
          %mul3A_1462 = arith.mulf %gather3A_1431, %get3A_1461 : vector<16xf32>
          %add3A_1463 = arith.addf %scan3A_1427, %mul3A_1462 : vector<16xf32>
          %get3A_1464 = arith.index_cast %add3A_1433 : i32 to index
          %get3A_1465 = arith.constant 96 : index
          %get3A_1466 = tpu.vector_load %arg12[%get3A_1464, %get3A_1465] {strides = array<i32>} : memref<128x128xf32, #tpu.memory_space<vmem>>, vector<16xf32>,
          %mul3A_1467 = arith.mulf %gather3A_1431, %get3A_1466 : vector<16xf32>
          %add3A_1468 = arith.addf %scan3A_1428, %mul3A_1467 : vector<16xf32>
          %get3A_1469 = arith.index_cast %add3A_1433 : i32 to index
          %get3A_1470 = arith.constant 112 : index
          %get3A_1471 = tpu.vector_load %arg12[%get3A_1469, %get3A_1470] {strides = array<i32>} : memref<128x128xf32, #tpu.memory_space<vmem>>, vector<16xf32>,
          %mul3A_1472 = arith.mulf %gather3A_1431, %get3A_1471 : vector<16xf32>
          %add3A_1473 = arith.addf %scan3A_1429, %mul3A_1472 : vector<16xf32>
          scf.yield %add3A_1438, %add3A_1443, %add3A_1448, %add3A_1453, %add3A_1458, %add3A_1463, %add3A_1468, %add3A_1473 : vector<16xf32>, vector<16xf32>, vector<16xf32>, vector<16xf32>, vector<16xf32>, vector<16xf32>, vector<16xf32>, vector<16xf32>
        }
        %scan3A_1313 = arith.constant 32 : i32
        %div3A_1314 = arith.divf %scan3A_1312#0, %broadcast_in_dim3A_1291 : vector<16xf32>
        %gt3A_1315 = arith.constant 0.000000e+00 : f32
        %gt3A_1316 = vector.broadcast %gt3A_1315 : f32 to vector<16xf32>
        %gt3A_1317 = arith.cmpf ogt, %div3A_1314, %gt3A_1316 : vector<16xf32>
        %exp3A_1318 = math.exp %div3A_1314 : vector<16xf32>
        %sub3A_1319 = arith.constant 1.000000e+00 : f32
        %sub3A_1320 = vector.broadcast %sub3A_1319 : f32 to vector<16xf32>
        %sub3A_1321 = arith.subf %exp3A_1318, %sub3A_1320 : vector<16xf32>
        %select_n3A_1322 = arith.select %gt3A_1317, %div3A_1314, %sub3A_1321 : vector<16xi1>, vector<16xf32>
        %swap3A_1323 = arith.constant 7 : i32
        %swap3A_1324 = arith.index_cast %swap3A_1323 : i32 to index
        %swap3A_1325 = arith.constant 128 : index
        %swap3A_1326 = tpu.vector_load %arg14[%swap3A_1324, %swap3A_1325] {strides = array<i32>} : memref<8x256xf32, #tpu.memory_space<vmem>>, vector<16xf32>,
        tpu.vector_store %arg14[%swap3A_1324, %swap3A_1325], %select_n3A_1322 {strides = array<i32>} : memref<8x256xf32, #tpu.memory_space<vmem>>, vector<16xf32>,
        %div3A_1327 = arith.divf %scan3A_1312#1, %broadcast_in_dim3A_1291 : vector<16xf32>
        %gt3A_1328 = arith.constant 0.000000e+00 : f32
        %gt3A_1329 = vector.broadcast %gt3A_1328 : f32 to vector<16xf32>
        %gt3A_1330 = arith.cmpf ogt, %div3A_1327, %gt3A_1329 : vector<16xf32>
        %exp3A_1331 = math.exp %div3A_1327 : vector<16xf32>
        %sub3A_1332 = arith.constant 1.000000e+00 : f32
        %sub3A_1333 = vector.broadcast %sub3A_1332 : f32 to vector<16xf32>
        %sub3A_1334 = arith.subf %exp3A_1331, %sub3A_1333 : vector<16xf32>
        %select_n3A_1335 = arith.select %gt3A_1330, %div3A_1327, %sub3A_1334 : vector<16xi1>, vector<16xf32>
        %swap3A_1336 = arith.constant 7 : i32
        %swap3A_1337 = arith.index_cast %swap3A_1336 : i32 to index
        %swap3A_1338 = arith.constant 144 : index
        %swap3A_1339 = tpu.vector_load %arg14[%swap3A_1337, %swap3A_1338] {strides = array<i32>} : memref<8x256xf32, #tpu.memory_space<vmem>>, vector<16xf32>,
        tpu.vector_store %arg14[%swap3A_1337, %swap3A_1338], %select_n3A_1335 {strides = array<i32>} : memref<8x256xf32, #tpu.memory_space<vmem>>, vector<16xf32>,
        %div3A_1340 = arith.divf %scan3A_1312#2, %broadcast_in_dim3A_1291 : vector<16xf32>
        %gt3A_1341 = arith.constant 0.000000e+00 : f32
        %gt3A_1342 = vector.broadcast %gt3A_1341 : f32 to vector<16xf32>
        %gt3A_1343 = arith.cmpf ogt, %div3A_1340, %gt3A_1342 : vector<16xf32>
        %exp3A_1344 = math.exp %div3A_1340 : vector<16xf32>
        %sub3A_1345 = arith.constant 1.000000e+00 : f32
        %sub3A_1346 = vector.broadcast %sub3A_1345 : f32 to vector<16xf32>
        %sub3A_1347 = arith.subf %exp3A_1344, %sub3A_1346 : vector<16xf32>
        %select_n3A_1348 = arith.select %gt3A_1343, %div3A_1340, %sub3A_1347 : vector<16xi1>, vector<16xf32>
        %swap3A_1349 = arith.constant 7 : i32
        %swap3A_1350 = arith.index_cast %swap3A_1349 : i32 to index
        %swap3A_1351 = arith.constant 160 : index
        %swap3A_1352 = tpu.vector_load %arg14[%swap3A_1350, %swap3A_1351] {strides = array<i32>} : memref<8x256xf32, #tpu.memory_space<vmem>>, vector<16xf32>,
        tpu.vector_store %arg14[%swap3A_1350, %swap3A_1351], %select_n3A_1348 {strides = array<i32>} : memref<8x256xf32, #tpu.memory_space<vmem>>, vector<16xf32>,
        %div3A_1353 = arith.divf %scan3A_1312#3, %broadcast_in_dim3A_1291 : vector<16xf32>
        %gt3A_1354 = arith.constant 0.000000e+00 : f32
        %gt3A_1355 = vector.broadcast %gt3A_1354 : f32 to vector<16xf32>
        %gt3A_1356 = arith.cmpf ogt, %div3A_1353, %gt3A_1355 : vector<16xf32>
        %exp3A_1357 = math.exp %div3A_1353 : vector<16xf32>
        %sub3A_1358 = arith.constant 1.000000e+00 : f32
        %sub3A_1359 = vector.broadcast %sub3A_1358 : f32 to vector<16xf32>
        %sub3A_1360 = arith.subf %exp3A_1357, %sub3A_1359 : vector<16xf32>
        %select_n3A_1361 = arith.select %gt3A_1356, %div3A_1353, %sub3A_1360 : vector<16xi1>, vector<16xf32>
        %swap3A_1362 = arith.constant 7 : i32
        %swap3A_1363 = arith.index_cast %swap3A_1362 : i32 to index
        %swap3A_1364 = arith.constant 176 : index
        %swap3A_1365 = tpu.vector_load %arg14[%swap3A_1363, %swap3A_1364] {strides = array<i32>} : memref<8x256xf32, #tpu.memory_space<vmem>>, vector<16xf32>,
        tpu.vector_store %arg14[%swap3A_1363, %swap3A_1364], %select_n3A_1361 {strides = array<i32>} : memref<8x256xf32, #tpu.memory_space<vmem>>, vector<16xf32>,
        %div3A_1366 = arith.divf %scan3A_1312#4, %broadcast_in_dim3A_1291 : vector<16xf32>
        %gt3A_1367 = arith.constant 0.000000e+00 : f32
        %gt3A_1368 = vector.broadcast %gt3A_1367 : f32 to vector<16xf32>
        %gt3A_1369 = arith.cmpf ogt, %div3A_1366, %gt3A_1368 : vector<16xf32>
        %exp3A_1370 = math.exp %div3A_1366 : vector<16xf32>
        %sub3A_1371 = arith.constant 1.000000e+00 : f32
        %sub3A_1372 = vector.broadcast %sub3A_1371 : f32 to vector<16xf32>
        %sub3A_1373 = arith.subf %exp3A_1370, %sub3A_1372 : vector<16xf32>
        %select_n3A_1374 = arith.select %gt3A_1369, %div3A_1366, %sub3A_1373 : vector<16xi1>, vector<16xf32>
        %swap3A_1375 = arith.constant 7 : i32
        %swap3A_1376 = arith.index_cast %swap3A_1375 : i32 to index
        %swap3A_1377 = arith.constant 192 : index
        %swap3A_1378 = tpu.vector_load %arg14[%swap3A_1376, %swap3A_1377] {strides = array<i32>} : memref<8x256xf32, #tpu.memory_space<vmem>>, vector<16xf32>,
        tpu.vector_store %arg14[%swap3A_1376, %swap3A_1377], %select_n3A_1374 {strides = array<i32>} : memref<8x256xf32, #tpu.memory_space<vmem>>, vector<16xf32>,
        %div3A_1379 = arith.divf %scan3A_1312#5, %broadcast_in_dim3A_1291 : vector<16xf32>
        %gt3A_1380 = arith.constant 0.000000e+00 : f32
        %gt3A_1381 = vector.broadcast %gt3A_1380 : f32 to vector<16xf32>
        %gt3A_1382 = arith.cmpf ogt, %div3A_1379, %gt3A_1381 : vector<16xf32>
        %exp3A_1383 = math.exp %div3A_1379 : vector<16xf32>
        %sub3A_1384 = arith.constant 1.000000e+00 : f32
        %sub3A_1385 = vector.broadcast %sub3A_1384 : f32 to vector<16xf32>
        %sub3A_1386 = arith.subf %exp3A_1383, %sub3A_1385 : vector<16xf32>
        %select_n3A_1387 = arith.select %gt3A_1382, %div3A_1379, %sub3A_1386 : vector<16xi1>, vector<16xf32>
        %swap3A_1388 = arith.constant 7 : i32
        %swap3A_1389 = arith.index_cast %swap3A_1388 : i32 to index
        %swap3A_1390 = arith.constant 208 : index
        %swap3A_1391 = tpu.vector_load %arg14[%swap3A_1389, %swap3A_1390] {strides = array<i32>} : memref<8x256xf32, #tpu.memory_space<vmem>>, vector<16xf32>,
        tpu.vector_store %arg14[%swap3A_1389, %swap3A_1390], %select_n3A_1387 {strides = array<i32>} : memref<8x256xf32, #tpu.memory_space<vmem>>, vector<16xf32>,
        %div3A_1392 = arith.divf %scan3A_1312#6, %broadcast_in_dim3A_1291 : vector<16xf32>
        %gt3A_1393 = arith.constant 0.000000e+00 : f32
        %gt3A_1394 = vector.broadcast %gt3A_1393 : f32 to vector<16xf32>
        %gt3A_1395 = arith.cmpf ogt, %div3A_1392, %gt3A_1394 : vector<16xf32>
        %exp3A_1396 = math.exp %div3A_1392 : vector<16xf32>
        %sub3A_1397 = arith.constant 1.000000e+00 : f32
        %sub3A_1398 = vector.broadcast %sub3A_1397 : f32 to vector<16xf32>
        %sub3A_1399 = arith.subf %exp3A_1396, %sub3A_1398 : vector<16xf32>
        %select_n3A_1400 = arith.select %gt3A_1395, %div3A_1392, %sub3A_1399 : vector<16xi1>, vector<16xf32>
        %swap3A_1401 = arith.constant 7 : i32
        %swap3A_1402 = arith.index_cast %swap3A_1401 : i32 to index
        %swap3A_1403 = arith.constant 224 : index
        %swap3A_1404 = tpu.vector_load %arg14[%swap3A_1402, %swap3A_1403] {strides = array<i32>} : memref<8x256xf32, #tpu.memory_space<vmem>>, vector<16xf32>,
        tpu.vector_store %arg14[%swap3A_1402, %swap3A_1403], %select_n3A_1400 {strides = array<i32>} : memref<8x256xf32, #tpu.memory_space<vmem>>, vector<16xf32>,
        %div3A_1405 = arith.divf %scan3A_1312#7, %broadcast_in_dim3A_1291 : vector<16xf32>
        %gt3A_1406 = arith.constant 0.000000e+00 : f32
        %gt3A_1407 = vector.broadcast %gt3A_1406 : f32 to vector<16xf32>
        %gt3A_1408 = arith.cmpf ogt, %div3A_1405, %gt3A_1407 : vector<16xf32>
        %exp3A_1409 = math.exp %div3A_1405 : vector<16xf32>
        %sub3A_1410 = arith.constant 1.000000e+00 : f32
        %sub3A_1411 = vector.broadcast %sub3A_1410 : f32 to vector<16xf32>
        %sub3A_1412 = arith.subf %exp3A_1409, %sub3A_1411 : vector<16xf32>
        %select_n3A_1413 = arith.select %gt3A_1408, %div3A_1405, %sub3A_1412 : vector<16xi1>, vector<16xf32>
        %swap3A_1414 = arith.constant 7 : i32
        %swap3A_1415 = arith.index_cast %swap3A_1414 : i32 to index
        %swap3A_1416 = arith.constant 240 : index
        %swap3A_1417 = tpu.vector_load %arg14[%swap3A_1415, %swap3A_1416] {strides = array<i32>} : memref<8x256xf32, #tpu.memory_space<vmem>>, vector<16xf32>,
        tpu.vector_store %arg14[%swap3A_1415, %swap3A_1416], %select_n3A_1413 {strides = array<i32>} : memref<8x256xf32, #tpu.memory_space<vmem>>, vector<16xf32>,
        %convert_element_type3A_1418 = arith.extui %le3A_45 : i1 to i32
        %cond3A_1419 = arith.constant 0 : i32
        %cond3A_1420 = arith.cmpi ne, %convert_element_type3A_1418, %cond3A_1419 : i32
        scf.if %cond3A_1420 {
          %dma_wait3A_1421 = arith.constant 0 : i32
          %dma_wait3A_1422 = arith.constant 0 : i32
          %dma_wait3A_1423 = tpu.memref_slice %arg14[%dma_wait3A_1421, %dma_wait3A_1422] : memref<8x256xf32, #tpu.memory_space<vmem>> -> memref<8x128xf32, #tpu.memory_space<vmem>>
          %dma_wait3A_1424 = arith.constant 0 : i32
          %dma_wait3A_1425 = tpu.memref_slice %arg3[%add3A_42, %dma_wait3A_1424] : memref<10000x128xf32, #tpu.memory_space<hbm>> -> memref<8x128xf32, #tpu.memory_space<hbm>>
          %dma_wait3A_1426 = arith.constant 0 : i32
          %dma_wait3A_1427 = arith.constant 0 : i32
          %dma_wait3A_1428 = tpu.memref_slice %arg14[%dma_wait3A_1426, %dma_wait3A_1427] : memref<8x256xf32, #tpu.memory_space<vmem>> -> memref<8x128xf32, #tpu.memory_space<vmem>>
          %dma_wait3A_1429 = arith.constant 0 : i32
          %dma_wait3A_1430 = tpu.memref_slice %arg3[%add3A_42, %dma_wait3A_1429] : memref<10000x128xf32, #tpu.memory_space<hbm>> -> memref<8x128xf32, #tpu.memory_space<hbm>>
          tpu.wait_dma2 semaphore(%arg18 : memref<!tpu.dma_semaphore, #tpu.memory_space<semaphore_mem>>) src(%dma_wait3A_1430 : memref<8x128xf32, #tpu.memory_space<hbm>>) dst(%dma_wait3A_1428 : memref<8x128xf32, #tpu.memory_space<vmem>>)
          "tpu.region"() ({
            %run_scoped3A = tpu.sem_alloc : memref<!tpu.dma_semaphore, #tpu.memory_space<semaphore_mem>>
            %dma_start3A_1431 = arith.constant 0 : i32
            %dma_start3A_1432 = tpu.memref_slice %arg7[%add3A_42, %dma_start3A_1431] : memref<10000x256xf32, #tpu.memory_space<hbm>> -> memref<8x256xf32, #tpu.memory_space<hbm>>
            %dma_start3A_1433 = arith.constant 0 : i32
            %dma_start3A_1434 = tpu.memref_slice %arg7[%add3A_42, %dma_start3A_1433] : memref<10000x256xf32, #tpu.memory_space<hbm>> -> memref<8x256xf32, #tpu.memory_space<hbm>>
            tpu.enqueue_dma source(%arg14 : memref<8x256xf32, #tpu.memory_space<vmem>>) target(%dma_start3A_1434 : memref<8x256xf32, #tpu.memory_space<hbm>>) target_semaphore(%run_scoped3A : memref<!tpu.dma_semaphore, #tpu.memory_space<semaphore_mem>>)
            %dma_wait3A_1435 = arith.constant 0 : i32
            %dma_wait3A_1436 = tpu.memref_slice %arg7[%add3A_42, %dma_wait3A_1435] : memref<10000x256xf32, #tpu.memory_space<hbm>> -> memref<8x256xf32, #tpu.memory_space<hbm>>
            %dma_wait3A_1437 = arith.constant 0 : i32
            %dma_wait3A_1438 = tpu.memref_slice %arg7[%add3A_42, %dma_wait3A_1437] : memref<10000x256xf32, #tpu.memory_space<hbm>> -> memref<8x256xf32, #tpu.memory_space<hbm>>
            tpu.wait_dma2 semaphore(%run_scoped3A : memref<!tpu.dma_semaphore, #tpu.memory_space<semaphore_mem>>) src(%arg14 : memref<8x256xf32, #tpu.memory_space<vmem>>) dst(%dma_wait3A_1438 : memref<8x256xf32, #tpu.memory_space<hbm>>)
            tpu.yield
          }) : () -> ()
        } else {
        }
      }
      %scan3A_31 = arith.constant 20 : i32
    }
    %scan3A_12 = arith.constant 2 : i32
    return
  }
}

module attributes {stable_mosaic.version = 14 : i64} {
  func.func @_tc_body(%arg0: i32, %arg1: memref<2000x128xf32, #tpu.memory_space<vmem>>, %arg2: memref<128x128xf32, #tpu.memory_space<vmem>>, %arg3: memref<128x16xf32, #tpu.memory_space<vmem>>, %arg4: memref<2000x128xf32, #tpu.memory_space<vmem>>, %arg5: memref<2000x16xf32, #tpu.memory_space<vmem>>, %arg6: memref<2000x128xf32, #tpu.memory_space<vmem>>) attributes {dimension_semantics = [#tpu.dimension_semantics<arbitrary>], iteration_bounds = array<i64: 5>, scalar_prefetch = 0 : i64, scratch_operands = 0 : i64, tpu.core_type = #tpu.core_type<tc>, window_params = [{transform_indices = @transform_0, window_bounds = array<i64: 2000, 128>}, {pipeline_mode = #tpu.pipeline_mode<synchronous>, transform_indices = @transform_1, window_bounds = array<i64: 128, 128>}, {pipeline_mode = #tpu.pipeline_mode<synchronous>, transform_indices = @transform_2, window_bounds = array<i64: 128, 16>}, {transform_indices = @transform_3, window_bounds = array<i64: 2000, 128>}, {transform_indices = @transform_4, window_bounds = array<i64: 2000, 16>}, {transform_indices = @transform_5, window_bounds = array<i64: 2000, 128>}]} {
    %get3A = arith.constant 0 : index
    %get3A_0 = arith.constant 0 : index
    %get3A_1 = vector.load %arg1[%get3A, %get3A_0] : memref<2000x128xf32, #tpu.memory_space<vmem>>, vector<2000x128xf32>
    %get3A_2 = arith.constant 0 : index
    %get3A_3 = arith.constant 0 : index
    %get3A_4 = vector.load %arg2[%get3A_2, %get3A_3] : memref<128x128xf32, #tpu.memory_space<vmem>>, vector<128x128xf32>
    %dot_general3A = arith.constant dense<0.000000e+00> : vector<2000x128xf32>
    %dot_general3A_5 = tpu.matmul %get3A_1, %get3A_4, %dot_general3A {dimension_numbers = #tpu.dot_dimension_numbers<[1], [0], [0], [1], [0, 0, 1, 1], [], []>, transpose_lhs_hint = false} : vector<2000x128xf32>, vector<128x128xf32>, vector<2000x128xf32> -> vector<2000x128xf32>
    %get3A_6 = arith.constant 0 : index
    %get3A_7 = arith.constant 0 : index
    %get3A_8 = vector.load %arg3[%get3A_6, %get3A_7] : memref<128x16xf32, #tpu.memory_space<vmem>>, vector<128x16xf32>
    %dot_general3A_9 = arith.constant dense<0.000000e+00> : vector<2000x16xf32>
    %dot_general3A_10 = tpu.matmul %dot_general3A_5, %get3A_8, %dot_general3A_9 {dimension_numbers = #tpu.dot_dimension_numbers<[1], [0], [0], [1], [0, 0, 1, 1], [], []>, transpose_lhs_hint = false} : vector<2000x128xf32>, vector<128x16xf32>, vector<2000x16xf32> -> vector<2000x16xf32>
    %swap3A = arith.constant 0 : index
    %swap3A_11 = arith.constant 0 : index
    %swap3A_12 = vector.load %arg4[%swap3A, %swap3A_11] : memref<2000x128xf32, #tpu.memory_space<vmem>>, vector<2000x128xf32>
    tpu.vector_store %arg4[%swap3A, %swap3A_11], %dot_general3A_5 {strides = array<i32>} : memref<2000x128xf32, #tpu.memory_space<vmem>>, vector<2000x128xf32>,
    %swap3A_13 = arith.constant 0 : index
    %swap3A_14 = arith.constant 0 : index
    %swap3A_15 = vector.load %arg5[%swap3A_13, %swap3A_14] : memref<2000x16xf32, #tpu.memory_space<vmem>>, vector<2000x16xf32>
    tpu.vector_store %arg5[%swap3A_13, %swap3A_14], %dot_general3A_10 {strides = array<i32>} : memref<2000x16xf32, #tpu.memory_space<vmem>>, vector<2000x16xf32>,
    %gt3A = arith.constant 0.000000e+00 : f32
    %gt3A_16 = vector.broadcast %gt3A : f32 to vector<2000x128xf32>
    %gt3A_17 = arith.cmpf ogt, %dot_general3A_5, %gt3A_16 : vector<2000x128xf32>
    %exp3A = math.exp %dot_general3A_5 : vector<2000x128xf32>
    %sub3A = arith.constant 1.000000e+00 : f32
    %sub3A_18 = vector.broadcast %sub3A : f32 to vector<2000x128xf32>
    %sub3A_19 = arith.subf %exp3A, %sub3A_18 : vector<2000x128xf32>
    %select_n3A = arith.select %gt3A_17, %dot_general3A_5, %sub3A_19 : vector<2000x128xi1>, vector<2000x128xf32>
    %swap3A_20 = arith.constant 0 : index
    %swap3A_21 = arith.constant 0 : index
    %swap3A_22 = vector.load %arg6[%swap3A_20, %swap3A_21] : memref<2000x128xf32, #tpu.memory_space<vmem>>, vector<2000x128xf32>
    tpu.vector_store %arg6[%swap3A_20, %swap3A_21], %select_n3A {strides = array<i32>} : memref<2000x128xf32, #tpu.memory_space<vmem>>, vector<2000x128xf32>,
    return
  }
  func.func @transform_0(%arg0: i32) -> (i32, i32) {
    %c0_i32 = arith.constant 0 : i32
    %c0_i32_0 = arith.constant 0 : i32
    return %arg0, %c0_i32 : i32, i32
  }
  func.func @transform_1(%arg0: i32) -> (i32, i32) {
    %c0_i32 = arith.constant 0 : i32
    %c0_i32_0 = arith.constant 0 : i32
    %c0_i32_1 = arith.constant 0 : i32
    return %c0_i32, %c0_i32_0 : i32, i32
  }
  func.func @transform_2(%arg0: i32) -> (i32, i32) {
    %c0_i32 = arith.constant 0 : i32
    %c0_i32_0 = arith.constant 0 : i32
    %c0_i32_1 = arith.constant 0 : i32
    return %c0_i32, %c0_i32_0 : i32, i32
  }
  func.func @transform_3(%arg0: i32) -> (i32, i32) {
    %c0_i32 = arith.constant 0 : i32
    %c0_i32_0 = arith.constant 0 : i32
    return %arg0, %c0_i32 : i32, i32
  }
  func.func @transform_4(%arg0: i32) -> (i32, i32) {
    %c0_i32 = arith.constant 0 : i32
    %c0_i32_0 = arith.constant 0 : i32
    return %arg0, %c0_i32 : i32, i32
  }
  func.func @transform_5(%arg0: i32) -> (i32, i32) {
    %c0_i32 = arith.constant 0 : i32
    %c0_i32_0 = arith.constant 0 : i32
    return %arg0, %c0_i32 : i32, i32
  }
}

</mosaic_0001>

<sc_bundles>
// kernel: kernel.4.cloned.1.call-start
scs
__scs_entry_jumppad:
0x0: {  	(pc) =	sbr.rel $0x88, $3  }
0x1: {  	(tag) =	ssettag $0x0;
	lr =	simm.s32 $0x1  }
0x2: {  	[smem:$0x3F9D] =	sst lr;
	_ =	strace $0xD0000000  }
0x3: {  	_ = 	snop  }
0x4: {  	_ = 	snop  }
0x5: {  	_ = 	snop  }
0x6: {  	_ = 	snop  }
0x7: {  	_ = 	snop  }
__scs_overlays_trampoline_lowered:
0x8: {  	[smem:$0x3FAC] =	sst s0  }
0x9: {  	[smem:$0x3FAD] =	sst s1  }
0xa: {  	[smem:$0x3FAE] =	sst s2  }
0xb: {  	[smem:$0x3FAF] =	sst s3  }
0xc: {  	[smem:$0x3FB0] =	sst s4  }
0xd: {  	[smem:$0x3FB1] =	sst s5  }
0xe: {  	[smem:$0x3FB2] =	sst s6  }
0xf: {  	[smem:$0x3FB3] =	sst s7  }
0x10: {  	[smem:$0x3FB4] =	sst s8  }
0x11: {  	[smem:$0x3FB5] =	sst s9;
	s0 =	simm.s32 @!p0 $0x0  }
0x12: {  	s1 =	sld [smem:$0x3F9B];
	s0 =	simm.s32 @p0 $0x1  }
0x13: {  	[smem:$0x3FB6] =	sst s0;
	s0 =	simm.s32 @!p1 $0x0  }
0x14: {  	s2 =	sld [smem:$0x3F9A];
	s0 =	simm.s32 @p1 $0x1  }
0x15: {  	[smem:$0x3FB7] =	sst s0;
	s0 =	simm.s32 @!p2 $0x0  }
0x16: {  	s3 =	sld [smem:$0x3FDB];
	s0 =	simm.s32 @p2 $0x1  }
0x17: {  	s4 =	simm.s32 $0x1BF5;
	[smem:$0x3FB9] =	sst s0  }
0x18: {  	s0 =	sld [smem:$0x3F9C];
	_ =	swait.ge [sflag:s4], $0x0  }
0x19: {  	s7 =	sld [smem:$0x3F9D]  }
0x1a: {  	s8 =	sadd.s32 $0xFFFFE003, lr  }
0x1b: {  	s9 =	sadd.s32 $0xFFFFFEF7, lr;
	s5 =	simm.s32 $0xFFFFFFFF;
	p2 =	slt.u32 s8, $0xFFFFF086  }
0x1c: {  	p1 =	slt.u32 s9, $0xF7A;
	s5 =	simm.s32 @!p2 $0x0  }
0x1d: {  	s5 =	simm.s32 @p1 $0x1;
	p0 =	seq.s32 s7, s2  }
0x1e: {  	s7 =	smul.u32 @!p0 $0xF7A, s2;
	p2 =	seq.s32 @!p0 s5, $0x0  }
0x1f: {  	s9 =	smul.u32 $0xF7A, s1;
	s8 =	simm.s32 @!p0 $0x1BF5;
	p2 =	por !p2, p0  }
0x20: {  	[sflag:s8] =	ssyncset.s32 @!p0 $0xFFFFF086;
	s6 =	sadd.s32 @!p0 s3, s7;
	s7 =	simm.s32 @!p0 $0x108  }
0x21: {  	s3 =	sadd.s32 s3, s9;
	s6 =	sadd.s32 @!p0 $0x88, s6;
	s7 =	simm.s32 @p2 $0x1082  }
0x22: {  	[simem:s7], [sflag:s8] =	dma.local @!p0 [hbm:s6], $0xF7A  }
0x23: {  	s9 =	sor.u32 $0xD0000000, s2;
	s6 =	simm.s32 $0x108;
	_ =	swait.ge @!p0 [sflag:s8], $0x0  }
0x24: {  	s3 =	sadd.s32 $0x88, s3;
	s6 =	simm.s32 @!p1 $0x1082;
	[sflag:s4] =	ssyncset.s32 $0xFFFFF086  }
0x25: {  	[simem:s6], [sflag:s4] =	dma.local [hbm:s3], $0xF7A  }
0x26: {  	[smem:$0x3F9D] =	sst s1;
	(tag) =	ssettag s2;
	_ =	strace s9  }
0x27: {  	s1 =	sld [smem:$0x3FAD]  }
0x28: {  	s2 =	sld [smem:$0x3FAE]  }
0x29: {  	s4 =	sld [smem:$0x3FB0]  }
0x2a: {  	p0 =	seq.s32 s5, $0x0;
	s5 =	sld [smem:$0x3FB1]  }
0x2b: {  	s6 =	sld [smem:$0x3FB2]  }
0x2c: {  	s7 =	sld [smem:$0x3FB3]  }
0x2d: {  	s3 =	simm.s32 $0x108;
	s8 =	sld [smem:$0x3FB4]  }
0x2e: {  	s3 =	simm.s32 @!p0 $0x1082;
	s9 =	sld [smem:$0x3FB5]  }
0x2f: {  	lr =	sadd.s32 s0, s3;
	s0 =	sld [smem:$0x3FAC]  }
0x30: {  	s3 =	sld [smem:$0x3FAF]  }
0x31: {  	[smem:$0x3FB8] =	sst s10  }
0x32: {  	s10 =	sld [smem:$0x3FB6];
	_ =	sdelay $0x3  }
0x33: {  	p0 =	seq.s32 s10, $0x1;
	s10 =	sld [smem:$0x3FB8];
	_ =	sdelay $0x3  }
0x34: {  	[smem:$0x3FB8] =	sst s10  }
0x35: {  	s10 =	sld [smem:$0x3FB7];
	_ =	sdelay $0x3  }
0x36: {  	p1 =	seq.s32 s10, $0x1;
	s10 =	sld [smem:$0x3FB8];
	_ =	sdelay $0x3  }
0x37: {  	[smem:$0x3FB8] =	sst s10  }
0x38: {  	s10 =	sld [smem:$0x3FB9]  }
0x39: {  	_ = 	snop;
	(pc) =	sbr.ind lr, $3  }
0x3a: {  	_ = 	snop  }
0x3b: {  	_ = 	snop  }
0x3c: {  	p2 =	seq.s32 s10, $0x1;
	s10 =	sld [smem:$0x3FB8]  }
0x3d: {  	_ =	shalt  }
0x3e: {  	_ =	shalt  }
0x3f: {  	_ =	shalt  }
0x40: {  	_ =	shalt  }
0x41: {  	_ =	shalt  }
0x42: {  	_ =	shalt  }
0x43: {  	_ =	shalt  }
0x44: {  	_ =	shalt  }
0x45: {  	_ =	shalt  }
0x46: {  	_ =	shalt  }
0x47: {  	_ =	shalt  }
0x48: {  	_ =	shalt  }
0x49: {  	_ =	shalt  }
0x4a: {  	_ =	shalt  }
0x4b: {  	_ =	shalt  }
0x4c: {  	_ =	shalt  }
0x4d: {  	_ =	shalt  }
0x4e: {  	_ =	shalt  }
0x4f: {  	_ =	shalt  }
0x50: {  	_ =	shalt  }
0x51: {  	_ =	shalt  }
0x52: {  	_ =	shalt  }
0x53: {  	_ =	shalt  }
0x54: {  	_ =	shalt  }
0x55: {  	_ =	shalt  }
0x56: {  	_ =	shalt  }
0x57: {  	_ =	shalt  }
0x58: {  	_ =	shalt  }
0x59: {  	_ =	shalt  }
0x5a: {  	_ =	shalt  }
0x5b: {  	_ =	shalt  }
0x5c: {  	_ =	shalt  }
0x5d: {  	_ =	shalt  }
0x5e: {  	_ =	shalt  }
0x5f: {  	_ =	shalt  }
0x60: {  	_ =	shalt  }
0x61: {  	_ =	shalt  }
0x62: {  	_ =	shalt  }
0x63: {  	_ =	shalt  }
0x64: {  	_ =	shalt  }
0x65: {  	_ =	shalt  }
0x66: {  	_ =	shalt  }
0x67: {  	_ =	shalt  }
0x68: {  	_ =	shalt  }
0x69: {  	_ =	shalt  }
0x6a: {  	_ =	shalt  }
0x6b: {  	_ =	shalt  }
0x6c: {  	_ =	shalt  }
0x6d: {  	_ =	shalt  }
0x6e: {  	_ =	shalt  }
0x6f: {  	_ =	shalt  }
0x70: {  	_ =	shalt  }
0x71: {  	_ =	shalt  }
0x72: {  	_ =	shalt  }
0x73: {  	_ =	shalt  }
0x74: {  	_ =	shalt  }
0x75: {  	_ =	shalt  }
0x76: {  	_ =	shalt  }
0x77: {  	_ =	shalt  }
0x78: {  	_ =	shalt  }
0x79: {  	_ =	shalt  }
0x7a: {  	_ =	shalt  }
0x7b: {  	_ =	shalt  }
0x7c: {  	_ =	shalt  }
0x7d: {  	_ =	shalt  }
0x7e: {  	_ =	shalt  }
0x7f: {  	_ =	shalt  }
0x80: {  	_ =	shalt  }
0x81: {  	_ =	shalt  }
0x82: {  	_ =	shalt  }
0x83: {  	_ =	shalt  }
0x84: {  	_ =	shalt  }
0x85: {  	_ =	shalt  }
0x86: {  	_ =	shalt  }
0x87: {  	_ =	shalt  }
.Lfunc_end0:
.L_simem_size_0:
called_computation_lowered:
.L_overlay_start_0:
0x88: {  	s2 =	sld [smem:$0x3FD9]  }
0x89: {  	s3 =	sld [smem:$0x3FFE];
	_ =	sdelay $0x1  }
0x8a: {  	s1 =	srdreg.scid  }
0x8b: {  	s0 =	sand.u32 $0x1, s1  }
0x8c: {  	s17 =	sshll.u32 s0, $0xA;
	s2 =	sadd.s32 s3, s2  }
0x8d: {  	s2 =	sadd.s32 s2, s17  }
0x8e: {  	[smem:$0x3FC4] =	sst s2  }
0x8f: {  	_ = 	snop  }
0x90: {  	s2 =	sld [smem:$0x3FD0];
	(tm) =	ssettm $0x1  }
0x91: {  	s18 =	sld [smem:$0x3FFB];
	_ =	sdelay $0x3  }
0x92: {  	_ =	strace s18  }
0x93: {  	s3 =	sld [smem:$0x3FFC];
	_ =	sdelay $0x3  }
0x94: {  	_ =	strace s3  }
0x95: {  	s3 =	sld [smem:$0x3FFD];
	_ =	sdelay $0x3  }
0x96: {  	_ =	strace s3  }
0x97: {  	_ =	strace $0x8FFFFFFF  }
0x98: {  	s19 =	sld [smem:$0x3FDB];
	_ =	sdelay $0x1  }
0x99: {  	s4 =	simm.s32 $_scs_section_size  }
0x9a: {  	s5 =	simm.s32 $_size__tile_overlayer_lowered;
	s6 =	simm.s32 $_tile_overlayer_lowered  }
0x9b: {  	s22 =	simm.s32 $0x1BFF;
	s21 =	sshll.u32 s6, $0x1;
	s3 =	sadd.s32 s4, s19  }
0x9c: {  	s7 =	simm.s32 $0x0;
	s20 =	sshll.u32 s5, $0x1;
	s5 =	sadd.s32 s21, s3  }
0x9d: {  	[timem:s7], [sflag:s22] =	dma.local [hbm:s5], s20  }
0x9e: {  	_ =	swait.ge [sflag:s22], s20  }
0x9f: {  	s4 =	ssub.s32 $0x0, s20;
	[sflag:s22] =	ssyncset.done $0x0  }
0xa0: {  	[sflag:s22] =	ssyncadd.s32 s4;
	_ =	sdelay $0x1  }
0xa1: {  	s23 =	simm.s32 $0x1B8B  }
0xa2: {  	_ =	swait.ge [sflag:s23], $0x1  }
0xa3: {  	[sflag:s23] =	ssyncset.done $0x0  }
0xa4: {  	s25 =	simm.s32 $0x1B8E;
	s24 =	sld [smem:$0x3FFE];
	[sflag:s23] =	ssyncadd.s32 $0xFFFFFFFF  }
0xa5: {  	s26 =	simm.s32 $execute0_lowered;
	[smem:$0x3FD2] =	sst s25  }
0xa6: {  	s5 =	sshll.u32 s26, $0x1;
	_ =	strace $0x80000046;
	[dreg:$0x1] =	wrdreg $0xFFFFFFFF  }
0xa7: {  	s28 =	simm.s32 $_size_execute0_lowered;
	s3 =	sadd.s32 s3, s5;
	[dreg:$0x0] =	wrdreg $0x0  }
0xa8: {  	s5 =	sshll.u32 s28, $0x1;
	[dreg:$0x2] =	wrdreg s3  }
0xa9: {  	[dreg:$0x3] =	wrdreg s5  }
0xaa: {  	[dreg:$0x4] =	wrdreg $0xC0  }
0xab: {  	_ =	task [dreg:s7], $0x5FFFF  }
0xac: {  	[dreg:$0x1] =	wrdreg $0xFFFFFFFF  }
0xad: {  	[dreg:$0x0] =	wrdreg $0x60  }
0xae: {  	[dreg:$0x2] =	wrdreg s24  }
0xaf: {  	[dreg:$0x3] =	wrdreg s2  }
0xb0: {  	[dreg:$0x4] =	wrdreg $0xC6000  }
0xb1: {  	[dreg:$0x5] =	wrdreg $0x9  }
0xb2: {  	_ =	task.clear_ibuf [dreg:s7], $0x6FFFF;
	_ =	strace $0x90000046  }
0xb3: {  	s29 =	simm.s32 $0x9;
	_ =	strace $0x80000048  }
0xb4: {  	_ =	swait.ge [sflag:s29], $0x1  }
0xb5: {  	[sflag:s29] =	ssyncadd.s32 $0xFFFFFFFF  }
0xb6: {  	_ =	strace $0x90000048  }
0xb7: {  	_ =	sfence  }
0xb8: {  	s30 =	sld [smem:$0x0];
	_ =	sdelay $0x2  }
0xb9: {  	s31 =	sshll.u32 s1, $0xD;
	s1 =	sshrl.u32 s1, $0x2  }
0xba: {  	s3 =	sand.u32 $0x4000, s31;
	s1 =	sadd.s32 s1, s30  }
0xbb: {  	s0 =	sor.u32 s3, s0;
	s1 =	sshll.u32 s1, $0x11  }
0xbc: {  	s0 =	sor.u32 s1, s0  }
0xbd: {  	s0 =	sadd.s32 $0x8F2B, s0  }
0xbe: {  	[sflag:s0] =	ssyncadd.remote.s32 $0x1  }
0xbf: {  	_ =	sfence.sel $0xFFFF  }
0xc0: {  	[dreg:$0x0] =	wrdreg $0xFFFFFFFF;
	(pc) =	sbr.abs _section_cstart, $3  }
0xc1: {  	[dreg:$0x1] =	wrdreg $0xFFFFFFFF  }
0xc2: {  	_ =	task.clear_ibuf [dreg:s7], $0x2FFFF;
	_ =	strace $0x9FFFFFFF  }
0xc3: {  	(tm) =	ssettm $0x7FFFFFFF  }
tec
execute0_lowered:
.L_overlay_start_1:
0x0: {  	(tag) =	ssettag $0x1  }
0x1: {  	s0 =	rddreg [dreg:$0x0]  }
0x2: {  	s1 =	rddreg [dreg:$0x1]  }
0x3: {  	s2 =	rddreg [dreg:$0x2];
	s3 =	stileid.u32  }
0x4: {  	s4 =	srdreg.scid;
	s7 =	simm.s32 $0x0;
	s14 =	simm.s32 $0x4  }
0x5: {  	s16 =	simm.s32 $0x1400;
	s17 =	simm.s32 $0x1580;
	s18 =	simm.s32 $0x80  }
0x6: {  	s19 =	simm.s32 $0x3D80;
	s20 =	simm.s32 $0x1;
	s21 =	simm.s32 $0x7D80  }
0x7: {  	s22 =	simm.s32 $0xBD80;
	s23 =	simm.s32 $0x2;
	s24 =	simm.s32 $0x0  }
0x8: {  	s28 =	simm.s32 $0x0;
	s6 =	sand.u32 $0x1, s4;
	s5 =	smul.u32 $0x2700, s3  }
0x9: {  	s25 =	sshll.u32 s3, $0x1;
	[smem:$0x7FF] =	sst s7;
	s10 =	smul.u32 $0x4E000, s3  }
0xa: {  	s12 =	sadd.s32 $0x58800, s0;
	s31 =	sshll.u32 s3, $0x6;
	p0 =	sne.s32 s3, $0x0  }
0xb: {  	s4 =	sor.u32 s6, s25;
	_ =	strace $0x80000047;
	s9 =	ssub.s32 $0x2, s6  }
0xc: {  	s6 =	sadd.s32 $0x400, s0;
	[dreg:$0x4] =	wrdreg s12;
	s4 =	smul.u32 $0x140, s4  }
0xd: {  	s26 =	sadd.s32 s5, s0;
	s11 =	sshrl.u32 s9, $0x1;
	s30 =	sshrl.u32 s10, $0x2  }
0xe: {  	s5 =	sadd.s32 $0x31600, s0;
	s29 =	ssub.s32 s9, s11;
	s10 =	sadd.s32 s30, s2  }
0xf: {  	s7 =	sadd.s32 $0xA400, s26;
	s9 =	sor.u32 $0x1C04, s31;
	s8 =	sshrl.u32 s4, $0x3  }
0x10: {  	[dreg:$0x5] =	wrdreg s7;
	s7 =	sadd.s32 $0x138000, s2;
	s12 =	smax.u32 s29, $0x1  }
0x11: {  	s13 =	sshrl.u32 s10, $0x3;
	s8 =	sadd.s32 s8, s0;
	s0 =	sadd.s32 $0x31400, s0  }
0x12: {  	s15 =	sshrl.u32 @!p0 s7, $0x3;
	[dreg:$0x6] =	wrdreg s0;
	s11 =	sadd.s32 $0x58E00, s8  }
.LBB2_1:
0x13: {  	s0 =	rddreg [dreg:$0x5]  }
0x14: {  	[spmem:s13], [sflag:s9] =	dma.local [hbm:s0], $0x2700  }
0x15: {  	_ =	swait.ge [sflag:s14], $0x2700  }
0x16: {  	[sflag:s14] =	ssyncset.done $0x0  }
0x17: {  	s0 =	rddreg [dreg:$0x6];
	[sflag:s14] =	ssyncadd.s32 $0xFFFFD900  }
0x18: {  	[spmem:s15], [sflag:s9] =	dma.local @!p0 [hbm:s0], $0x100  }
0x19: {  	s0 =	simm.s32 @!p0 $0x4  }
0x1a: {  	_ =	swait.ge @!p0 [sflag:s0], $0x100  }
0x1b: {  	[sflag:s0] =	ssyncset.done @!p0 $0x0  }
0x1c: {  	s31 =	simm.s32 $0x0;
	[sflag:s0] =	ssyncadd.s32 @!p0 $0xFFFFFF00  }
0x1d: {  	[tilespmem:s16], [sflag:$0x4] =	stream.linear.gather [hbm4b:s11+s31], $0x140, $0x38;
	[tilespmem:$0x1FE80] =	vst v63  }
0x1e: {  	_ =	swait.ge [sflag:s14], $0x140  }
0x1f: {  	[sflag:s14] =	ssyncset.done $0x0  }
0x20: {  	s3 =	rddreg [dreg:$0x4];
	[sflag:s14] =	ssyncadd.s32 $0xFFFFFEC0  }
0x21: {  	[tilespmem:s17], [sflag:$0x4] =	stream.linear.gather [hbm4b:s3+s31], $0x2800, $0x38;
	[tilespmem:$0x1FE80] =	vst v63  }
0x22: {  	_ =	swait.ge [sflag:s14], $0x2800  }
0x23: {  	[sflag:s14] =	ssyncset.done $0x0  }
0x24: {  	[sflag:s14] =	ssyncadd.s32 $0xFFFFD800  }
0x25: {  	p2 =	por $0x1, $0x1;
	s25 =	simm.s32 $0x0;
	[bflag:$0x0] =	sbarrier.arrive $0xFFFF  }
.LBB2_2:
0x26: {  	s26 =	sadd.s32 s4, s25  }
0x27: {  	s0 =	sshll.u32 s26, $0x2  }
0x28: {  	s0 =	sadd.s32 s6, s0  }
0x29: {  	[tilespmem:s28], [sflag:$0x4] =	stream.linear.gather [hbm4b:s0+s28], $0x1400, $0x38;
	[tilespmem:$0x1FE80] =	vst v63  }
0x2a: {  	_ =	swait.ge [sflag:s14], $0x1400  }
0x2b: {  	[sflag:s14] =	ssyncset.done $0x0  }
0x2c: {  	p1 =	por p2, p2;
	s29 =	simm.s32 $0x0;
	[sflag:s14] =	ssyncadd.s32 $0xFFFFEC00  }
0x2d: {  	[tilespmem:s19], [sflag:$0x1] =	stream.indirect.gather [spmem:s2], $0x80, s28, s18, $0xb8;
	[tilespmem:$0x1FE80] =	vst v63  }
.LBB2_3:
0x2e: {  	s7 =	sshll.u32 s29, $0x3  }
0x2f: {  	s30 =	sadd.s32 s26, s7  }
0x30: {  	s0 =	sshll.u32 s29, $0x1;
	p2 =	sgt.u32 s30, $0x2708  }
0x31: {  	s31 =	sor.u32 $0x1, s0;
	s3 =	sshll.u32 @!p2 s30, $0x4  }
0x32: {  	s8 =	simm.s32 @!p2 $0x0;
	s10 =	simm.s32 @!p2 $0xBE00;
	s3 =	sadd.s32 @!p2 s5, s3  }
0x33: {  	[tilespmem:s10], [sflag:$0x3] =	stream.linear.gather @!p2 [hbm4b:s3+s8], $0x400, $0x38;
	[tilespmem:$0x1FE80] =	vst v63  }
0x34: {  	s0 =	sshll.u32 s31, $0x7;
	_ =	swait.ge [sflag:s20], $0x4000  }
0x35: {  	s0 =	sand.u32 $0x3FFFFF80, s0;
	s8 =	sshll.u32 s29, $0x8;
	[sflag:s20] =	ssyncset.done $0x0  }
0x36: {  	s10 =	sadd.s32 s25, s7;
	s3 =	sand.u32 $0x3FFFFF00, s8;
	[sflag:s20] =	ssyncadd.s32 $0xFFFFC000  }
0x37: {  	v1 =	vmov s10;
	[tilespmem:s21], [sflag:$0x2] =	stream.indirect.gather [spmem:s2], $0x80, s0, s18, $0xb8;
	[tilespmem:$0x1FE80] =	vst v63  }
0x38: {  	v1 =	vand.u32 $0xFFFFFFF8, v1;
	v0 =	vld [tilespmem:s3+$0x0]  }
0x39: {  	v1 =	vbroadcast v1, $0x0;
	v2 =	vld [tilespmem:s3+$0x10];
	_ =	sdelay $0x5  }
0x3a: {  	v1 =	vld.idx.msk [tilespmem:v1+s16+$0x0], $0xffff  }
0x3b: {  	v0 =	vld.idx.msk [tilespmem:v0+s17+$0x0], $0xffff  }
0x3c: {  	v2 =	vld.idx.msk [tilespmem:v2+s17+$0x0], $0xffff;
	_ =	sdelay $0x3  }
0x3d: {  	v0 =	vadd.f32 v1, v0  }
0x3e: {  	v1 =	vadd.f32 v1, v2  }
0x3f: {  	v2 =	vmul.f32 $2.000000030e-01, v0  }
0x40: {  	v3 =	vmul.f32 $2.000000030e-01, v1  }
0x41: {  	v0 =	vmax.f32 v0, v2  }
0x42: {  	v1 =	vmax.f32 v1, v3;
	v0 =	vmul.f32 $1.442695020e+00, v0  }
0x43: {  	v1 =	vmul.f32 $1.442695020e+00, v1  }
0x44: {  	(erf) = vpow2.f32 v0  }
0x45: {  	(erf) = vpow2.f32 v1;
	_ =	sdelay $0x5  }
0x46: {  	v0 =	vmov s28;
	_ =	sdelay $0x1  }
0x47: {  	v1 =	vpop (erf)  }
0x48: {  	v2 =	vpop (erf);
	[tilespmem:$0xBD80] =	vst v1  }
0x49: {  	[tilespmem:$0xBD90] =	vst v2  }
0x4a: {  	s8 =	simm.s32 $0x3DC0;
	v10 =	vld.idx.msk [tilespmem:v0+s22+$0x0], $0xffff  }
0x4b: {  	v0 =	vld [tilespmem:s8+$0x30]  }
0x4c: {  	v3 =	vld [tilespmem:s8+$0xFFFFFFC0]  }
0x4d: {  	v4 =	vld [tilespmem:s8+$0xFFFFFFD0]  }
0x4e: {  	s10 =	simm.s32 $0x1;
	v6 =	vld [tilespmem:s8+$0xFFFFFFE0]  }
0x4f: {  	v5 =	vmov s10;
	v7 =	vld [tilespmem:s8+$0xFFFFFFF0]  }
0x50: {  	v9 =	vld [tilespmem:s8+$0x0]  }
0x51: {  	v14 =	vld [tilespmem:s8+$0x10]  }
0x52: {  	v17 =	vld [tilespmem:s8+$0x20]  }
0x53: {  	v8 =	vimm.f32 $0.0e+00;
	s10 =	simm.s32 $0x2;
	v11 =	vmul.f32 v0, v10  }
0x54: {  	v15 =	vmov s10;
	s8 =	simm.s32 $0x3E40;
	v12 =	vmul.f32 v3, v10;
	v13 =	vmul.f32 v4, v10;
	v0 =	vld.idx.msk [tilespmem:v5+s22+$0x0], $0xffff  }
0x55: {  	v6 =	vmul.f32 v6, v10;
	v7 =	vmul.f32 v7, v10;
	v3 =	vadd.f32 v11, v8;
	v11 =	vld [tilespmem:s8+$0x30]  }
0x56: {  	v9 =	vmul.f32 v9, v10;
	v16 =	vmul.f32 v14, v10;
	v4 =	vadd.f32 v12, v8;
	v12 =	vld [tilespmem:s8+$0xFFFFFFC0]  }
0x57: {  	v17 =	vmul.f32 v17, v10;
	v5 =	vadd.f32 v13, v8;
	v6 =	vadd.f32 v6, v8;
	v13 =	vld [tilespmem:s8+$0xFFFFFFD0]  }
0x58: {  	s10 =	simm.s32 $0x3;
	v14 =	vld [tilespmem:s8+$0xFFFFFFE0];
	v10 =	vimm.f32 $0.0e+00;
	v7 =	vadd.f32 v7, v8;
	v9 =	vadd.f32 v9, v8  }
.LBB2_4:
0x59: {  	p3 =	sne.s32 s10, $0x1F;
	v18 =	vld [tilespmem:s8+$0xFFFFFFF0];
	v8 =	vadd.f32 v16, v8  }
0x5a: {  	v16 =	vld [tilespmem:s8+$0x0];
	v11 =	vmul.f32 v11, v0;
	v10 =	vadd.f32 v17, v10;
	v17 =	vmov v0  }
0x5b: {  	v12 =	vmul.f32 v12, v17;
	v19 =	vld [tilespmem:s8+$0x10]  }
0x5c: {  	v13 =	vmul.f32 v13, v17;
	v20 =	vld [tilespmem:s8+$0x20];
	v3 =	vadd.f32 v11, v3  }
.Ltmp0:
0x5d: {  	s8 =	sadd.s32 $0x80, s8;
	v0 =	vld.idx.msk [tilespmem:v15+s22+$0x0], $0xffff;
	v4 =	vadd.f32 v12, v4;
	v14 =	vmul.f32 v14, v17;
	(pc) =	sbr.rel @p3 .LBB2_4-.Ltmp0, $4  }
0x5e: {  	v11 =	vld [tilespmem:s8+$0x30];
	v5 =	vadd.f32 v13, v5;
	v15 =	vmul.f32 v18, v17  }
0x5f: {  	v12 =	vld [tilespmem:s8+$0xFFFFFFC0];
	v6 =	vadd.f32 v14, v6;
	v18 =	vmul.f32 v16, v17  }
0x60: {  	v13 =	vld [tilespmem:s8+$0xFFFFFFD0];
	v7 =	vadd.f32 v15, v7;
	v16 =	vmul.f32 v19, v17  }
0x61: {  	v15 =	vmov s10;
	s10 =	sadd.s32 $0x1, s10;
	v14 =	vld [tilespmem:s8+$0xFFFFFFE0];
	v9 =	vadd.f32 v18, v9;
	v17 =	vmul.f32 v20, v17  }
0x62: {  	v1 =	vadd.f32 v2, v1;
	_ =	sdelay $0x1  }
0x63: {  	(xrf2) =	vadd.scan.msk.f32 $0xffff, v1;
	_ =	sdelay $0x4  }
0x64: {  	v2 =	vld [tilespmem:s8+$0x0]  }
0x65: {  	v18 =	vld [tilespmem:s8+$0x10]  }
0x66: {  	v19 =	vld [tilespmem:s8+$0x20]  }
0x67: {  	v15 =	vld.idx.msk [tilespmem:v15+s22+$0x0], $0xffff;
	s10 =	sadd.s32 $0x80, s8  }
0x68: {  	v21 =	vld [tilespmem:s10+$0x30]  }
0x69: {  	v22 =	vld [tilespmem:s10+$0xFFFFFFC0];
	v20, _, _ =	vpop (xrf2)  }
0x6a: {  	v63 =	vld [tilespmem:s10+$0xFFFFFFD0];
	v20 =	vbroadcast v20, $0xF  }
0x6b: {  	v11 =	vmul.f32 v11, v0;
	v1 =	vld [tilespmem:s8+$0xFFFFFFF0]  }
0x6c: {  	v8 =	vadd.f32 v16, v8;
	v16 =	vld [tilespmem:s10+$0xFFFFFFE0];
	(erf) = vrcp.f32 v20  }
0x6d: {  	v12 =	vmul.f32 v12, v0;
	v13 =	vmul.f32 v13, v0;
	v3 =	vadd.f32 v11, v3;
	v11 =	vld [tilespmem:s10+$0x0]  }
0x6e: {  	v10 =	vadd.f32 v17, v10;
	v17 =	vld [tilespmem:s10+$0xFFFFFFF0];
	v14 =	vmul.f32 v14, v0;
	v2 =	vmul.f32 v2, v0  }
0x6f: {  	v4 =	vadd.f32 v12, v4;
	v12 =	vld [tilespmem:s10+$0x10];
	v5 =	vadd.f32 v13, v5;
	v13 =	vmul.f32 v22, v15  }
0x70: {  	v6 =	vadd.f32 v14, v6;
	v14 =	vld [tilespmem:s10+$0x20];
	v1 =	vmul.f32 v1, v0;
	v2 =	vadd.f32 v2, v9  }
0x71: {  	v9 =	vmul.f32 v63, v15;
	v4 =	vadd.f32 v13, v4;
	v13 =	vmul.f32 v16, v15  }
0x72: {  	v11 =	vmul.f32 v11, v15;
	v1 =	vadd.f32 v1, v7;
	v7 =	vmul.f32 v18, v0  }
0x73: {  	v0 =	vmul.f32 v19, v0;
	v5 =	vadd.f32 v9, v5;
	v9 =	vmul.f32 v17, v15  }
0x74: {  	v18 =	vmul.f32 v21, v15;
	v12 =	vmul.f32 v12, v15;
	v6 =	vadd.f32 v13, v6  }
0x75: {  	v1 =	vadd.f32 v9, v1;
	v9 =	vmul.f32 v14, v15;
	v7 =	vadd.f32 v7, v8;
	v16 =	vpop (erf)  }
0x76: {  	v2 =	vadd.f32 v11, v2;
	v4 =	vmul.f32 v4, v16;
	v5 =	vmul.f32 v5, v16  }
0x77: {  	v7 =	vadd.f32 v12, v7;
	v6 =	vmul.f32 v6, v16;
	v1 =	vmul.f32 v1, v16  }
0x78: {  	v0 =	vadd.f32 v0, v10;
	v2 =	vmul.f32 v2, v16;
	v8 =	vmul.f32 $1.442695020e+00, v4  }
0x79: {  	v7 =	vmul.f32 v7, v16;
	v10 =	vmul.f32 $1.442695020e+00, v5  }
0x7a: {  	v0 =	vadd.f32 v9, v0;
	(erf) = vpow2.f32 v8;
	v8 =	vmul.f32 $1.442695020e+00, v6  }
0x7b: {  	(erf) = vpow2.f32 v10;
	v10 =	vmul.f32 $1.442695020e+00, v1  }
0x7c: {  	v3 =	vadd.f32 v18, v3;
	v0 =	vmul.f32 v0, v16;
	(erf) = vpow2.f32 v8  }
0x7d: {  	v8 =	vmul.f32 $1.442695020e+00, v2;
	(erf) = vpow2.f32 v10  }
0x7e: {  	v3 =	vmul.f32 v3, v16;
	v9 =	vmul.f32 $1.442695020e+00, v7  }
0x7f: {  	(erf) = vpow2.f32 v8;
	v8 =	vmul.f32 $1.442695020e+00, v0  }
0x80: {  	(erf) = vpow2.f32 v9;
	v9 =	vmul.f32 $1.442695020e+00, v3;
	_ =	sdelay $0x1  }
0x81: {  	(erf) = vpow2.f32 v8  }
0x82: {  	(erf) = vpow2.f32 v9;
	v8 =	vpop (erf)  }
0x83: {  	v9 =	vpop (erf);
	v8 =	vadd.f32 $-1.000000000e+00, v8  }
0x84: {  	vm0 =	vgt.f32 v4, $0.0e+00;
	v10 =	vpop (erf);
	v9 =	vadd.f32 $-1.000000000e+00, v9  }
0x85: {  	vm9 =	vgt.f32 v5, $0.0e+00;
	v11 =	vpop (erf);
	v4 =	vsel vm0, v4, v8  }
0x86: {  	[tilespmem:$0xC200] =	vst v4;
	v4 =	vsel vm9, v5, v9;
	v5 =	vadd.f32 $-1.000000000e+00, v11  }
0x87: {  	v8 =	vadd.f32 $-1.000000000e+00, v10  }
0x88: {  	vm10 =	vgt.f32 v6, $0.0e+00;
	v10 =	vpop (erf)  }
0x89: {  	vm11 =	vgt.f32 v1, $0.0e+00;
	[tilespmem:$0xC210] =	vst v4;
	v4 =	vsel vm10, v6, v8;
	v6 =	vadd.f32 $-1.000000000e+00, v10;
	v9 =	vpop (erf)  }
0x8a: {  	vm12 =	vgt.f32 v2, $0.0e+00;
	[tilespmem:$0xC220] =	vst v4;
	v1 =	vsel vm11, v1, v5;
	v4 =	vadd.f32 $-1.000000000e+00, v9;
	v5 =	vpop (erf)  }
0x8b: {  	vm13 =	vgt.f32 v7, $0.0e+00;
	[tilespmem:$0xC230] =	vst v1;
	v1 =	vsel vm12, v2, v6;
	v2 =	vadd.f32 $-1.000000000e+00, v5;
	v5 =	vpop (erf)  }
0x8c: {  	vm14 =	vgt.f32 v0, $0.0e+00;
	[tilespmem:$0xC240] =	vst v1;
	v1 =	vsel vm13, v7, v4;
	v4 =	vadd.f32 $-1.000000000e+00, v5  }
0x8d: {  	s8 =	sor.u32 $0x1, s7;
	vm15 =	vgt.f32 v3, $0.0e+00;
	[tilespmem:$0xC250] =	vst v1;
	v0 =	vsel vm14, v0, v2  }
0x8e: {  	s10 =	sshll.u32 s8, $0x5;
	s8 =	sadd.s32 s25, s8;
	[tilespmem:$0xC260] =	vst v0;
	v0 =	vsel vm15, v3, v4  }
0x8f: {  	v1 =	vmov s8;
	[tilespmem:$0xC270] =	vst v0  }
0x90: {  	v1 =	vand.u32 $0xFFFFFFF9, v1;
	v0 =	vld [tilespmem:s10+$0x0];
	s10 =	sor.u32 $0x30, s10  }
0x91: {  	v1 =	vbroadcast v1, $0x0;
	v2 =	vld [tilespmem:s10+$0x0];
	_ =	sdelay $0x5  }
0x92: {  	v1 =	vld.idx.msk [tilespmem:v1+s16+$0x0], $0xffff  }
0x93: {  	v0 =	vld.idx.msk [tilespmem:v0+s17+$0x0], $0xffff  }
0x94: {  	v2 =	vld.idx.msk [tilespmem:v2+s17+$0x0], $0xffff;
	_ =	sdelay $0x3  }
0x95: {  	v0 =	vadd.f32 v1, v0  }
0x96: {  	v1 =	vadd.f32 v1, v2  }
0x97: {  	v2 =	vmul.f32 $2.000000030e-01, v0  }
0x98: {  	v3 =	vmul.f32 $2.000000030e-01, v1  }
0x99: {  	v0 =	vmax.f32 v0, v2  }
0x9a: {  	v1 =	vmax.f32 v1, v3;
	v0 =	vmul.f32 $1.442695020e+00, v0  }
0x9b: {  	v1 =	vmul.f32 $1.442695020e+00, v1  }
0x9c: {  	(erf) = vpow2.f32 v0  }
0x9d: {  	(erf) = vpow2.f32 v1;
	_ =	sdelay $0x4  }
0x9e: {  	s10 =	simm.s32 $0x0  }
0x9f: {  	v0 =	vmov s10;
	_ =	sdelay $0x1  }
0xa0: {  	v1 =	vpop (erf)  }
0xa1: {  	v2 =	vpop (erf);
	[tilespmem:$0xBD80] =	vst v1  }
0xa2: {  	[tilespmem:$0xBD90] =	vst v2  }
0xa3: {  	s8 =	simm.s32 $0x4DF0;
	v10 =	vld.idx.msk [tilespmem:v0+s22+$0x0], $0xffff  }
0xa4: {  	v0 =	vld [tilespmem:s8+$0x0]  }
0xa5: {  	v3 =	vld [tilespmem:s8+$0xFFFFFF90]  }
0xa6: {  	v4 =	vld [tilespmem:s8+$0xFFFFFFA0]  }
0xa7: {  	s10 =	simm.s32 $0x1;
	v6 =	vld [tilespmem:s8+$0xFFFFFFB0]  }
0xa8: {  	v5 =	vmov s10;
	v7 =	vld [tilespmem:s8+$0xFFFFFFC0]  }
0xa9: {  	v9 =	vld [tilespmem:s8+$0xFFFFFFD0]  }
0xaa: {  	v14 =	vld [tilespmem:s8+$0xFFFFFFE0]  }
0xab: {  	v17 =	vld [tilespmem:s8+$0xFFFFFFF0]  }
0xac: {  	v8 =	vimm.f32 $0.0e+00;
	s10 =	simm.s32 $0x2;
	v11 =	vmul.f32 v0, v10  }
0xad: {  	v15 =	vmov s10;
	s8 =	simm.s32 $0x4E70;
	v12 =	vmul.f32 v3, v10;
	v13 =	vmul.f32 v4, v10;
	v0 =	vld.idx.msk [tilespmem:v5+s22+$0x0], $0xffff  }
0xae: {  	v6 =	vmul.f32 v6, v10;
	v7 =	vmul.f32 v7, v10;
	v3 =	vadd.f32 v11, v8;
	v11 =	vld [tilespmem:s8+$0x0]  }
0xaf: {  	v9 =	vmul.f32 v9, v10;
	v16 =	vmul.f32 v14, v10;
	v4 =	vadd.f32 v12, v8;
	v12 =	vld [tilespmem:s8+$0xFFFFFF90]  }
0xb0: {  	v17 =	vmul.f32 v17, v10;
	v5 =	vadd.f32 v13, v8;
	v6 =	vadd.f32 v6, v8;
	v13 =	vld [tilespmem:s8+$0xFFFFFFA0]  }
0xb1: {  	s10 =	simm.s32 $0x3;
	v14 =	vld [tilespmem:s8+$0xFFFFFFB0];
	v10 =	vimm.f32 $0.0e+00;
	v7 =	vadd.f32 v7, v8;
	v9 =	vadd.f32 v9, v8  }
.LBB2_6:
0xb2: {  	p3 =	sne.s32 s10, $0x1F;
	v18 =	vld [tilespmem:s8+$0xFFFFFFC0];
	v8 =	vadd.f32 v16, v8  }
0xb3: {  	v16 =	vld [tilespmem:s8+$0xFFFFFFD0];
	v11 =	vmul.f32 v11, v0;
	v10 =	vadd.f32 v17, v10;
	v17 =	vmov v0  }
0xb4: {  	v12 =	vmul.f32 v12, v17;
	v19 =	vld [tilespmem:s8+$0xFFFFFFE0]  }
0xb5: {  	v13 =	vmul.f32 v13, v17;
	v20 =	vld [tilespmem:s8+$0xFFFFFFF0];
	v3 =	vadd.f32 v11, v3  }
.Ltmp1:
0xb6: {  	s8 =	sadd.s32 $0x80, s8;
	v0 =	vld.idx.msk [tilespmem:v15+s22+$0x0], $0xffff;
	v4 =	vadd.f32 v12, v4;
	v14 =	vmul.f32 v14, v17;
	(pc) =	sbr.rel @p3 .LBB2_6-.Ltmp1, $4  }
0xb7: {  	v11 =	vld [tilespmem:s8+$0x0];
	v5 =	vadd.f32 v13, v5;
	v15 =	vmul.f32 v18, v17  }
0xb8: {  	v12 =	vld [tilespmem:s8+$0xFFFFFF90];
	v6 =	vadd.f32 v14, v6;
	v18 =	vmul.f32 v16, v17  }
0xb9: {  	v13 =	vld [tilespmem:s8+$0xFFFFFFA0];
	v7 =	vadd.f32 v15, v7;
	v16 =	vmul.f32 v19, v17  }
0xba: {  	v15 =	vmov s10;
	s10 =	sadd.s32 $0x1, s10;
	v14 =	vld [tilespmem:s8+$0xFFFFFFB0];
	v9 =	vadd.f32 v18, v9;
	v17 =	vmul.f32 v20, v17  }
0xbb: {  	v1 =	vadd.f32 v2, v1;
	_ =	sdelay $0x1  }
0xbc: {  	(xrf2) =	vadd.scan.msk.f32 $0xffff, v1;
	_ =	sdelay $0x4  }
0xbd: {  	v2 =	vld [tilespmem:s8+$0xFFFFFFD0]  }
0xbe: {  	v18 =	vld [tilespmem:s8+$0xFFFFFFE0]  }
0xbf: {  	v19 =	vld [tilespmem:s8+$0xFFFFFFF0]  }
0xc0: {  	v15 =	vld.idx.msk [tilespmem:v15+s22+$0x0], $0xffff;
	s10 =	sadd.s32 $0x80, s8  }
0xc1: {  	v21 =	vld [tilespmem:s10+$0x0]  }
0xc2: {  	v22 =	vld [tilespmem:s10+$0xFFFFFF90];
	v20, _, _ =	vpop (xrf2)  }
0xc3: {  	v63 =	vld [tilespmem:s10+$0xFFFFFFA0];
	v20 =	vbroadcast v20, $0xF  }
0xc4: {  	v11 =	vmul.f32 v11, v0;
	v1 =	vld [tilespmem:s8+$0xFFFFFFC0]  }
0xc5: {  	v8 =	vadd.f32 v16, v8;
	v16 =	vld [tilespmem:s10+$0xFFFFFFB0];
	(erf) = vrcp.f32 v20  }
0xc6: {  	v12 =	vmul.f32 v12, v0;
	v13 =	vmul.f32 v13, v0;
	v3 =	vadd.f32 v11, v3;
	v11 =	vld [tilespmem:s10+$0xFFFFFFD0]  }
0xc7: {  	v10 =	vadd.f32 v17, v10;
	v17 =	vld [tilespmem:s10+$0xFFFFFFC0];
	v14 =	vmul.f32 v14, v0;
	v2 =	vmul.f32 v2, v0  }
0xc8: {  	v4 =	vadd.f32 v12, v4;
	v12 =	vld [tilespmem:s10+$0xFFFFFFE0];
	v5 =	vadd.f32 v13, v5;
	v13 =	vmul.f32 v22, v15  }
0xc9: {  	v6 =	vadd.f32 v14, v6;
	v14 =	vld [tilespmem:s10+$0xFFFFFFF0];
	v1 =	vmul.f32 v1, v0;
	v2 =	vadd.f32 v2, v9  }
0xca: {  	v9 =	vmul.f32 v63, v15;
	v4 =	vadd.f32 v13, v4;
	v13 =	vmul.f32 v16, v15  }
0xcb: {  	v11 =	vmul.f32 v11, v15;
	v1 =	vadd.f32 v1, v7;
	v7 =	vmul.f32 v18, v0  }
0xcc: {  	v0 =	vmul.f32 v19, v0;
	v5 =	vadd.f32 v9, v5;
	v9 =	vmul.f32 v17, v15  }
0xcd: {  	v18 =	vmul.f32 v21, v15;
	v12 =	vmul.f32 v12, v15;
	v6 =	vadd.f32 v13, v6  }
0xce: {  	v1 =	vadd.f32 v9, v1;
	v9 =	vmul.f32 v14, v15;
	v7 =	vadd.f32 v7, v8;
	v16 =	vpop (erf)  }
0xcf: {  	v2 =	vadd.f32 v11, v2;
	v4 =	vmul.f32 v4, v16;
	v5 =	vmul.f32 v5, v16  }
0xd0: {  	v7 =	vadd.f32 v12, v7;
	v6 =	vmul.f32 v6, v16;
	v1 =	vmul.f32 v1, v16  }
0xd1: {  	v0 =	vadd.f32 v0, v10;
	v2 =	vmul.f32 v2, v16;
	v8 =	vmul.f32 $1.442695020e+00, v4  }
0xd2: {  	v7 =	vmul.f32 v7, v16;
	v10 =	vmul.f32 $1.442695020e+00, v5  }
0xd3: {  	v0 =	vadd.f32 v9, v0;
	(erf) = vpow2.f32 v8;
	v8 =	vmul.f32 $1.442695020e+00, v6  }
0xd4: {  	(erf) = vpow2.f32 v10;
	v10 =	vmul.f32 $1.442695020e+00, v1  }
0xd5: {  	v3 =	vadd.f32 v18, v3;
	v0 =	vmul.f32 v0, v16;
	(erf) = vpow2.f32 v8  }
0xd6: {  	v8 =	vmul.f32 $1.442695020e+00, v2;
	(erf) = vpow2.f32 v10  }
0xd7: {  	v3 =	vmul.f32 v3, v16;
	v9 =	vmul.f32 $1.442695020e+00, v7  }
0xd8: {  	(erf) = vpow2.f32 v8;
	v8 =	vmul.f32 $1.442695020e+00, v0  }
0xd9: {  	(erf) = vpow2.f32 v9;
	v9 =	vmul.f32 $1.442695020e+00, v3;
	_ =	sdelay $0x1  }
0xda: {  	(erf) = vpow2.f32 v8  }
0xdb: {  	(erf) = vpow2.f32 v9;
	v8 =	vpop (erf)  }
0xdc: {  	v9 =	vpop (erf);
	v8 =	vadd.f32 $-1.000000000e+00, v8  }
0xdd: {  	vm0 =	vgt.f32 v4, $0.0e+00;
	v10 =	vpop (erf);
	v9 =	vadd.f32 $-1.000000000e+00, v9  }
0xde: {  	vm9 =	vgt.f32 v5, $0.0e+00;
	v11 =	vpop (erf);
	v4 =	vsel vm0, v4, v8  }
0xdf: {  	[tilespmem:$0xC280] =	vst v4;
	v4 =	vsel vm9, v5, v9;
	v5 =	vadd.f32 $-1.000000000e+00, v11  }
0xe0: {  	v8 =	vadd.f32 $-1.000000000e+00, v10  }
0xe1: {  	vm10 =	vgt.f32 v6, $0.0e+00;
	v10 =	vpop (erf)  }
0xe2: {  	vm11 =	vgt.f32 v1, $0.0e+00;
	[tilespmem:$0xC290] =	vst v4;
	v4 =	vsel vm10, v6, v8;
	v6 =	vadd.f32 $-1.000000000e+00, v10;
	v9 =	vpop (erf)  }
0xe3: {  	vm12 =	vgt.f32 v2, $0.0e+00;
	[tilespmem:$0xC2A0] =	vst v4;
	v1 =	vsel vm11, v1, v5;
	v4 =	vadd.f32 $-1.000000000e+00, v9;
	v5 =	vpop (erf)  }
0xe4: {  	vm13 =	vgt.f32 v7, $0.0e+00;
	[tilespmem:$0xC2B0] =	vst v1;
	v1 =	vsel vm12, v2, v6;
	v2 =	vadd.f32 $-1.000000000e+00, v5;
	v5 =	vpop (erf)  }
0xe5: {  	vm14 =	vgt.f32 v0, $0.0e+00;
	[tilespmem:$0xC2C0] =	vst v1;
	v1 =	vsel vm13, v7, v4;
	v4 =	vadd.f32 $-1.000000000e+00, v5  }
0xe6: {  	s8 =	sor.u32 $0x2, s7;
	vm15 =	vgt.f32 v3, $0.0e+00;
	[tilespmem:$0xC2D0] =	vst v1;
	v0 =	vsel vm14, v0, v2  }
0xe7: {  	s10 =	sshll.u32 s8, $0x5;
	s8 =	sadd.s32 s25, s8;
	[tilespmem:$0xC2E0] =	vst v0;
	v0 =	vsel vm15, v3, v4  }
0xe8: {  	v1 =	vmov s8;
	[tilespmem:$0xC2F0] =	vst v0  }
0xe9: {  	v1 =	vand.u32 $0xFFFFFFFA, v1;
	v0 =	vld [tilespmem:s10+$0x0];
	s10 =	sor.u32 $0x50, s10  }
0xea: {  	v1 =	vbroadcast v1, $0x0;
	v2 =	vld [tilespmem:s10+$0x0];
	_ =	sdelay $0x5  }
0xeb: {  	v1 =	vld.idx.msk [tilespmem:v1+s16+$0x0], $0xffff  }
0xec: {  	v0 =	vld.idx.msk [tilespmem:v0+s17+$0x0], $0xffff  }
0xed: {  	v2 =	vld.idx.msk [tilespmem:v2+s17+$0x0], $0xffff;
	_ =	sdelay $0x3  }
0xee: {  	v0 =	vadd.f32 v1, v0  }
0xef: {  	v1 =	vadd.f32 v1, v2  }
0xf0: {  	v2 =	vmul.f32 $2.000000030e-01, v0  }
0xf1: {  	v3 =	vmul.f32 $2.000000030e-01, v1  }
0xf2: {  	v0 =	vmax.f32 v0, v2  }
0xf3: {  	v1 =	vmax.f32 v1, v3;
	v0 =	vmul.f32 $1.442695020e+00, v0  }
0xf4: {  	v1 =	vmul.f32 $1.442695020e+00, v1  }
0xf5: {  	(erf) = vpow2.f32 v0  }
0xf6: {  	(erf) = vpow2.f32 v1;
	_ =	sdelay $0x4  }
0xf7: {  	s10 =	simm.s32 $0x0  }
0xf8: {  	v0 =	vmov s10;
	_ =	sdelay $0x1  }
0xf9: {  	v1 =	vpop (erf)  }
0xfa: {  	v2 =	vpop (erf);
	[tilespmem:$0xBD80] =	vst v1  }
0xfb: {  	[tilespmem:$0xBD90] =	vst v2  }
0xfc: {  	s8 =	simm.s32 $0x5DF0;
	v10 =	vld.idx.msk [tilespmem:v0+s22+$0x0], $0xffff  }
0xfd: {  	v0 =	vld [tilespmem:s8+$0x0]  }
0xfe: {  	v3 =	vld [tilespmem:s8+$0xFFFFFF90]  }
0xff: {  	v4 =	vld [tilespmem:s8+$0xFFFFFFA0]  }
0x100: {  	s10 =	simm.s32 $0x1;
	v6 =	vld [tilespmem:s8+$0xFFFFFFB0]  }
0x101: {  	v5 =	vmov s10;
	v7 =	vld [tilespmem:s8+$0xFFFFFFC0]  }
0x102: {  	v9 =	vld [tilespmem:s8+$0xFFFFFFD0]  }
0x103: {  	v14 =	vld [tilespmem:s8+$0xFFFFFFE0]  }
0x104: {  	v17 =	vld [tilespmem:s8+$0xFFFFFFF0]  }
0x105: {  	v8 =	vimm.f32 $0.0e+00;
	s10 =	simm.s32 $0x2;
	v11 =	vmul.f32 v0, v10  }
0x106: {  	v15 =	vmov s10;
	s8 =	simm.s32 $0x5E70;
	v12 =	vmul.f32 v3, v10;
	v13 =	vmul.f32 v4, v10;
	v0 =	vld.idx.msk [tilespmem:v5+s22+$0x0], $0xffff  }
0x107: {  	v6 =	vmul.f32 v6, v10;
	v7 =	vmul.f32 v7, v10;
	v3 =	vadd.f32 v11, v8;
	v11 =	vld [tilespmem:s8+$0x0]  }
0x108: {  	v9 =	vmul.f32 v9, v10;
	v16 =	vmul.f32 v14, v10;
	v4 =	vadd.f32 v12, v8;
	v12 =	vld [tilespmem:s8+$0xFFFFFF90]  }
0x109: {  	v17 =	vmul.f32 v17, v10;
	v5 =	vadd.f32 v13, v8;
	v6 =	vadd.f32 v6, v8;
	v13 =	vld [tilespmem:s8+$0xFFFFFFA0]  }
0x10a: {  	s10 =	simm.s32 $0x3;
	v14 =	vld [tilespmem:s8+$0xFFFFFFB0];
	v10 =	vimm.f32 $0.0e+00;
	v7 =	vadd.f32 v7, v8;
	v9 =	vadd.f32 v9, v8  }
.LBB2_8:
0x10b: {  	p3 =	sne.s32 s10, $0x1F;
	v18 =	vld [tilespmem:s8+$0xFFFFFFC0];
	v8 =	vadd.f32 v16, v8  }
0x10c: {  	v16 =	vld [tilespmem:s8+$0xFFFFFFD0];
	v11 =	vmul.f32 v11, v0;
	v10 =	vadd.f32 v17, v10;
	v17 =	vmov v0  }
0x10d: {  	v12 =	vmul.f32 v12, v17;
	v19 =	vld [tilespmem:s8+$0xFFFFFFE0]  }
0x10e: {  	v13 =	vmul.f32 v13, v17;
	v20 =	vld [tilespmem:s8+$0xFFFFFFF0];
	v3 =	vadd.f32 v11, v3  }
.Ltmp2:
0x10f: {  	s8 =	sadd.s32 $0x80, s8;
	v0 =	vld.idx.msk [tilespmem:v15+s22+$0x0], $0xffff;
	v4 =	vadd.f32 v12, v4;
	v14 =	vmul.f32 v14, v17;
	(pc) =	sbr.rel @p3 .LBB2_8-.Ltmp2, $4  }
0x110: {  	v11 =	vld [tilespmem:s8+$0x0];
	v5 =	vadd.f32 v13, v5;
	v15 =	vmul.f32 v18, v17  }
0x111: {  	v12 =	vld [tilespmem:s8+$0xFFFFFF90];
	v6 =	vadd.f32 v14, v6;
	v18 =	vmul.f32 v16, v17  }
0x112: {  	v13 =	vld [tilespmem:s8+$0xFFFFFFA0];
	v7 =	vadd.f32 v15, v7;
	v16 =	vmul.f32 v19, v17  }
0x113: {  	v15 =	vmov s10;
	s10 =	sadd.s32 $0x1, s10;
	v14 =	vld [tilespmem:s8+$0xFFFFFFB0];
	v9 =	vadd.f32 v18, v9;
	v17 =	vmul.f32 v20, v17  }
0x114: {  	v1 =	vadd.f32 v2, v1;
	_ =	sdelay $0x1  }
0x115: {  	(xrf2) =	vadd.scan.msk.f32 $0xffff, v1;
	_ =	sdelay $0x4  }
0x116: {  	v2 =	vld [tilespmem:s8+$0xFFFFFFD0]  }
0x117: {  	v18 =	vld [tilespmem:s8+$0xFFFFFFE0]  }
0x118: {  	v19 =	vld [tilespmem:s8+$0xFFFFFFF0]  }
0x119: {  	v15 =	vld.idx.msk [tilespmem:v15+s22+$0x0], $0xffff;
	s10 =	sadd.s32 $0x80, s8  }
0x11a: {  	v21 =	vld [tilespmem:s10+$0x0]  }
0x11b: {  	v22 =	vld [tilespmem:s10+$0xFFFFFF90];
	v20, _, _ =	vpop (xrf2)  }
0x11c: {  	v63 =	vld [tilespmem:s10+$0xFFFFFFA0];
	v20 =	vbroadcast v20, $0xF  }
0x11d: {  	v11 =	vmul.f32 v11, v0;
	v1 =	vld [tilespmem:s8+$0xFFFFFFC0]  }
0x11e: {  	v8 =	vadd.f32 v16, v8;
	v16 =	vld [tilespmem:s10+$0xFFFFFFB0];
	(erf) = vrcp.f32 v20  }
0x11f: {  	v12 =	vmul.f32 v12, v0;
	v13 =	vmul.f32 v13, v0;
	v3 =	vadd.f32 v11, v3;
	v11 =	vld [tilespmem:s10+$0xFFFFFFD0]  }
0x120: {  	v10 =	vadd.f32 v17, v10;
	v17 =	vld [tilespmem:s10+$0xFFFFFFC0];
	v14 =	vmul.f32 v14, v0;
	v2 =	vmul.f32 v2, v0  }
0x121: {  	v4 =	vadd.f32 v12, v4;
	v12 =	vld [tilespmem:s10+$0xFFFFFFE0];
	v5 =	vadd.f32 v13, v5;
	v13 =	vmul.f32 v22, v15  }
0x122: {  	v6 =	vadd.f32 v14, v6;
	v14 =	vld [tilespmem:s10+$0xFFFFFFF0];
	v1 =	vmul.f32 v1, v0;
	v2 =	vadd.f32 v2, v9  }
0x123: {  	v9 =	vmul.f32 v63, v15;
	v4 =	vadd.f32 v13, v4;
	v13 =	vmul.f32 v16, v15  }
0x124: {  	v11 =	vmul.f32 v11, v15;
	v1 =	vadd.f32 v1, v7;
	v7 =	vmul.f32 v18, v0  }
0x125: {  	v0 =	vmul.f32 v19, v0;
	v5 =	vadd.f32 v9, v5;
	v9 =	vmul.f32 v17, v15  }
0x126: {  	v18 =	vmul.f32 v21, v15;
	v12 =	vmul.f32 v12, v15;
	v6 =	vadd.f32 v13, v6  }
0x127: {  	v1 =	vadd.f32 v9, v1;
	v9 =	vmul.f32 v14, v15;
	v7 =	vadd.f32 v7, v8;
	v16 =	vpop (erf)  }
0x128: {  	v2 =	vadd.f32 v11, v2;
	v4 =	vmul.f32 v4, v16;
	v5 =	vmul.f32 v5, v16  }
0x129: {  	v7 =	vadd.f32 v12, v7;
	v6 =	vmul.f32 v6, v16;
	v1 =	vmul.f32 v1, v16  }
0x12a: {  	v0 =	vadd.f32 v0, v10;
	v2 =	vmul.f32 v2, v16;
	v8 =	vmul.f32 $1.442695020e+00, v4  }
0x12b: {  	v7 =	vmul.f32 v7, v16;
	v10 =	vmul.f32 $1.442695020e+00, v5  }
0x12c: {  	v0 =	vadd.f32 v9, v0;
	(erf) = vpow2.f32 v8;
	v8 =	vmul.f32 $1.442695020e+00, v6  }
0x12d: {  	(erf) = vpow2.f32 v10;
	v10 =	vmul.f32 $1.442695020e+00, v1  }
0x12e: {  	v3 =	vadd.f32 v18, v3;
	v0 =	vmul.f32 v0, v16;
	(erf) = vpow2.f32 v8  }
0x12f: {  	v8 =	vmul.f32 $1.442695020e+00, v2;
	(erf) = vpow2.f32 v10  }
0x130: {  	v3 =	vmul.f32 v3, v16;
	v9 =	vmul.f32 $1.442695020e+00, v7  }
0x131: {  	(erf) = vpow2.f32 v8;
	v8 =	vmul.f32 $1.442695020e+00, v0  }
0x132: {  	(erf) = vpow2.f32 v9;
	v9 =	vmul.f32 $1.442695020e+00, v3;
	_ =	sdelay $0x1  }
0x133: {  	(erf) = vpow2.f32 v8  }
0x134: {  	(erf) = vpow2.f32 v9;
	v8 =	vpop (erf)  }
0x135: {  	v9 =	vpop (erf);
	v8 =	vadd.f32 $-1.000000000e+00, v8  }
0x136: {  	vm0 =	vgt.f32 v4, $0.0e+00;
	v10 =	vpop (erf);
	v9 =	vadd.f32 $-1.000000000e+00, v9  }
0x137: {  	vm9 =	vgt.f32 v5, $0.0e+00;
	v11 =	vpop (erf);
	v4 =	vsel vm0, v4, v8  }
0x138: {  	[tilespmem:$0xC300] =	vst v4;
	v4 =	vsel vm9, v5, v9;
	v5 =	vadd.f32 $-1.000000000e+00, v11  }
0x139: {  	v8 =	vadd.f32 $-1.000000000e+00, v10  }
0x13a: {  	vm10 =	vgt.f32 v6, $0.0e+00;
	v10 =	vpop (erf)  }
0x13b: {  	vm11 =	vgt.f32 v1, $0.0e+00;
	[tilespmem:$0xC310] =	vst v4;
	v4 =	vsel vm10, v6, v8;
	v6 =	vadd.f32 $-1.000000000e+00, v10;
	v9 =	vpop (erf)  }
0x13c: {  	vm12 =	vgt.f32 v2, $0.0e+00;
	[tilespmem:$0xC320] =	vst v4;
	v1 =	vsel vm11, v1, v5;
	v4 =	vadd.f32 $-1.000000000e+00, v9;
	v5 =	vpop (erf)  }
0x13d: {  	vm13 =	vgt.f32 v7, $0.0e+00;
	[tilespmem:$0xC330] =	vst v1;
	v1 =	vsel vm12, v2, v6;
	v2 =	vadd.f32 $-1.000000000e+00, v5;
	v5 =	vpop (erf)  }
0x13e: {  	vm14 =	vgt.f32 v0, $0.0e+00;
	[tilespmem:$0xC340] =	vst v1;
	v1 =	vsel vm13, v7, v4;
	v4 =	vadd.f32 $-1.000000000e+00, v5  }
0x13f: {  	s7 =	sor.u32 $0x3, s7;
	vm15 =	vgt.f32 v3, $0.0e+00;
	[tilespmem:$0xC350] =	vst v1;
	v0 =	vsel vm14, v0, v2  }
0x140: {  	s10 =	sshll.u32 s7, $0x5;
	s7 =	sadd.s32 s25, s7;
	[tilespmem:$0xC360] =	vst v0;
	v0 =	vsel vm15, v3, v4  }
0x141: {  	v1 =	vmov s7;
	[tilespmem:$0xC370] =	vst v0  }
0x142: {  	s8 =	sor.u32 $0x70, s10;
	v1 =	vand.u32 $0xFFFFFFFB, v1;
	v0 =	vld [tilespmem:s10+$0x0]  }
0x143: {  	v1 =	vbroadcast v1, $0x0;
	v2 =	vld [tilespmem:s8+$0x0];
	_ =	sdelay $0x5  }
0x144: {  	v1 =	vld.idx.msk [tilespmem:v1+s16+$0x0], $0xffff  }
0x145: {  	v0 =	vld.idx.msk [tilespmem:v0+s17+$0x0], $0xffff  }
0x146: {  	v2 =	vld.idx.msk [tilespmem:v2+s17+$0x0], $0xffff;
	_ =	sdelay $0x3  }
0x147: {  	v0 =	vadd.f32 v1, v0  }
0x148: {  	v1 =	vadd.f32 v1, v2  }
0x149: {  	v2 =	vmul.f32 $2.000000030e-01, v0  }
0x14a: {  	v3 =	vmul.f32 $2.000000030e-01, v1  }
0x14b: {  	v0 =	vmax.f32 v0, v2  }
0x14c: {  	v1 =	vmax.f32 v1, v3;
	v0 =	vmul.f32 $1.442695020e+00, v0  }
0x14d: {  	v1 =	vmul.f32 $1.442695020e+00, v1  }
0x14e: {  	(erf) = vpow2.f32 v0  }
0x14f: {  	(erf) = vpow2.f32 v1;
	_ =	sdelay $0x4  }
0x150: {  	s8 =	simm.s32 $0x0  }
0x151: {  	v0 =	vmov s8;
	_ =	sdelay $0x1  }
0x152: {  	v1 =	vpop (erf)  }
0x153: {  	v2 =	vpop (erf);
	[tilespmem:$0xBD80] =	vst v1  }
0x154: {  	[tilespmem:$0xBD90] =	vst v2  }
0x155: {  	s7 =	simm.s32 $0x6DF0;
	v10 =	vld.idx.msk [tilespmem:v0+s22+$0x0], $0xffff  }
0x156: {  	v0 =	vld [tilespmem:s7+$0x0]  }
0x157: {  	v3 =	vld [tilespmem:s7+$0xFFFFFF90]  }
0x158: {  	v4 =	vld [tilespmem:s7+$0xFFFFFFA0]  }
0x159: {  	s10 =	simm.s32 $0x1;
	v6 =	vld [tilespmem:s7+$0xFFFFFFB0]  }
0x15a: {  	v5 =	vmov s10;
	v7 =	vld [tilespmem:s7+$0xFFFFFFC0]  }
0x15b: {  	v9 =	vld [tilespmem:s7+$0xFFFFFFD0]  }
0x15c: {  	v14 =	vld [tilespmem:s7+$0xFFFFFFE0]  }
0x15d: {  	v17 =	vld [tilespmem:s7+$0xFFFFFFF0]  }
0x15e: {  	v8 =	vimm.f32 $0.0e+00;
	s10 =	simm.s32 $0x2;
	v11 =	vmul.f32 v0, v10  }
0x15f: {  	v15 =	vmov s10;
	s7 =	simm.s32 $0x6E70;
	v12 =	vmul.f32 v3, v10;
	v13 =	vmul.f32 v4, v10;
	v0 =	vld.idx.msk [tilespmem:v5+s22+$0x0], $0xffff  }
0x160: {  	v6 =	vmul.f32 v6, v10;
	v7 =	vmul.f32 v7, v10;
	v3 =	vadd.f32 v11, v8;
	v11 =	vld [tilespmem:s7+$0x0]  }
0x161: {  	v9 =	vmul.f32 v9, v10;
	v16 =	vmul.f32 v14, v10;
	v4 =	vadd.f32 v12, v8;
	v12 =	vld [tilespmem:s7+$0xFFFFFF90]  }
0x162: {  	v17 =	vmul.f32 v17, v10;
	v5 =	vadd.f32 v13, v8;
	v6 =	vadd.f32 v6, v8;
	v13 =	vld [tilespmem:s7+$0xFFFFFFA0]  }
0x163: {  	s8 =	simm.s32 $0x3;
	v14 =	vld [tilespmem:s7+$0xFFFFFFB0];
	v10 =	vimm.f32 $0.0e+00;
	v7 =	vadd.f32 v7, v8;
	v9 =	vadd.f32 v9, v8  }
.LBB2_10:
0x164: {  	p3 =	sne.s32 s8, $0x1F;
	v18 =	vld [tilespmem:s7+$0xFFFFFFC0];
	v8 =	vadd.f32 v16, v8  }
0x165: {  	v16 =	vld [tilespmem:s7+$0xFFFFFFD0];
	v11 =	vmul.f32 v11, v0;
	v10 =	vadd.f32 v17, v10;
	v17 =	vmov v0  }
0x166: {  	v12 =	vmul.f32 v12, v17;
	v19 =	vld [tilespmem:s7+$0xFFFFFFE0]  }
0x167: {  	v13 =	vmul.f32 v13, v17;
	v20 =	vld [tilespmem:s7+$0xFFFFFFF0];
	v3 =	vadd.f32 v11, v3  }
.Ltmp3:
0x168: {  	s7 =	sadd.s32 $0x80, s7;
	v0 =	vld.idx.msk [tilespmem:v15+s22+$0x0], $0xffff;
	v4 =	vadd.f32 v12, v4;
	v14 =	vmul.f32 v14, v17;
	(pc) =	sbr.rel @p3 .LBB2_10-.Ltmp3, $4  }
0x169: {  	v11 =	vld [tilespmem:s7+$0x0];
	v5 =	vadd.f32 v13, v5;
	v15 =	vmul.f32 v18, v17  }
0x16a: {  	v12 =	vld [tilespmem:s7+$0xFFFFFF90];
	v6 =	vadd.f32 v14, v6;
	v18 =	vmul.f32 v16, v17  }
0x16b: {  	v13 =	vld [tilespmem:s7+$0xFFFFFFA0];
	v7 =	vadd.f32 v15, v7;
	v16 =	vmul.f32 v19, v17  }
0x16c: {  	v15 =	vmov s8;
	s8 =	sadd.s32 $0x1, s8;
	v14 =	vld [tilespmem:s7+$0xFFFFFFB0];
	v9 =	vadd.f32 v18, v9;
	v17 =	vmul.f32 v20, v17  }
0x16d: {  	v1 =	vadd.f32 v2, v1;
	_ =	sdelay $0x1  }
0x16e: {  	(xrf2) =	vadd.scan.msk.f32 $0xffff, v1;
	_ =	sdelay $0x4  }
0x16f: {  	v2 =	vld [tilespmem:s7+$0xFFFFFFD0]  }
0x170: {  	v18 =	vld [tilespmem:s7+$0xFFFFFFE0]  }
0x171: {  	v19 =	vld [tilespmem:s7+$0xFFFFFFF0]  }
0x172: {  	v15 =	vld.idx.msk [tilespmem:v15+s22+$0x0], $0xffff;
	s10 =	sadd.s32 $0x80, s7  }
0x173: {  	v21 =	vld [tilespmem:s10+$0x0]  }
0x174: {  	v22 =	vld [tilespmem:s10+$0xFFFFFF90];
	v20, _, _ =	vpop (xrf2)  }
0x175: {  	v63 =	vld [tilespmem:s10+$0xFFFFFFA0];
	v20 =	vbroadcast v20, $0xF  }
0x176: {  	v11 =	vmul.f32 v11, v0;
	v1 =	vld [tilespmem:s7+$0xFFFFFFC0]  }
0x177: {  	v8 =	vadd.f32 v16, v8;
	v16 =	vld [tilespmem:s10+$0xFFFFFFB0];
	(erf) = vrcp.f32 v20  }
0x178: {  	v12 =	vmul.f32 v12, v0;
	v13 =	vmul.f32 v13, v0;
	v3 =	vadd.f32 v11, v3;
	v11 =	vld [tilespmem:s10+$0xFFFFFFD0]  }
0x179: {  	v10 =	vadd.f32 v17, v10;
	v17 =	vld [tilespmem:s10+$0xFFFFFFC0];
	v14 =	vmul.f32 v14, v0;
	v2 =	vmul.f32 v2, v0  }
0x17a: {  	v4 =	vadd.f32 v12, v4;
	v12 =	vld [tilespmem:s10+$0xFFFFFFE0];
	v5 =	vadd.f32 v13, v5;
	v13 =	vmul.f32 v22, v15  }
0x17b: {  	v6 =	vadd.f32 v14, v6;
	v14 =	vld [tilespmem:s10+$0xFFFFFFF0];
	v1 =	vmul.f32 v1, v0;
	v2 =	vadd.f32 v2, v9  }
0x17c: {  	v9 =	vmul.f32 v63, v15;
	v4 =	vadd.f32 v13, v4;
	v13 =	vmul.f32 v16, v15  }
0x17d: {  	v11 =	vmul.f32 v11, v15;
	v1 =	vadd.f32 v1, v7;
	v7 =	vmul.f32 v18, v0  }
0x17e: {  	v0 =	vmul.f32 v19, v0;
	v5 =	vadd.f32 v9, v5;
	v9 =	vmul.f32 v17, v15  }
0x17f: {  	v18 =	vmul.f32 v21, v15;
	v12 =	vmul.f32 v12, v15;
	v6 =	vadd.f32 v13, v6  }
0x180: {  	v1 =	vadd.f32 v9, v1;
	v9 =	vmul.f32 v14, v15;
	v7 =	vadd.f32 v7, v8;
	v16 =	vpop (erf)  }
0x181: {  	v2 =	vadd.f32 v11, v2;
	v4 =	vmul.f32 v4, v16;
	v5 =	vmul.f32 v5, v16  }
0x182: {  	v7 =	vadd.f32 v12, v7;
	v6 =	vmul.f32 v6, v16;
	v1 =	vmul.f32 v1, v16  }
0x183: {  	v0 =	vadd.f32 v0, v10;
	v2 =	vmul.f32 v2, v16;
	v8 =	vmul.f32 $1.442695020e+00, v4  }
0x184: {  	v7 =	vmul.f32 v7, v16;
	v10 =	vmul.f32 $1.442695020e+00, v5  }
0x185: {  	v0 =	vadd.f32 v9, v0;
	(erf) = vpow2.f32 v8;
	v8 =	vmul.f32 $1.442695020e+00, v6  }
0x186: {  	(erf) = vpow2.f32 v10;
	v10 =	vmul.f32 $1.442695020e+00, v1  }
0x187: {  	v3 =	vadd.f32 v18, v3;
	v0 =	vmul.f32 v0, v16;
	(erf) = vpow2.f32 v8  }
0x188: {  	v8 =	vmul.f32 $1.442695020e+00, v2;
	(erf) = vpow2.f32 v10  }
0x189: {  	v3 =	vmul.f32 v3, v16;
	v9 =	vmul.f32 $1.442695020e+00, v7  }
0x18a: {  	(erf) = vpow2.f32 v8;
	v8 =	vmul.f32 $1.442695020e+00, v0  }
0x18b: {  	(erf) = vpow2.f32 v9;
	v9 =	vmul.f32 $1.442695020e+00, v3;
	_ =	sdelay $0x1  }
0x18c: {  	(erf) = vpow2.f32 v8  }
0x18d: {  	(erf) = vpow2.f32 v9;
	v8 =	vpop (erf)  }
0x18e: {  	v9 =	vpop (erf);
	v8 =	vadd.f32 $-1.000000000e+00, v8  }
0x18f: {  	vm0 =	vgt.f32 v4, $0.0e+00;
	v10 =	vpop (erf);
	v9 =	vadd.f32 $-1.000000000e+00, v9  }
0x190: {  	vm9 =	vgt.f32 v5, $0.0e+00;
	v11 =	vpop (erf);
	v4 =	vsel vm0, v4, v8  }
0x191: {  	[tilespmem:$0xC380] =	vst v4;
	v4 =	vsel vm9, v5, v9;
	v5 =	vadd.f32 $-1.000000000e+00, v11  }
0x192: {  	v8 =	vadd.f32 $-1.000000000e+00, v10  }
0x193: {  	vm10 =	vgt.f32 v6, $0.0e+00;
	v10 =	vpop (erf)  }
0x194: {  	vm11 =	vgt.f32 v1, $0.0e+00;
	[tilespmem:$0xC390] =	vst v4;
	v4 =	vsel vm10, v6, v8;
	v6 =	vadd.f32 $-1.000000000e+00, v10;
	v9 =	vpop (erf)  }
0x195: {  	vm12 =	vgt.f32 v2, $0.0e+00;
	[tilespmem:$0xC3A0] =	vst v4;
	v1 =	vsel vm11, v1, v5;
	v4 =	vadd.f32 $-1.000000000e+00, v9;
	v5 =	vpop (erf)  }
0x196: {  	vm13 =	vgt.f32 v7, $0.0e+00;
	[tilespmem:$0xC3B0] =	vst v1;
	v1 =	vsel vm12, v2, v6;
	v2 =	vadd.f32 $-1.000000000e+00, v5;
	v5 =	vpop (erf)  }
0x197: {  	vm14 =	vgt.f32 v0, $0.0e+00;
	[tilespmem:$0xC3C0] =	vst v1;
	v1 =	vsel vm13, v7, v4;
	v4 =	vadd.f32 $-1.000000000e+00, v5  }
0x198: {  	vm15 =	vgt.f32 v3, $0.0e+00;
	[tilespmem:$0xC3D0] =	vst v1;
	v0 =	vsel vm14, v0, v2  }
0x199: {  	[tilespmem:$0xC3E0] =	vst v0;
	v0 =	vsel vm15, v3, v4  }
0x19a: {  	[tilespmem:$0xC3F0] =	vst v0  }
0x19b: {  	p3 =	seq.s32 s29, $0x13;
	_ =	swait.ge [sflag:s23], $0x4000  }
0x19c: {  	s3 =	sadd.s32 @!p3 $0x100, s3;
	[sflag:s23] =	ssyncset.done $0x0  }
0x19d: {  	s8 =	simm.s32 @!p3 $0x3D80;
	s7 =	simm.s32 @!p3 $0x80;
	[sflag:s23] =	ssyncadd.s32 $0xFFFFC000  }
0x19e: {  	[tilespmem:s8], [sflag:$0x1] =	stream.indirect.gather @!p3 [spmem:s2], $0x80, s3, s7, $0xb8;
	[tilespmem:$0x1FE80] =	vst v63  }
0x19f: {  	s3 =	sshll.u32 s31, $0x2  }
0x1a0: {  	v0 =	vld [tilespmem:s0+$0x0];
	s31 =	sadd.s32 s25, s3  }
0x1a1: {  	v1 =	vmov s31  }
0x1a2: {  	v2 =	vld [tilespmem:s0+$0x10];
	v1 =	vand.u32 $0xFFFFFFFC, v1  }
0x1a3: {  	v1 =	vbroadcast v1, $0x0;
	_ =	sdelay $0x4  }
0x1a4: {  	v0 =	vld.idx.msk [tilespmem:v0+s17+$0x0], $0xffff  }
0x1a5: {  	v1 =	vld.idx.msk [tilespmem:v1+s16+$0x0], $0xffff  }
0x1a6: {  	v2 =	vld.idx.msk [tilespmem:v2+s17+$0x0], $0xffff;
	_ =	sdelay $0x3  }
0x1a7: {  	v0 =	vadd.f32 v1, v0  }
0x1a8: {  	v1 =	vadd.f32 v1, v2  }
0x1a9: {  	v2 =	vmul.f32 $2.000000030e-01, v0  }
0x1aa: {  	v3 =	vmul.f32 $2.000000030e-01, v1  }
0x1ab: {  	v0 =	vmax.f32 v0, v2  }
0x1ac: {  	v1 =	vmax.f32 v1, v3;
	v0 =	vmul.f32 $1.442695020e+00, v0  }
0x1ad: {  	v1 =	vmul.f32 $1.442695020e+00, v1  }
0x1ae: {  	(erf) = vpow2.f32 v0  }
0x1af: {  	(erf) = vpow2.f32 v1;
	_ =	sdelay $0x4  }
0x1b0: {  	s7 =	simm.s32 $0x0  }
0x1b1: {  	v0 =	vmov s7;
	_ =	sdelay $0x1  }
0x1b2: {  	v1 =	vpop (erf)  }
0x1b3: {  	v2 =	vpop (erf);
	[tilespmem:$0xBD80] =	vst v1  }
0x1b4: {  	[tilespmem:$0xBD90] =	vst v2  }
0x1b5: {  	s8 =	simm.s32 $0x7DC0;
	v10 =	vld.idx.msk [tilespmem:v0+s22+$0x0], $0xffff  }
0x1b6: {  	v0 =	vld [tilespmem:s8+$0x30]  }
0x1b7: {  	v3 =	vld [tilespmem:s8+$0xFFFFFFC0]  }
0x1b8: {  	v4 =	vld [tilespmem:s8+$0xFFFFFFD0]  }
0x1b9: {  	s10 =	simm.s32 $0x1;
	v6 =	vld [tilespmem:s8+$0xFFFFFFE0]  }
0x1ba: {  	v5 =	vmov s10;
	v7 =	vld [tilespmem:s8+$0xFFFFFFF0]  }
0x1bb: {  	v9 =	vld [tilespmem:s8+$0x0]  }
0x1bc: {  	v14 =	vld [tilespmem:s8+$0x10]  }
0x1bd: {  	v17 =	vld [tilespmem:s8+$0x20]  }
0x1be: {  	v8 =	vimm.f32 $0.0e+00;
	s31 =	simm.s32 $0x2;
	v11 =	vmul.f32 v0, v10  }
0x1bf: {  	s0 =	simm.s32 $0x7E40;
	v15 =	vmov s31;
	v12 =	vmul.f32 v3, v10;
	v13 =	vmul.f32 v4, v10;
	v0 =	vld.idx.msk [tilespmem:v5+s22+$0x0], $0xffff  }
0x1c0: {  	v6 =	vmul.f32 v6, v10;
	v7 =	vmul.f32 v7, v10;
	v3 =	vadd.f32 v11, v8;
	v11 =	vld [tilespmem:s0+$0x30]  }
0x1c1: {  	v9 =	vmul.f32 v9, v10;
	v16 =	vmul.f32 v14, v10;
	v4 =	vadd.f32 v12, v8;
	v12 =	vld [tilespmem:s0+$0xFFFFFFC0]  }
0x1c2: {  	v17 =	vmul.f32 v17, v10;
	v5 =	vadd.f32 v13, v8;
	v6 =	vadd.f32 v6, v8;
	v13 =	vld [tilespmem:s0+$0xFFFFFFD0]  }
0x1c3: {  	s7 =	simm.s32 $0x3;
	v14 =	vld [tilespmem:s0+$0xFFFFFFE0];
	v10 =	vimm.f32 $0.0e+00;
	v7 =	vadd.f32 v7, v8;
	v9 =	vadd.f32 v9, v8  }
.LBB2_12:
0x1c4: {  	p3 =	sne.s32 s7, $0x1F;
	v18 =	vld [tilespmem:s0+$0xFFFFFFF0];
	v8 =	vadd.f32 v16, v8  }
0x1c5: {  	v16 =	vld [tilespmem:s0+$0x0];
	v11 =	vmul.f32 v11, v0;
	v10 =	vadd.f32 v17, v10;
	v17 =	vmov v0  }
0x1c6: {  	v12 =	vmul.f32 v12, v17;
	v19 =	vld [tilespmem:s0+$0x10]  }
0x1c7: {  	v13 =	vmul.f32 v13, v17;
	v20 =	vld [tilespmem:s0+$0x20];
	v3 =	vadd.f32 v11, v3  }
.Ltmp4:
0x1c8: {  	s0 =	sadd.s32 $0x80, s0;
	v0 =	vld.idx.msk [tilespmem:v15+s22+$0x0], $0xffff;
	v4 =	vadd.f32 v12, v4;
	v14 =	vmul.f32 v14, v17;
	(pc) =	sbr.rel @p3 .LBB2_12-.Ltmp4, $4  }
0x1c9: {  	v11 =	vld [tilespmem:s0+$0x30];
	v5 =	vadd.f32 v13, v5;
	v15 =	vmul.f32 v18, v17  }
0x1ca: {  	v12 =	vld [tilespmem:s0+$0xFFFFFFC0];
	v6 =	vadd.f32 v14, v6;
	v18 =	vmul.f32 v16, v17  }
0x1cb: {  	v13 =	vld [tilespmem:s0+$0xFFFFFFD0];
	v7 =	vadd.f32 v15, v7;
	v16 =	vmul.f32 v19, v17  }
0x1cc: {  	v15 =	vmov s7;
	s7 =	sadd.s32 $0x1, s7;
	v14 =	vld [tilespmem:s0+$0xFFFFFFE0];
	v9 =	vadd.f32 v18, v9;
	v17 =	vmul.f32 v20, v17  }
0x1cd: {  	v1 =	vadd.f32 v2, v1;
	_ =	sdelay $0x1  }
0x1ce: {  	(xrf2) =	vadd.scan.msk.f32 $0xffff, v1;
	_ =	sdelay $0x4  }
0x1cf: {  	v2 =	vld [tilespmem:s0+$0x0]  }
0x1d0: {  	v18 =	vld [tilespmem:s0+$0x10]  }
0x1d1: {  	v19 =	vld [tilespmem:s0+$0x20]  }
0x1d2: {  	v15 =	vld.idx.msk [tilespmem:v15+s22+$0x0], $0xffff;
	s10 =	sadd.s32 $0x80, s0  }
0x1d3: {  	v21 =	vld [tilespmem:s10+$0x30]  }
0x1d4: {  	v22 =	vld [tilespmem:s10+$0xFFFFFFC0];
	v20, _, _ =	vpop (xrf2)  }
0x1d5: {  	v63 =	vld [tilespmem:s10+$0xFFFFFFD0];
	v20 =	vbroadcast v20, $0xF  }
0x1d6: {  	v11 =	vmul.f32 v11, v0;
	v1 =	vld [tilespmem:s0+$0xFFFFFFF0]  }
0x1d7: {  	v8 =	vadd.f32 v16, v8;
	v16 =	vld [tilespmem:s10+$0xFFFFFFE0];
	(erf) = vrcp.f32 v20  }
0x1d8: {  	v12 =	vmul.f32 v12, v0;
	v13 =	vmul.f32 v13, v0;
	v3 =	vadd.f32 v11, v3;
	v11 =	vld [tilespmem:s10+$0x0]  }
0x1d9: {  	v10 =	vadd.f32 v17, v10;
	v17 =	vld [tilespmem:s10+$0xFFFFFFF0];
	v14 =	vmul.f32 v14, v0;
	v2 =	vmul.f32 v2, v0  }
0x1da: {  	v4 =	vadd.f32 v12, v4;
	v12 =	vld [tilespmem:s10+$0x10];
	v5 =	vadd.f32 v13, v5;
	v13 =	vmul.f32 v22, v15  }
0x1db: {  	v6 =	vadd.f32 v14, v6;
	v14 =	vld [tilespmem:s10+$0x20];
	v1 =	vmul.f32 v1, v0;
	v2 =	vadd.f32 v2, v9  }
0x1dc: {  	v9 =	vmul.f32 v63, v15;
	v4 =	vadd.f32 v13, v4;
	v13 =	vmul.f32 v16, v15  }
0x1dd: {  	v11 =	vmul.f32 v11, v15;
	v1 =	vadd.f32 v1, v7;
	v7 =	vmul.f32 v18, v0  }
0x1de: {  	v0 =	vmul.f32 v19, v0;
	v5 =	vadd.f32 v9, v5;
	v9 =	vmul.f32 v17, v15  }
0x1df: {  	v18 =	vmul.f32 v21, v15;
	v12 =	vmul.f32 v12, v15;
	v6 =	vadd.f32 v13, v6  }
0x1e0: {  	v1 =	vadd.f32 v9, v1;
	v9 =	vmul.f32 v14, v15;
	v7 =	vadd.f32 v7, v8;
	v16 =	vpop (erf)  }
0x1e1: {  	v2 =	vadd.f32 v11, v2;
	v4 =	vmul.f32 v4, v16;
	v5 =	vmul.f32 v5, v16  }
0x1e2: {  	v7 =	vadd.f32 v12, v7;
	v6 =	vmul.f32 v6, v16;
	v1 =	vmul.f32 v1, v16  }
0x1e3: {  	v0 =	vadd.f32 v0, v10;
	v2 =	vmul.f32 v2, v16;
	v8 =	vmul.f32 $1.442695020e+00, v4  }
0x1e4: {  	v7 =	vmul.f32 v7, v16;
	v10 =	vmul.f32 $1.442695020e+00, v5  }
0x1e5: {  	v0 =	vadd.f32 v9, v0;
	(erf) = vpow2.f32 v8;
	v8 =	vmul.f32 $1.442695020e+00, v6  }
0x1e6: {  	(erf) = vpow2.f32 v10;
	v10 =	vmul.f32 $1.442695020e+00, v1  }
0x1e7: {  	v3 =	vadd.f32 v18, v3;
	v0 =	vmul.f32 v0, v16;
	(erf) = vpow2.f32 v8  }
0x1e8: {  	v8 =	vmul.f32 $1.442695020e+00, v2;
	(erf) = vpow2.f32 v10  }
0x1e9: {  	v3 =	vmul.f32 v3, v16;
	v9 =	vmul.f32 $1.442695020e+00, v7  }
0x1ea: {  	(erf) = vpow2.f32 v8;
	v8 =	vmul.f32 $1.442695020e+00, v0  }
0x1eb: {  	(erf) = vpow2.f32 v9;
	v9 =	vmul.f32 $1.442695020e+00, v3;
	_ =	sdelay $0x1  }
0x1ec: {  	(erf) = vpow2.f32 v8  }
0x1ed: {  	(erf) = vpow2.f32 v9;
	v8 =	vpop (erf)  }
0x1ee: {  	v9 =	vpop (erf);
	v8 =	vadd.f32 $-1.000000000e+00, v8  }
0x1ef: {  	vm0 =	vgt.f32 v4, $0.0e+00;
	v10 =	vpop (erf);
	v9 =	vadd.f32 $-1.000000000e+00, v9  }
0x1f0: {  	vm9 =	vgt.f32 v5, $0.0e+00;
	v11 =	vpop (erf);
	v4 =	vsel vm0, v4, v8  }
0x1f1: {  	[tilespmem:$0xC400] =	vst v4;
	v4 =	vsel vm9, v5, v9;
	v5 =	vadd.f32 $-1.000000000e+00, v11  }
0x1f2: {  	v8 =	vadd.f32 $-1.000000000e+00, v10  }
0x1f3: {  	vm10 =	vgt.f32 v6, $0.0e+00;
	v10 =	vpop (erf)  }
0x1f4: {  	vm11 =	vgt.f32 v1, $0.0e+00;
	[tilespmem:$0xC410] =	vst v4;
	v4 =	vsel vm10, v6, v8;
	v6 =	vadd.f32 $-1.000000000e+00, v10;
	v9 =	vpop (erf)  }
0x1f5: {  	vm12 =	vgt.f32 v2, $0.0e+00;
	[tilespmem:$0xC420] =	vst v4;
	v1 =	vsel vm11, v1, v5;
	v4 =	vadd.f32 $-1.000000000e+00, v9;
	v5 =	vpop (erf)  }
0x1f6: {  	vm13 =	vgt.f32 v7, $0.0e+00;
	[tilespmem:$0xC430] =	vst v1;
	v1 =	vsel vm12, v2, v6;
	v2 =	vadd.f32 $-1.000000000e+00, v5;
	v5 =	vpop (erf)  }
0x1f7: {  	vm14 =	vgt.f32 v0, $0.0e+00;
	[tilespmem:$0xC440] =	vst v1;
	v1 =	vsel vm13, v7, v4;
	v4 =	vadd.f32 $-1.000000000e+00, v5  }
0x1f8: {  	s31 =	sor.u32 $0x1, s3;
	vm15 =	vgt.f32 v3, $0.0e+00;
	[tilespmem:$0xC450] =	vst v1;
	v0 =	vsel vm14, v0, v2  }
0x1f9: {  	s0 =	sadd.s32 s25, s31;
	[tilespmem:$0xC460] =	vst v0;
	v0 =	vsel vm15, v3, v4  }
0x1fa: {  	s7 =	sshll.u32 s31, $0x5;
	v1 =	vmov s0;
	[tilespmem:$0xC470] =	vst v0  }
0x1fb: {  	v1 =	vand.u32 $0xFFFFFFFD, v1;
	v0 =	vld [tilespmem:s7+$0x0];
	s7 =	sor.u32 $0x30, s7  }
0x1fc: {  	v1 =	vbroadcast v1, $0x0;
	v2 =	vld [tilespmem:s7+$0x0];
	_ =	sdelay $0x5  }
0x1fd: {  	v1 =	vld.idx.msk [tilespmem:v1+s16+$0x0], $0xffff  }
0x1fe: {  	v0 =	vld.idx.msk [tilespmem:v0+s17+$0x0], $0xffff  }
0x1ff: {  	v2 =	vld.idx.msk [tilespmem:v2+s17+$0x0], $0xffff;
	_ =	sdelay $0x3  }
0x200: {  	v0 =	vadd.f32 v1, v0  }
0x201: {  	v1 =	vadd.f32 v1, v2  }
0x202: {  	v2 =	vmul.f32 $2.000000030e-01, v0  }
0x203: {  	v3 =	vmul.f32 $2.000000030e-01, v1  }
0x204: {  	v0 =	vmax.f32 v0, v2  }
0x205: {  	v1 =	vmax.f32 v1, v3;
	v0 =	vmul.f32 $1.442695020e+00, v0  }
0x206: {  	v1 =	vmul.f32 $1.442695020e+00, v1  }
0x207: {  	(erf) = vpow2.f32 v0  }
0x208: {  	(erf) = vpow2.f32 v1;
	_ =	sdelay $0x4  }
0x209: {  	s7 =	simm.s32 $0x0  }
0x20a: {  	v0 =	vmov s7;
	_ =	sdelay $0x1  }
0x20b: {  	v1 =	vpop (erf)  }
0x20c: {  	v2 =	vpop (erf);
	[tilespmem:$0xBD80] =	vst v1  }
0x20d: {  	[tilespmem:$0xBD90] =	vst v2  }
0x20e: {  	s8 =	simm.s32 $0x8DF0;
	v10 =	vld.idx.msk [tilespmem:v0+s22+$0x0], $0xffff  }
0x20f: {  	v0 =	vld [tilespmem:s8+$0x0]  }
0x210: {  	v3 =	vld [tilespmem:s8+$0xFFFFFF90]  }
0x211: {  	v4 =	vld [tilespmem:s8+$0xFFFFFFA0]  }
0x212: {  	s10 =	simm.s32 $0x1;
	v6 =	vld [tilespmem:s8+$0xFFFFFFB0]  }
0x213: {  	v5 =	vmov s10;
	v7 =	vld [tilespmem:s8+$0xFFFFFFC0]  }
0x214: {  	v9 =	vld [tilespmem:s8+$0xFFFFFFD0]  }
0x215: {  	v14 =	vld [tilespmem:s8+$0xFFFFFFE0]  }
0x216: {  	s31 =	simm.s32 $0x2;
	v17 =	vld [tilespmem:s8+$0xFFFFFFF0]  }
0x217: {  	v15 =	vmov s31;
	v11 =	vmul.f32 v0, v10  }
0x218: {  	v8 =	vimm.f32 $0.0e+00;
	s0 =	simm.s32 $0x8E70;
	v12 =	vmul.f32 v3, v10;
	v13 =	vmul.f32 v4, v10;
	v0 =	vld.idx.msk [tilespmem:v5+s22+$0x0], $0xffff  }
0x219: {  	v6 =	vmul.f32 v6, v10;
	v7 =	vmul.f32 v7, v10;
	v3 =	vadd.f32 v11, v8;
	v11 =	vld [tilespmem:s0+$0x0]  }
0x21a: {  	v9 =	vmul.f32 v9, v10;
	v16 =	vmul.f32 v14, v10;
	v4 =	vadd.f32 v12, v8;
	v12 =	vld [tilespmem:s0+$0xFFFFFF90]  }
0x21b: {  	v17 =	vmul.f32 v17, v10;
	v5 =	vadd.f32 v13, v8;
	v6 =	vadd.f32 v6, v8;
	v13 =	vld [tilespmem:s0+$0xFFFFFFA0]  }
0x21c: {  	s7 =	simm.s32 $0x3;
	v14 =	vld [tilespmem:s0+$0xFFFFFFB0];
	v10 =	vimm.f32 $0.0e+00;
	v7 =	vadd.f32 v7, v8;
	v9 =	vadd.f32 v9, v8  }
.LBB2_14:
0x21d: {  	p3 =	sne.s32 s7, $0x1F;
	v18 =	vld [tilespmem:s0+$0xFFFFFFC0];
	v8 =	vadd.f32 v16, v8  }
0x21e: {  	v16 =	vld [tilespmem:s0+$0xFFFFFFD0];
	v11 =	vmul.f32 v11, v0;
	v10 =	vadd.f32 v17, v10;
	v17 =	vmov v0  }
0x21f: {  	v12 =	vmul.f32 v12, v17;
	v19 =	vld [tilespmem:s0+$0xFFFFFFE0]  }
0x220: {  	v13 =	vmul.f32 v13, v17;
	v20 =	vld [tilespmem:s0+$0xFFFFFFF0];
	v3 =	vadd.f32 v11, v3  }
.Ltmp5:
0x221: {  	s0 =	sadd.s32 $0x80, s0;
	v0 =	vld.idx.msk [tilespmem:v15+s22+$0x0], $0xffff;
	v4 =	vadd.f32 v12, v4;
	v14 =	vmul.f32 v14, v17;
	(pc) =	sbr.rel @p3 .LBB2_14-.Ltmp5, $4  }
0x222: {  	v11 =	vld [tilespmem:s0+$0x0];
	v5 =	vadd.f32 v13, v5;
	v15 =	vmul.f32 v18, v17  }
0x223: {  	v12 =	vld [tilespmem:s0+$0xFFFFFF90];
	v6 =	vadd.f32 v14, v6;
	v18 =	vmul.f32 v16, v17  }
0x224: {  	v13 =	vld [tilespmem:s0+$0xFFFFFFA0];
	v7 =	vadd.f32 v15, v7;
	v16 =	vmul.f32 v19, v17  }
0x225: {  	v15 =	vmov s7;
	s7 =	sadd.s32 $0x1, s7;
	v14 =	vld [tilespmem:s0+$0xFFFFFFB0];
	v9 =	vadd.f32 v18, v9;
	v17 =	vmul.f32 v20, v17  }
0x226: {  	v1 =	vadd.f32 v2, v1;
	_ =	sdelay $0x1  }
0x227: {  	(xrf2) =	vadd.scan.msk.f32 $0xffff, v1;
	_ =	sdelay $0x4  }
0x228: {  	v2 =	vld [tilespmem:s0+$0xFFFFFFD0]  }
0x229: {  	v18 =	vld [tilespmem:s0+$0xFFFFFFE0]  }
0x22a: {  	v19 =	vld [tilespmem:s0+$0xFFFFFFF0]  }
0x22b: {  	v15 =	vld.idx.msk [tilespmem:v15+s22+$0x0], $0xffff;
	s10 =	sadd.s32 $0x80, s0  }
0x22c: {  	v21 =	vld [tilespmem:s10+$0x0]  }
0x22d: {  	v22 =	vld [tilespmem:s10+$0xFFFFFF90];
	v20, _, _ =	vpop (xrf2)  }
0x22e: {  	v63 =	vld [tilespmem:s10+$0xFFFFFFA0];
	v20 =	vbroadcast v20, $0xF  }
0x22f: {  	v11 =	vmul.f32 v11, v0;
	v1 =	vld [tilespmem:s0+$0xFFFFFFC0]  }
0x230: {  	v8 =	vadd.f32 v16, v8;
	v16 =	vld [tilespmem:s10+$0xFFFFFFB0];
	(erf) = vrcp.f32 v20  }
0x231: {  	v12 =	vmul.f32 v12, v0;
	v13 =	vmul.f32 v13, v0;
	v3 =	vadd.f32 v11, v3;
	v11 =	vld [tilespmem:s10+$0xFFFFFFD0]  }
0x232: {  	v10 =	vadd.f32 v17, v10;
	v17 =	vld [tilespmem:s10+$0xFFFFFFC0];
	v14 =	vmul.f32 v14, v0;
	v2 =	vmul.f32 v2, v0  }
0x233: {  	v4 =	vadd.f32 v12, v4;
	v12 =	vld [tilespmem:s10+$0xFFFFFFE0];
	v5 =	vadd.f32 v13, v5;
	v13 =	vmul.f32 v22, v15  }
0x234: {  	v6 =	vadd.f32 v14, v6;
	v14 =	vld [tilespmem:s10+$0xFFFFFFF0];
	v1 =	vmul.f32 v1, v0;
	v2 =	vadd.f32 v2, v9  }
0x235: {  	v9 =	vmul.f32 v63, v15;
	v4 =	vadd.f32 v13, v4;
	v13 =	vmul.f32 v16, v15  }
0x236: {  	v11 =	vmul.f32 v11, v15;
	v1 =	vadd.f32 v1, v7;
	v7 =	vmul.f32 v18, v0  }
0x237: {  	v0 =	vmul.f32 v19, v0;
	v5 =	vadd.f32 v9, v5;
	v9 =	vmul.f32 v17, v15  }
0x238: {  	v18 =	vmul.f32 v21, v15;
	v12 =	vmul.f32 v12, v15;
	v6 =	vadd.f32 v13, v6  }
0x239: {  	v1 =	vadd.f32 v9, v1;
	v9 =	vmul.f32 v14, v15;
	v7 =	vadd.f32 v7, v8;
	v16 =	vpop (erf)  }
0x23a: {  	v2 =	vadd.f32 v11, v2;
	v4 =	vmul.f32 v4, v16;
	v5 =	vmul.f32 v5, v16  }
0x23b: {  	v7 =	vadd.f32 v12, v7;
	v6 =	vmul.f32 v6, v16;
	v1 =	vmul.f32 v1, v16  }
0x23c: {  	v0 =	vadd.f32 v0, v10;
	v2 =	vmul.f32 v2, v16;
	v8 =	vmul.f32 $1.442695020e+00, v4  }
0x23d: {  	v7 =	vmul.f32 v7, v16;
	v10 =	vmul.f32 $1.442695020e+00, v5  }
0x23e: {  	v0 =	vadd.f32 v9, v0;
	(erf) = vpow2.f32 v8;
	v8 =	vmul.f32 $1.442695020e+00, v6  }
0x23f: {  	(erf) = vpow2.f32 v10;
	v10 =	vmul.f32 $1.442695020e+00, v1  }
0x240: {  	v3 =	vadd.f32 v18, v3;
	v0 =	vmul.f32 v0, v16;
	(erf) = vpow2.f32 v8  }
0x241: {  	v8 =	vmul.f32 $1.442695020e+00, v2;
	(erf) = vpow2.f32 v10  }
0x242: {  	v3 =	vmul.f32 v3, v16;
	v9 =	vmul.f32 $1.442695020e+00, v7  }
0x243: {  	(erf) = vpow2.f32 v8;
	v8 =	vmul.f32 $1.442695020e+00, v0  }
0x244: {  	(erf) = vpow2.f32 v9;
	v9 =	vmul.f32 $1.442695020e+00, v3;
	_ =	sdelay $0x1  }
0x245: {  	(erf) = vpow2.f32 v8  }
0x246: {  	(erf) = vpow2.f32 v9;
	v8 =	vpop (erf)  }
0x247: {  	v9 =	vpop (erf);
	v8 =	vadd.f32 $-1.000000000e+00, v8  }
0x248: {  	vm0 =	vgt.f32 v4, $0.0e+00;
	v10 =	vpop (erf);
	v9 =	vadd.f32 $-1.000000000e+00, v9  }
0x249: {  	vm9 =	vgt.f32 v5, $0.0e+00;
	v11 =	vpop (erf);
	v4 =	vsel vm0, v4, v8  }
0x24a: {  	[tilespmem:$0xC480] =	vst v4;
	v4 =	vsel vm9, v5, v9;
	v5 =	vadd.f32 $-1.000000000e+00, v11  }
0x24b: {  	v8 =	vadd.f32 $-1.000000000e+00, v10  }
0x24c: {  	vm10 =	vgt.f32 v6, $0.0e+00;
	v10 =	vpop (erf)  }
0x24d: {  	vm11 =	vgt.f32 v1, $0.0e+00;
	[tilespmem:$0xC490] =	vst v4;
	v4 =	vsel vm10, v6, v8;
	v6 =	vadd.f32 $-1.000000000e+00, v10;
	v9 =	vpop (erf)  }
0x24e: {  	vm12 =	vgt.f32 v2, $0.0e+00;
	[tilespmem:$0xC4A0] =	vst v4;
	v1 =	vsel vm11, v1, v5;
	v4 =	vadd.f32 $-1.000000000e+00, v9;
	v5 =	vpop (erf)  }
0x24f: {  	vm13 =	vgt.f32 v7, $0.0e+00;
	[tilespmem:$0xC4B0] =	vst v1;
	v1 =	vsel vm12, v2, v6;
	v2 =	vadd.f32 $-1.000000000e+00, v5;
	v5 =	vpop (erf)  }
0x250: {  	vm14 =	vgt.f32 v0, $0.0e+00;
	[tilespmem:$0xC4C0] =	vst v1;
	v1 =	vsel vm13, v7, v4;
	v4 =	vadd.f32 $-1.000000000e+00, v5  }
0x251: {  	s31 =	sor.u32 $0x2, s3;
	vm15 =	vgt.f32 v3, $0.0e+00;
	[tilespmem:$0xC4D0] =	vst v1;
	v0 =	vsel vm14, v0, v2  }
0x252: {  	s0 =	sadd.s32 s25, s31;
	[tilespmem:$0xC4E0] =	vst v0;
	v0 =	vsel vm15, v3, v4  }
0x253: {  	s7 =	sshll.u32 s31, $0x5;
	v1 =	vmov s0;
	[tilespmem:$0xC4F0] =	vst v0  }
0x254: {  	v1 =	vand.u32 $0xFFFFFFFE, v1;
	v0 =	vld [tilespmem:s7+$0x0];
	s7 =	sor.u32 $0x50, s7  }
0x255: {  	v1 =	vbroadcast v1, $0x0;
	v2 =	vld [tilespmem:s7+$0x0];
	_ =	sdelay $0x5  }
0x256: {  	v1 =	vld.idx.msk [tilespmem:v1+s16+$0x0], $0xffff  }
0x257: {  	v0 =	vld.idx.msk [tilespmem:v0+s17+$0x0], $0xffff  }
0x258: {  	v2 =	vld.idx.msk [tilespmem:v2+s17+$0x0], $0xffff;
	_ =	sdelay $0x3  }
0x259: {  	v0 =	vadd.f32 v1, v0  }
0x25a: {  	v1 =	vadd.f32 v1, v2  }
0x25b: {  	v2 =	vmul.f32 $2.000000030e-01, v0  }
0x25c: {  	v3 =	vmul.f32 $2.000000030e-01, v1  }
0x25d: {  	v0 =	vmax.f32 v0, v2  }
0x25e: {  	v1 =	vmax.f32 v1, v3;
	v0 =	vmul.f32 $1.442695020e+00, v0  }
0x25f: {  	v1 =	vmul.f32 $1.442695020e+00, v1  }
0x260: {  	(erf) = vpow2.f32 v0  }
0x261: {  	(erf) = vpow2.f32 v1;
	_ =	sdelay $0x4  }
0x262: {  	s7 =	simm.s32 $0x0  }
0x263: {  	v0 =	vmov s7;
	_ =	sdelay $0x1  }
0x264: {  	v1 =	vpop (erf)  }
0x265: {  	v2 =	vpop (erf);
	[tilespmem:$0xBD80] =	vst v1  }
0x266: {  	[tilespmem:$0xBD90] =	vst v2  }
0x267: {  	s8 =	simm.s32 $0x9DF0;
	v10 =	vld.idx.msk [tilespmem:v0+s22+$0x0], $0xffff  }
0x268: {  	v0 =	vld [tilespmem:s8+$0x0]  }
0x269: {  	v3 =	vld [tilespmem:s8+$0xFFFFFF90]  }
0x26a: {  	v4 =	vld [tilespmem:s8+$0xFFFFFFA0]  }
0x26b: {  	s10 =	simm.s32 $0x1;
	v6 =	vld [tilespmem:s8+$0xFFFFFFB0]  }
0x26c: {  	v5 =	vmov s10;
	v7 =	vld [tilespmem:s8+$0xFFFFFFC0]  }
0x26d: {  	v9 =	vld [tilespmem:s8+$0xFFFFFFD0]  }
0x26e: {  	v14 =	vld [tilespmem:s8+$0xFFFFFFE0]  }
0x26f: {  	s31 =	simm.s32 $0x2;
	v17 =	vld [tilespmem:s8+$0xFFFFFFF0]  }
0x270: {  	v15 =	vmov s31;
	v11 =	vmul.f32 v0, v10  }
0x271: {  	v8 =	vimm.f32 $0.0e+00;
	s0 =	simm.s32 $0x9E70;
	v12 =	vmul.f32 v3, v10;
	v13 =	vmul.f32 v4, v10;
	v0 =	vld.idx.msk [tilespmem:v5+s22+$0x0], $0xffff  }
0x272: {  	v6 =	vmul.f32 v6, v10;
	v7 =	vmul.f32 v7, v10;
	v3 =	vadd.f32 v11, v8;
	v11 =	vld [tilespmem:s0+$0x0]  }
0x273: {  	v9 =	vmul.f32 v9, v10;
	v16 =	vmul.f32 v14, v10;
	v4 =	vadd.f32 v12, v8;
	v12 =	vld [tilespmem:s0+$0xFFFFFF90]  }
0x274: {  	v17 =	vmul.f32 v17, v10;
	v5 =	vadd.f32 v13, v8;
	v6 =	vadd.f32 v6, v8;
	v13 =	vld [tilespmem:s0+$0xFFFFFFA0]  }
0x275: {  	s7 =	simm.s32 $0x3;
	v14 =	vld [tilespmem:s0+$0xFFFFFFB0];
	v10 =	vimm.f32 $0.0e+00;
	v7 =	vadd.f32 v7, v8;
	v9 =	vadd.f32 v9, v8  }
.LBB2_16:
0x276: {  	p3 =	sne.s32 s7, $0x1F;
	v18 =	vld [tilespmem:s0+$0xFFFFFFC0];
	v8 =	vadd.f32 v16, v8  }
0x277: {  	v16 =	vld [tilespmem:s0+$0xFFFFFFD0];
	v11 =	vmul.f32 v11, v0;
	v10 =	vadd.f32 v17, v10;
	v17 =	vmov v0  }
0x278: {  	v12 =	vmul.f32 v12, v17;
	v19 =	vld [tilespmem:s0+$0xFFFFFFE0]  }
0x279: {  	v13 =	vmul.f32 v13, v17;
	v20 =	vld [tilespmem:s0+$0xFFFFFFF0];
	v3 =	vadd.f32 v11, v3  }
.Ltmp6:
0x27a: {  	s0 =	sadd.s32 $0x80, s0;
	v0 =	vld.idx.msk [tilespmem:v15+s22+$0x0], $0xffff;
	v4 =	vadd.f32 v12, v4;
	v14 =	vmul.f32 v14, v17;
	(pc) =	sbr.rel @p3 .LBB2_16-.Ltmp6, $4  }
0x27b: {  	v11 =	vld [tilespmem:s0+$0x0];
	v5 =	vadd.f32 v13, v5;
	v15 =	vmul.f32 v18, v17  }
0x27c: {  	v12 =	vld [tilespmem:s0+$0xFFFFFF90];
	v6 =	vadd.f32 v14, v6;
	v18 =	vmul.f32 v16, v17  }
0x27d: {  	v13 =	vld [tilespmem:s0+$0xFFFFFFA0];
	v7 =	vadd.f32 v15, v7;
	v16 =	vmul.f32 v19, v17  }
0x27e: {  	v15 =	vmov s7;
	s7 =	sadd.s32 $0x1, s7;
	v14 =	vld [tilespmem:s0+$0xFFFFFFB0];
	v9 =	vadd.f32 v18, v9;
	v17 =	vmul.f32 v20, v17  }
0x27f: {  	v1 =	vadd.f32 v2, v1;
	_ =	sdelay $0x1  }
0x280: {  	(xrf2) =	vadd.scan.msk.f32 $0xffff, v1;
	_ =	sdelay $0x4  }
0x281: {  	v2 =	vld [tilespmem:s0+$0xFFFFFFD0]  }
0x282: {  	v18 =	vld [tilespmem:s0+$0xFFFFFFE0]  }
0x283: {  	v19 =	vld [tilespmem:s0+$0xFFFFFFF0]  }
0x284: {  	v15 =	vld.idx.msk [tilespmem:v15+s22+$0x0], $0xffff;
	s10 =	sadd.s32 $0x80, s0  }
0x285: {  	v21 =	vld [tilespmem:s10+$0x0]  }
0x286: {  	v22 =	vld [tilespmem:s10+$0xFFFFFF90];
	v20, _, _ =	vpop (xrf2)  }
0x287: {  	v63 =	vld [tilespmem:s10+$0xFFFFFFA0];
	v20 =	vbroadcast v20, $0xF  }
0x288: {  	v11 =	vmul.f32 v11, v0;
	v1 =	vld [tilespmem:s0+$0xFFFFFFC0]  }
0x289: {  	v8 =	vadd.f32 v16, v8;
	v16 =	vld [tilespmem:s10+$0xFFFFFFB0];
	(erf) = vrcp.f32 v20  }
0x28a: {  	v12 =	vmul.f32 v12, v0;
	v13 =	vmul.f32 v13, v0;
	v3 =	vadd.f32 v11, v3;
	v11 =	vld [tilespmem:s10+$0xFFFFFFD0]  }
0x28b: {  	v10 =	vadd.f32 v17, v10;
	v17 =	vld [tilespmem:s10+$0xFFFFFFC0];
	v14 =	vmul.f32 v14, v0;
	v2 =	vmul.f32 v2, v0  }
0x28c: {  	v4 =	vadd.f32 v12, v4;
	v12 =	vld [tilespmem:s10+$0xFFFFFFE0];
	v5 =	vadd.f32 v13, v5;
	v13 =	vmul.f32 v22, v15  }
0x28d: {  	v6 =	vadd.f32 v14, v6;
	v14 =	vld [tilespmem:s10+$0xFFFFFFF0];
	v1 =	vmul.f32 v1, v0;
	v2 =	vadd.f32 v2, v9  }
0x28e: {  	v9 =	vmul.f32 v63, v15;
	v4 =	vadd.f32 v13, v4;
	v13 =	vmul.f32 v16, v15  }
0x28f: {  	v11 =	vmul.f32 v11, v15;
	v1 =	vadd.f32 v1, v7;
	v7 =	vmul.f32 v18, v0  }
0x290: {  	v0 =	vmul.f32 v19, v0;
	v5 =	vadd.f32 v9, v5;
	v9 =	vmul.f32 v17, v15  }
0x291: {  	v18 =	vmul.f32 v21, v15;
	v12 =	vmul.f32 v12, v15;
	v6 =	vadd.f32 v13, v6  }
0x292: {  	v1 =	vadd.f32 v9, v1;
	v9 =	vmul.f32 v14, v15;
	v7 =	vadd.f32 v7, v8;
	v16 =	vpop (erf)  }
0x293: {  	v2 =	vadd.f32 v11, v2;
	v4 =	vmul.f32 v4, v16;
	v5 =	vmul.f32 v5, v16  }
0x294: {  	v7 =	vadd.f32 v12, v7;
	v6 =	vmul.f32 v6, v16;
	v1 =	vmul.f32 v1, v16  }
0x295: {  	v0 =	vadd.f32 v0, v10;
	v2 =	vmul.f32 v2, v16;
	v8 =	vmul.f32 $1.442695020e+00, v4  }
0x296: {  	v7 =	vmul.f32 v7, v16;
	v10 =	vmul.f32 $1.442695020e+00, v5  }
0x297: {  	v0 =	vadd.f32 v9, v0;
	(erf) = vpow2.f32 v8;
	v8 =	vmul.f32 $1.442695020e+00, v6  }
0x298: {  	(erf) = vpow2.f32 v10;
	v10 =	vmul.f32 $1.442695020e+00, v1  }
0x299: {  	v3 =	vadd.f32 v18, v3;
	v0 =	vmul.f32 v0, v16;
	(erf) = vpow2.f32 v8  }
0x29a: {  	v8 =	vmul.f32 $1.442695020e+00, v2;
	(erf) = vpow2.f32 v10  }
0x29b: {  	v3 =	vmul.f32 v3, v16;
	v9 =	vmul.f32 $1.442695020e+00, v7  }
0x29c: {  	(erf) = vpow2.f32 v8;
	v8 =	vmul.f32 $1.442695020e+00, v0  }
0x29d: {  	(erf) = vpow2.f32 v9;
	v9 =	vmul.f32 $1.442695020e+00, v3;
	_ =	sdelay $0x1  }
0x29e: {  	(erf) = vpow2.f32 v8  }
0x29f: {  	(erf) = vpow2.f32 v9;
	v8 =	vpop (erf)  }
0x2a0: {  	v9 =	vpop (erf);
	v8 =	vadd.f32 $-1.000000000e+00, v8  }
0x2a1: {  	vm0 =	vgt.f32 v4, $0.0e+00;
	v10 =	vpop (erf);
	v9 =	vadd.f32 $-1.000000000e+00, v9  }
0x2a2: {  	vm9 =	vgt.f32 v5, $0.0e+00;
	v11 =	vpop (erf);
	v4 =	vsel vm0, v4, v8  }
0x2a3: {  	[tilespmem:$0xC500] =	vst v4;
	v4 =	vsel vm9, v5, v9;
	v5 =	vadd.f32 $-1.000000000e+00, v11  }
0x2a4: {  	v8 =	vadd.f32 $-1.000000000e+00, v10  }
0x2a5: {  	vm10 =	vgt.f32 v6, $0.0e+00;
	v10 =	vpop (erf)  }
0x2a6: {  	vm11 =	vgt.f32 v1, $0.0e+00;
	[tilespmem:$0xC510] =	vst v4;
	v4 =	vsel vm10, v6, v8;
	v6 =	vadd.f32 $-1.000000000e+00, v10;
	v9 =	vpop (erf)  }
0x2a7: {  	vm12 =	vgt.f32 v2, $0.0e+00;
	[tilespmem:$0xC520] =	vst v4;
	v1 =	vsel vm11, v1, v5;
	v4 =	vadd.f32 $-1.000000000e+00, v9;
	v5 =	vpop (erf)  }
0x2a8: {  	vm13 =	vgt.f32 v7, $0.0e+00;
	[tilespmem:$0xC530] =	vst v1;
	v1 =	vsel vm12, v2, v6;
	v2 =	vadd.f32 $-1.000000000e+00, v5;
	v5 =	vpop (erf)  }
0x2a9: {  	vm14 =	vgt.f32 v0, $0.0e+00;
	[tilespmem:$0xC540] =	vst v1;
	v1 =	vsel vm13, v7, v4;
	v4 =	vadd.f32 $-1.000000000e+00, v5  }
0x2aa: {  	vm15 =	vgt.f32 v3, $0.0e+00;
	[tilespmem:$0xC550] =	vst v1;
	v0 =	vsel vm14, v0, v2  }
0x2ab: {  	s31 =	sor.u32 $0x3, s3;
	[tilespmem:$0xC560] =	vst v0;
	v0 =	vsel vm15, v3, v4  }
0x2ac: {  	s3 =	sshll.u32 s31, $0x5;
	[tilespmem:$0xC570] =	vst v0  }
0x2ad: {  	v0 =	vld [tilespmem:s3+$0x0];
	s3 =	sor.u32 $0x70, s3  }
0x2ae: {  	s0 =	sadd.s32 s25, s31;
	v1 =	vld [tilespmem:s3+$0x0]  }
0x2af: {  	v2 =	vmov s0;
	_ =	sdelay $0x4  }
0x2b0: {  	v2 =	vld.idx.msk [tilespmem:v2+s16+$0x0], $0xffff  }
0x2b1: {  	v0 =	vld.idx.msk [tilespmem:v0+s17+$0x0], $0xffff  }
0x2b2: {  	v1 =	vld.idx.msk [tilespmem:v1+s17+$0x0], $0xffff;
	_ =	sdelay $0x3  }
0x2b3: {  	v0 =	vadd.f32 v2, v0  }
0x2b4: {  	v1 =	vadd.f32 v2, v1  }
0x2b5: {  	v2 =	vmul.f32 $2.000000030e-01, v0  }
0x2b6: {  	v3 =	vmul.f32 $2.000000030e-01, v1  }
0x2b7: {  	v0 =	vmax.f32 v0, v2  }
0x2b8: {  	v1 =	vmax.f32 v1, v3;
	v0 =	vmul.f32 $1.442695020e+00, v0  }
0x2b9: {  	v1 =	vmul.f32 $1.442695020e+00, v1  }
0x2ba: {  	(erf) = vpow2.f32 v0  }
0x2bb: {  	(erf) = vpow2.f32 v1;
	_ =	sdelay $0x4  }
0x2bc: {  	s7 =	simm.s32 $0x0  }
0x2bd: {  	v0 =	vmov s7;
	_ =	sdelay $0x1  }
0x2be: {  	v1 =	vpop (erf)  }
0x2bf: {  	v2 =	vpop (erf);
	[tilespmem:$0xBD80] =	vst v1  }
0x2c0: {  	[tilespmem:$0xBD90] =	vst v2  }
0x2c1: {  	s8 =	simm.s32 $0xADF0;
	v10 =	vld.idx.msk [tilespmem:v0+s22+$0x0], $0xffff  }
0x2c2: {  	v0 =	vld [tilespmem:s8+$0x0]  }
0x2c3: {  	v3 =	vld [tilespmem:s8+$0xFFFFFF90]  }
0x2c4: {  	v4 =	vld [tilespmem:s8+$0xFFFFFFA0]  }
0x2c5: {  	s10 =	simm.s32 $0x1;
	v6 =	vld [tilespmem:s8+$0xFFFFFFB0]  }
0x2c6: {  	v5 =	vmov s10;
	v7 =	vld [tilespmem:s8+$0xFFFFFFC0]  }
0x2c7: {  	v9 =	vld [tilespmem:s8+$0xFFFFFFD0]  }
0x2c8: {  	v14 =	vld [tilespmem:s8+$0xFFFFFFE0]  }
0x2c9: {  	s31 =	simm.s32 $0x2;
	v17 =	vld [tilespmem:s8+$0xFFFFFFF0]  }
0x2ca: {  	v15 =	vmov s31;
	v11 =	vmul.f32 v0, v10  }
0x2cb: {  	v8 =	vimm.f32 $0.0e+00;
	s0 =	simm.s32 $0xAE70;
	v12 =	vmul.f32 v3, v10;
	v13 =	vmul.f32 v4, v10;
	v0 =	vld.idx.msk [tilespmem:v5+s22+$0x0], $0xffff  }
0x2cc: {  	v6 =	vmul.f32 v6, v10;
	v7 =	vmul.f32 v7, v10;
	v3 =	vadd.f32 v11, v8;
	v11 =	vld [tilespmem:s0+$0x0]  }
0x2cd: {  	v9 =	vmul.f32 v9, v10;
	v16 =	vmul.f32 v14, v10;
	v4 =	vadd.f32 v12, v8;
	v12 =	vld [tilespmem:s0+$0xFFFFFF90]  }
0x2ce: {  	v17 =	vmul.f32 v17, v10;
	v5 =	vadd.f32 v13, v8;
	v6 =	vadd.f32 v6, v8;
	v13 =	vld [tilespmem:s0+$0xFFFFFFA0]  }
0x2cf: {  	s3 =	simm.s32 $0x3;
	v14 =	vld [tilespmem:s0+$0xFFFFFFB0];
	v10 =	vimm.f32 $0.0e+00;
	v7 =	vadd.f32 v7, v8;
	v9 =	vadd.f32 v9, v8  }
.LBB2_18:
0x2d0: {  	p3 =	sne.s32 s3, $0x1F;
	v18 =	vld [tilespmem:s0+$0xFFFFFFC0];
	v8 =	vadd.f32 v16, v8  }
0x2d1: {  	v16 =	vld [tilespmem:s0+$0xFFFFFFD0];
	v11 =	vmul.f32 v11, v0;
	v10 =	vadd.f32 v17, v10;
	v17 =	vmov v0  }
0x2d2: {  	v12 =	vmul.f32 v12, v17;
	v19 =	vld [tilespmem:s0+$0xFFFFFFE0]  }
0x2d3: {  	v13 =	vmul.f32 v13, v17;
	v20 =	vld [tilespmem:s0+$0xFFFFFFF0];
	v3 =	vadd.f32 v11, v3  }
.Ltmp7:
0x2d4: {  	s0 =	sadd.s32 $0x80, s0;
	v0 =	vld.idx.msk [tilespmem:v15+s22+$0x0], $0xffff;
	v4 =	vadd.f32 v12, v4;
	v14 =	vmul.f32 v14, v17;
	(pc) =	sbr.rel @p3 .LBB2_18-.Ltmp7, $4  }
0x2d5: {  	v11 =	vld [tilespmem:s0+$0x0];
	v5 =	vadd.f32 v13, v5;
	v15 =	vmul.f32 v18, v17  }
0x2d6: {  	v12 =	vld [tilespmem:s0+$0xFFFFFF90];
	v6 =	vadd.f32 v14, v6;
	v18 =	vmul.f32 v16, v17  }
0x2d7: {  	v13 =	vld [tilespmem:s0+$0xFFFFFFA0];
	v7 =	vadd.f32 v15, v7;
	v16 =	vmul.f32 v19, v17  }
0x2d8: {  	v15 =	vmov s3;
	s3 =	sadd.s32 $0x1, s3;
	v14 =	vld [tilespmem:s0+$0xFFFFFFB0];
	v9 =	vadd.f32 v18, v9;
	v17 =	vmul.f32 v20, v17  }
0x2d9: {  	v1 =	vadd.f32 v2, v1;
	_ =	sdelay $0x1  }
0x2da: {  	(xrf2) =	vadd.scan.msk.f32 $0xffff, v1;
	_ =	sdelay $0x4  }
0x2db: {  	v61 =	vld [tilespmem:s0+$0xFFFFFFC0]  }
0x2dc: {  	v62 =	vld [tilespmem:s0+$0xFFFFFFD0]  }
0x2dd: {  	v18 =	vld [tilespmem:s0+$0xFFFFFFE0]  }
0x2de: {  	v19 =	vld [tilespmem:s0+$0xFFFFFFF0]  }
0x2df: {  	v15 =	vld.idx.msk [tilespmem:v15+s22+$0x0], $0xffff;
	s31 =	sadd.s32 $0x80, s0  }
0x2e0: {  	v21 =	vld [tilespmem:s31+$0x0];
	v20, _, _ =	vpop (xrf2)  }
0x2e1: {  	v22 =	vld [tilespmem:s31+$0xFFFFFF90];
	v20 =	vbroadcast v20, $0xF  }
0x2e2: {  	v8 =	vadd.f32 v16, v8;
	v63 =	vld [tilespmem:s31+$0xFFFFFFA0];
	v11 =	vmul.f32 v11, v0  }
0x2e3: {  	v23 =	vld [tilespmem:s31+$0xFFFFFFB0];
	v10 =	vadd.f32 v17, v10;
	v12 =	vmul.f32 v12, v0;
	(erf) = vrcp.f32 v20  }
0x2e4: {  	v24 =	vld [tilespmem:s31+$0xFFFFFFC0];
	v13 =	vmul.f32 v13, v0;
	v3 =	vadd.f32 v11, v3;
	v14 =	vmul.f32 v14, v0  }
0x2e5: {  	v25 =	vld [tilespmem:s31+$0xFFFFFFD0];
	v4 =	vadd.f32 v12, v4;
	v1 =	vmul.f32 v61, v0;
	v2 =	vmul.f32 v62, v0  }
0x2e6: {  	v26 =	vld [tilespmem:s31+$0xFFFFFFE0];
	v5 =	vadd.f32 v13, v5;
	v27 =	vmul.f32 v18, v0;
	v30 =	vmul.f32 v19, v0  }
0x2e7: {  	v29 =	vld [tilespmem:s31+$0xFFFFFFF0];
	v6 =	vadd.f32 v14, v6;
	v28 =	vmul.f32 v22, v15;
	v31 =	vmul.f32 v63, v15  }
0x2e8: {  	v32 =	vmul.f32 v21, v15;
	v33 =	vmul.f32 v23, v15;
	v1 =	vadd.f32 v1, v7  }
0x2e9: {  	v34 =	vmul.f32 v24, v15;
	v2 =	vadd.f32 v2, v9;
	v7 =	vadd.f32 v27, v8  }
0x2ea: {  	v11 =	vmul.f32 v25, v15;
	v0 =	vadd.f32 v30, v10;
	v4 =	vadd.f32 v28, v4  }
0x2eb: {  	v12 =	vmul.f32 v26, v15;
	v5 =	vadd.f32 v31, v5;
	v6 =	vadd.f32 v33, v6  }
0x2ec: {  	v36 =	vmul.f32 v29, v15;
	v1 =	vadd.f32 v34, v1;
	v2 =	vadd.f32 v11, v2;
	v35 =	vpop (erf)  }
0x2ed: {  	v7 =	vadd.f32 v12, v7;
	v4 =	vmul.f32 v4, v35;
	v5 =	vmul.f32 v5, v35  }
0x2ee: {  	v0 =	vadd.f32 v36, v0;
	v6 =	vmul.f32 v6, v35;
	v1 =	vmul.f32 v1, v35  }
0x2ef: {  	v3 =	vadd.f32 v32, v3;
	v2 =	vmul.f32 v2, v35;
	v7 =	vmul.f32 v7, v35  }
0x2f0: {  	v0 =	vmul.f32 v0, v35;
	v37 =	vmul.f32 $1.442695020e+00, v4  }
0x2f1: {  	v3 =	vmul.f32 v3, v35;
	v38 =	vmul.f32 $1.442695020e+00, v5  }
0x2f2: {  	v39 =	vmul.f32 $1.442695020e+00, v6;
	(erf) = vpow2.f32 v37  }
0x2f3: {  	v40 =	vmul.f32 $1.442695020e+00, v1;
	(erf) = vpow2.f32 v38  }
0x2f4: {  	v41 =	vmul.f32 $1.442695020e+00, v2;
	(erf) = vpow2.f32 v39  }
0x2f5: {  	v42 =	vmul.f32 $1.442695020e+00, v7;
	(erf) = vpow2.f32 v40  }
0x2f6: {  	v43 =	vmul.f32 $1.442695020e+00, v0;
	(erf) = vpow2.f32 v41  }
0x2f7: {  	v44 =	vmul.f32 $1.442695020e+00, v3;
	(erf) = vpow2.f32 v42  }
0x2f8: {  	(erf) = vpow2.f32 v43  }
0x2f9: {  	(erf) = vpow2.f32 v44;
	_ =	sdelay $0x1  }
0x2fa: {  	v45 =	vpop (erf)  }
0x2fb: {  	v46 =	vpop (erf);
	v8 =	vadd.f32 $-1.000000000e+00, v45  }
0x2fc: {  	vm0 =	vgt.f32 v4, $0.0e+00;
	v47 =	vpop (erf);
	v9 =	vadd.f32 $-1.000000000e+00, v46  }
0x2fd: {  	vm9 =	vgt.f32 v5, $0.0e+00;
	v48 =	vpop (erf);
	v4 =	vsel vm0, v4, v8;
	v49 =	vadd.f32 $-1.000000000e+00, v47  }
0x2fe: {  	vm10 =	vgt.f32 v6, $0.0e+00;
	v50 =	vpop (erf);
	[tilespmem:$0xC580] =	vst v4;
	v51 =	vsel vm9, v5, v9;
	v52 =	vadd.f32 $-1.000000000e+00, v48  }
0x2ff: {  	vm11 =	vgt.f32 v1, $0.0e+00;
	v53 =	vpop (erf);
	[tilespmem:$0xC590] =	vst v51;
	v54 =	vsel vm10, v6, v49;
	v55 =	vadd.f32 $-1.000000000e+00, v50  }
0x300: {  	vm12 =	vgt.f32 v2, $0.0e+00;
	v56 =	vpop (erf);
	[tilespmem:$0xC5A0] =	vst v54;
	v1 =	vsel vm11, v1, v52;
	v57 =	vadd.f32 $-1.000000000e+00, v53  }
0x301: {  	vm13 =	vgt.f32 v7, $0.0e+00;
	[tilespmem:$0xC5B0] =	vst v1;
	v58 =	vsel vm12, v2, v55;
	v59 =	vadd.f32 $-1.000000000e+00, v56;
	v60 =	vpop (erf)  }
0x302: {  	vm14 =	vgt.f32 v0, $0.0e+00;
	[tilespmem:$0xC5C0] =	vst v58;
	v61 =	vsel vm13, v7, v57;
	v62 =	vadd.f32 $-1.000000000e+00, v60  }
0x303: {  	vm15 =	vgt.f32 v3, $0.0e+00;
	[tilespmem:$0xC5D0] =	vst v61;
	v0 =	vsel vm14, v0, v59  }
0x304: {  	[tilespmem:$0xC5E0] =	vst v0;
	v63 =	vsel vm15, v3, v62  }
0x305: {  	s0 =	simm.s32 @!p2 $0x3;
	[tilespmem:$0xC5F0] =	vst v63  }
0x306: {  	_ =	swait.ge @!p2 [sflag:s0], $0x400  }
0x307: {  	s3 =	simm.s32 @!p2 $0x0;
	[sflag:s0] =	ssyncset.done @!p2 $0x0  }
0x308: {  	s29 =	sadd.s32 $0x1, s29;
	[sflag:s0] =	ssyncadd.s32 @!p2 $0xFFFFFC00;
	s0 =	sshll.u32 @!p2 s30, $0x5  }
0x309: {  	s7 =	simm.s32 @!p2 $0xBE00;
	p3 =	sne.s32 s29, $0x14;
	s0 =	sadd.s32 @!p2 s1, s0  }
0x30a: {  	[hbm4b:s0+s3] =	stream.linear.scatter @!p2 [tilespmem:s7], [sflag:$0x4], $0x800, $0x38;
	[tilespmem:$0x1FE80] =	vst v63  }
.Ltmp8:
0x30b: {  	_ = 	snop;
	(pc) =	sbr.rel @p3 .LBB2_3-.Ltmp8, $4  }
0x30c: {  	s0 =	simm.s32 @!p2 $0x4  }
0x30d: {  	_ =	swait.ge @!p2 [sflag:s0], $0x800  }
0x30e: {  	[sflag:s0] =	ssyncset.done @!p2 $0x0  }
0x30f: {  	[sflag:s0] =	ssyncadd.s32 @!p2 $0xFFFFF800  }
.Ltmp9:
0x310: {  	(pc) =	sbr.rel @p1 .LBB2_2-.Ltmp9, $2  }
0x311: {  	_ =	sdelay $0x2  }
0x312: {  	s25 =	simm.s32 $0xA0;
	p2 =	por $0x0, $0x0  }
0x313: {  	s24 =	sadd.s32 $0x1, s24  }
0x314: {  	p1 =	sne.s32 s24, s12  }
.Ltmp10:
0x315: {  	_ = 	snop;
	(pc) =	sbr.rel @p1 .LBB2_1-.Ltmp10, $1  }
0x316: {  	_ =	sdelay $0x3  }
0x317: {  	_ =	sfence.sel $0x180000  }
0x318: {  	[bflag:$0x0] =	sbarrier.arrive $0xFFFF  }
0x319: {  	_ =	strace $0x90000047  }
0x31a: {  	[bflag:$0x2] =	sbarrier.arrive $0xFFFF  }
0x31b: {  	s0 =	rddreg [dreg:$0x3]  }
0x31c: {  	s0 =	sadd.s32 @!p0 $0x100000, s0  }
0x31d: {  	[sflag:s0] =	ssyncadd.tile.s32 @!p0 $0x1;
	_ =	shalt  }
.Lfunc_end2:
_tile_overlayer_lowered:
.L_overlay_start_2:
0x31e: {  	(tag) =	ssettag $0x2  }
0x31f: {  	s0 =	rddreg [dreg:$0x0];
	s2 =	stileid.u32  }
0x320: {  	s1 =	rddreg [dreg:$0x1];
	p0 =	sne.s32 s2, $0x0  }
0x321: {  	s3 =	rddreg [dreg:$0x2];
	[bflag:$0x3] =	sbarrier.arrive $0xFFFF;
	s2 =	simm.s32 @!p0 $0x1C04  }
0x322: {  	[timem:s3], [sflag:s2] =	dma.local @!p0 [hbm:s0], s1  }
0x323: {  	s0 =	simm.s32 @!p0 $0x4  }
0x324: {  	_ =	swait.ge @!p0 [sflag:s0], s1  }
0x325: {  	s1 =	ssub.s32 @!p0 $0x0, s1;
	[sflag:s0] =	ssyncset.done @!p0 $0x0  }
0x326: {  	[sflag:s0] =	ssyncadd.s32 @!p0 s1  }
0x327: {  	[bflag:$0x3] =	sbarrier.arrive $0xFFFF  }
0x328: {  	_ =	shalt  }

</sc_bundles>
